<compile_context>
chip_gen: v7x
topology: tpu7x:2x2x1
jax: 0.10.2.dev20260603
libtpu: 0.0.44.dev20260713+nightly
codegen_flags: <defaults>
</compile_context>

<pallas_src>
import jax
import jax.numpy as jnp
import numpy as np
from jax import lax
from jax.experimental import pallas as pl
from jax.experimental.pallas import tpu as pltpu
from jax.experimental.pallas import tpu_sc as plsc

N = 10000
E = 320000
D = 128
NP = 10240
NC, NS = 2, 16
NW = NC * NS
EPW = 10240
EPAD = NW * EPW
CH = 128
NCHUNK = EPW // CH
RB = 1024
GRID = 10
RBT = N // GRID
RPS = NP // NS
K4 = NCHUNK // 4


def _sc_mesh():
    return plsc.VectorSubcoreMesh(
        core_axis_name="c", subcore_axis_name="s", num_cores=NC, num_subcores=NS
    )



def _deg_body(dst_hbm, zeros_hbm, out_hbm, dst_v, ones_v, acc):
    c = lax.axis_index("c")
    s = lax.axis_index("s")
    wid = c * NS + s
    pltpu.sync_copy(zeros_hbm.at[pl.ds(s * RPS, RPS)], acc.at[pl.ds(s * RPS, RPS)])
    pltpu.sync_copy(dst_hbm.at[wid], dst_v)
    for j in range(CH // 16):
        ones_v[pl.ds(j * 16, 16)] = jnp.full((16,), 1.0, jnp.float32)
    plsc.subcore_barrier()

    def body(i, carry):
        pltpu.sync_copy(ones_v, acc.at[dst_v.at[i]], add=True)
        return carry

    lax.fori_loop(0, NCHUNK, body, 0)
    plsc.subcore_barrier()
    pltpu.sync_copy(acc.at[pl.ds(s * RPS, RPS)], out_hbm.at[c].at[pl.ds(s * RPS, RPS)])


def _make_deg():
    return pl.kernel(
        _deg_body,
        out_type=jax.ShapeDtypeStruct((NC, NP), jnp.float32),
        mesh=_sc_mesh(),
        scratch_types=[
            pltpu.VMEM((NCHUNK, CH), jnp.int32),
            pltpu.VMEM((CH,), jnp.float32),
            pltpu.VMEM_SHARED((NP,), jnp.float32),
        ],
    )


def _prop_body(table_hbm, src_hbm, dst_hbm, zeros_hbm, out_hbm,
               src_w, dst_w, rb0, rb1, acc,
               ia, ib, g0, g1, t0, t1):
    rb = (rb0, rb1)
    gsem = (g0, g1)
    ssem = (t0, t1)
    isem = (ia, ib)
    c = lax.axis_index("c")
    s = lax.axis_index("s")
    wid = c * NS + s
    src_rows = src_hbm.at[wid]
    dst_rows = dst_hbm.at[wid]
    pltpu.sync_copy(zeros_hbm.at[pl.ds(s * RPS, RPS)], acc.at[pl.ds(s * RPS, RPS)])

    def idx_issue(row, slot, sem):
        pltpu.async_copy(src_rows.at[pl.ds(row, 2)], src_w.at[pl.ds(slot, 2)], sem)
        pltpu.async_copy(dst_rows.at[pl.ds(row, 2)], dst_w.at[pl.ds(slot, 2)], sem)

    def idx_wait(row, slot, sem):
        pltpu.make_async_copy(src_rows.at[pl.ds(row, 2)], src_w.at[pl.ds(slot, 2)], sem).wait()
        pltpu.make_async_copy(dst_rows.at[pl.ds(row, 2)], dst_w.at[pl.ds(slot, 2)], sem).wait()

    def g_issue(slot, b):
        pltpu.async_copy(table_hbm.at[src_w.at[slot]], rb[b], gsem[b])

    def g_wait(slot, b):
        pltpu.make_async_copy(table_hbm.at[src_w.at[slot]], rb[b], gsem[b]).wait()

    def s_issue(slot, b):
        pltpu.async_copy(rb[b], acc.at[dst_w.at[slot]], ssem[b], add=True)

    def s_wait(slot, b):
        pltpu.make_async_copy(rb[b], acc.at[dst_w.at[slot]], ssem[b]).wait()

    plsc.subcore_barrier()

    idx_issue(0, 0, isem[0])
    idx_issue(2, 2, isem[1])
    idx_wait(0, 0, isem[0])
    g_issue(0, 0)
    g_issue(1, 1)

    def body(k, carry):
        r = 4 * k
        g_wait(0, 0)
        s_issue(0, 0)
        g_wait(1, 1)
        s_issue(1, 1)
        idx_wait(r + 2, 2, isem[1])
        s_wait(0, 0)
        g_issue(2, 0)
        s_wait(1, 1)
        g_issue(3, 1)

        @pl.when(k < K4 - 1)
        def _():
            idx_issue(r + 4, 0, isem[0])

        g_wait(2, 0)
        s_issue(2, 0)
        g_wait(3, 1)
        s_issue(3, 1)

        @pl.when(k < K4 - 1)
        def _():
            idx_wait(r + 4, 0, isem[0])
            s_wait(2, 0)
            g_issue(0, 0)
            s_wait(3, 1)
            g_issue(1, 1)
            idx_issue(r + 6, 2, isem[1])

        @pl.when(k == K4 - 1)
        def _():
            s_wait(2, 0)
            s_wait(3, 1)

        return carry

    lax.fori_loop(0, K4, body, 0)
    plsc.subcore_barrier()
    pltpu.sync_copy(acc.at[pl.ds(s * RPS, RPS)],
                    out_hbm.at[c].at[pl.ds(s * RPS, RPS)])


def _make_prop():
    return pl.kernel(
        _prop_body,
        out_type=jax.ShapeDtypeStruct((NC, NP, D), jnp.float32),
        mesh=_sc_mesh(),
        scratch_types=[
            pltpu.VMEM((4, CH), jnp.int32),
            pltpu.VMEM((4, CH), jnp.int32),
            pltpu.VMEM((CH, D), jnp.float32),
            pltpu.VMEM((CH, D), jnp.float32),
            pltpu.VMEM_SHARED((NP, D), jnp.float32),
            pltpu.SemaphoreType.DMA,
            pltpu.SemaphoreType.DMA,
            pltpu.SemaphoreType.DMA,
            pltpu.SemaphoreType.DMA,
            pltpu.SemaphoreType.DMA,
            pltpu.SemaphoreType.DMA,
        ],
    )



def _mm(a, b):
    return jnp.dot(a, b, preferred_element_type=jnp.float32,
                   precision=lax.Precision.DEFAULT)


def _mm_body(x_ref, w0_ref, w1_ref, h0_ref, t1_ref):
    x = x_ref[...]
    h0_ref[...] = _mm(x, w0_ref[...])
    t1_ref[...] = _mm(x, w1_ref[...])


def _tc_mm(xp, W1_0, W1_1):
    return pl.pallas_call(
        _mm_body,
        grid=(GRID,),
        in_specs=[
            pl.BlockSpec((RB, D), lambda i: (i, 0)),
            pl.BlockSpec((D, D), lambda i: (0, 0)),
            pl.BlockSpec((D, D), lambda i: (0, 0)),
        ],
        out_specs=[
            pl.BlockSpec((RB, D), lambda i: (i, 0)),
            pl.BlockSpec((RB, D), lambda i: (i, 0)),
        ],
        out_shape=[
            jax.ShapeDtypeStruct((NP, D), jnp.float32),
            jax.ShapeDtypeStruct((NP, D), jnp.float32),
        ],
    )(xp, W1_0, W1_1)


def _scale_body(t1_ref, dp_ref, s1_ref, nrm_ref):
    deg = jnp.maximum(dp_ref[0] + dp_ref[1], 1.0)
    nrm = lax.rsqrt(deg)
    s1_ref[...] = nrm * t1_ref[...]
    nrm_ref[...] = nrm


def _tc_scale(t1, degp3):
    return pl.pallas_call(
        _scale_body,
        grid=(GRID,),
        in_specs=[
            pl.BlockSpec((RB, D), lambda i: (i, 0)),
            pl.BlockSpec((NC, RB, 1), lambda i: (0, i, 0)),
        ],
        out_specs=[
            pl.BlockSpec((RB, D), lambda i: (i, 0)),
            pl.BlockSpec((RB, 1), lambda i: (i, 0)),
        ],
        out_shape=[
            jax.ShapeDtypeStruct((NP, D), jnp.float32),
            jax.ShapeDtypeStruct((NP, 1), jnp.float32),
        ],
    )(t1, degp3)


def _mid_body(h0_ref, a_ref, nrm_ref, w0a_ref, w0b_ref, w1a_ref, w1b_ref,
              h2_ref, s2_ref):
    nrm = nrm_ref[...]
    xa = jnp.maximum(h0_ref[...], 0.0)
    xb = jnp.maximum(nrm * (a_ref[0] + a_ref[1]), 0.0)
    h2_ref[...] = _mm(xa, w0a_ref[...]) + _mm(xb, w0b_ref[...])
    s2_ref[...] = nrm * (_mm(xa, w1a_ref[...]) + _mm(xb, w1b_ref[...]))


def _tc_mid(h0, agg, nrm, w0a, w0b, w1a, w1b):
    return pl.pallas_call(
        _mid_body,
        grid=(GRID,),
        in_specs=[
            pl.BlockSpec((RB, D), lambda i: (i, 0)),
            pl.BlockSpec((NC, RB, D), lambda i: (0, i, 0)),
            pl.BlockSpec((RB, 1), lambda i: (i, 0)),
            pl.BlockSpec((D, D), lambda i: (0, 0)),
            pl.BlockSpec((D, D), lambda i: (0, 0)),
            pl.BlockSpec((D, D), lambda i: (0, 0)),
            pl.BlockSpec((D, D), lambda i: (0, 0)),
        ],
        out_specs=[
            pl.BlockSpec((RB, D), lambda i: (i, 0)),
            pl.BlockSpec((RB, D), lambda i: (i, 0)),
        ],
        out_shape=[
            jax.ShapeDtypeStruct((NP, D), jnp.float32),
            jax.ShapeDtypeStruct((NP, D), jnp.float32),
        ],
    )(h0, agg, nrm, w0a, w0b, w1a, w1b)


def _post_body(h2_ref, a_ref, nrm_ref, out_ref):
    p2 = nrm_ref[...] * (a_ref[0] + a_ref[1])
    z = jnp.concatenate([h2_ref[...], p2], axis=1)
    m = jnp.max(z, axis=1, keepdims=True)
    ez = jnp.exp(z - m)
    se = jnp.sum(ez, axis=1, keepdims=True)
    out_ref[...] = z - m - jnp.log(se)


def _tc_post(h2, agg, nrm):
    return pl.pallas_call(
        _post_body,
        grid=(GRID,),
        in_specs=[
            pl.BlockSpec((RBT, D), lambda i: (i, 0)),
            pl.BlockSpec((NC, RBT, D), lambda i: (0, i, 0)),
            pl.BlockSpec((RBT, 1), lambda i: (i, 0)),
        ],
        out_specs=pl.BlockSpec((RBT, 2 * D), lambda i: (i, 0)),
        out_shape=jax.ShapeDtypeStruct((N, 2 * D), jnp.float32),
    )(h2, agg, nrm)



def kernel(features, edge_index, W1_0, W1_1, W2_0, W2_1):
    src = edge_index[0]
    dst = edge_index[1]
    npad = EPAD - E
    pad_src = jnp.asarray((np.arange(npad, dtype=np.int32) * 97) % N)
    pad_dst = jnp.asarray(N + (np.arange(npad, dtype=np.int32) % (NP - N)))
    src3 = jnp.concatenate([src, pad_src]).reshape(NW, NCHUNK, CH)
    dst3 = jnp.concatenate([dst, pad_dst]).reshape(NW, NCHUNK, CH)

    zeros1 = jnp.zeros((NP,), jnp.float32)
    zeros2 = jnp.zeros((NP, D), jnp.float32)

    degp = _make_deg()(dst3, zeros1)
    xp = jnp.zeros((NP, D), jnp.float32).at[:N].set(features)
    h0, t1 = _tc_mm(xp, W1_0, W1_1)
    s1, nrm = _tc_scale(t1, degp.reshape(NC, NP, 1))

    agg1 = _make_prop()(s1, src3, dst3, zeros2)
    h2, s2 = _tc_mid(h0, agg1, nrm, W2_0[:D], W2_0[D:], W2_1[:D], W2_1[D:])

    agg2 = _make_prop()(s2, src3, dst3, zeros2)
    return _tc_post(h2, agg2, nrm)

# --- scband reference (transcript-rebuilt; emitter-appended) ---
"""Pipeline reference for scband-mix-hop-gcn-70222715289689 (READ-ONLY COPY).

The authoritative reference and input builder live on the scoring server;
editing this copy changes nothing except your own understanding.
"""

import jax, jax.numpy as jnp
import numpy as np

N = 10000
E = 320000
D_IN = 128
D_HID = 128
D_OUT = 128
NUM_HOPS = 2

def _xavier(key, shape):
    a = float(np.sqrt(6.0 / (shape[0] + shape[1])))
    return jax.random.uniform(key, shape, dtype=jnp.float32, minval=-a, maxval=a)

def setup_inputs(seed: int = 0) -> dict:
    key = jax.random.key(seed)
    ks = jax.random.split(key, 6)
    features = jax.random.normal(ks[0], (N, D_IN), dtype=jnp.float32)
    edge_index = jax.random.randint(ks[1], (2, E), 0, N, dtype=jnp.int32)
    W1_0 = _xavier(ks[2], (D_IN, D_HID))
    W1_1 = _xavier(ks[3], (D_IN, D_HID))
    W2_0 = _xavier(ks[4], (D_HID * NUM_HOPS, D_OUT))
    W2_1 = _xavier(ks[5], (D_HID * NUM_HOPS, D_OUT))
    return {"features": features, "edge_index": edge_index, "W1_0": W1_0, "W1_1": W1_1, "W2_0": W2_0, "W2_1": W2_1}

def _propagate(x, src, dst, norm):
    # D^{-1/2} A D^{-1/2} x  (copy_u + sum message passing with symmetric norm)
    x = norm * x
    agg = jnp.zeros_like(x).at[dst].add(x[src])
    return norm * agg

def _mixhop_layer(x, weights, src, dst, norm):
    feats = [x]
    for k in range(1, NUM_HOPS):
        nf = x
        for _ in range(k):
            nf = _propagate(nf, src, dst, norm)
        feats.append(nf)
    results = [feats[k] @ weights[k] for k in range(NUM_HOPS)]
    return jnp.concatenate(results, axis=1)

def reference(features, edge_index, W1_0, W1_1, W2_0, W2_1):
    src = edge_index[0]
    dst = edge_index[1]
    deg = jnp.zeros((N,), dtype=jnp.float32).at[dst].add(1.0)
    deg = jnp.clip(deg, 1.0, None)
    norm = (deg ** -0.5)[:, None]
    # dropout is identity in eval mode
    x = _mixhop_layer(features, [W1_0, W1_1], src, dst, norm)
    x = jax.nn.relu(x)
    x = _mixhop_layer(x, [W2_0, W2_1], src, dst, norm)
    return jax.nn.log_softmax(x, axis=1)

if __name__ == "__main__":
    import jax
    _d = setup_inputs()
    print(jax.jit(kernel)(*tuple(_d.values())))

</pallas_src>

<mosaic_0001>
#map = affine_map<(d0, d1) -> (0, 0, 0)>
#map1 = affine_map<(d0, d1) -> (0)>
#map2 = affine_map<(d0, d1) -> (0, 0)>
module attributes {stable_mosaic.version = 14 : i64} {
  func.func @_deg_body(%arg0: i32, %arg1: i32, %arg2: memref<32x80x128xi32, #tpu.memory_space<hbm>>, %arg3: memref<10240xf32, #tpu.memory_space<hbm>>, %arg4: memref<2x10240xf32, #tpu.memory_space<hbm>>, %arg5: memref<80x128xi32, #tpu.memory_space<vmem>>, %arg6: memref<128xf32, #tpu.memory_space<vmem>>, %arg7: memref<10240xf32, #tpu.memory_space<vmem_shared>>) attributes {dimension_semantics = [#tpu.dimension_semantics<core_parallel>, #tpu.dimension_semantics<subcore_parallel>], iteration_bounds = array<i64: 2, 16>, scalar_prefetch = 0 : i64, scratch_operands = 3 : i64, tpu.core_type = #tpu.core_type<sc_vector_subcore>, window_params = [{transform_indices = #map}, {transform_indices = #map1}, {transform_indices = #map2}]} {
    %mul3A = arith.constant 16 : i32
    %mul3A_0 = arith.muli %arg0, %mul3A : i32
    %add3A = arith.addi %mul3A_0, %arg1 : i32
    %mul3A_1 = arith.constant 640 : i32
    %mul3A_2 = arith.muli %arg1, %mul3A_1 : i32
    %mul3A_3 = arith.constant 640 : i32
    %mul3A_4 = arith.muli %arg1, %mul3A_3 : i32
    "tpu.region"() ({
      %run_scoped3A = tpu.sem_alloc : memref<!tpu.dma_semaphore, #tpu.memory_space<semaphore_mem>>
      %dma_start3A = tpu.memref_slice %arg7[%mul3A_4] : memref<10240xf32, #tpu.memory_space<vmem_shared>> -> memref<640xf32, #tpu.memory_space<vmem_shared>>
      %dma_start3A_61 = tpu.memref_slice %arg3[%mul3A_2] : memref<10240xf32, #tpu.memory_space<hbm>> -> memref<640xf32, #tpu.memory_space<hbm>>
      tpu.enqueue_dma source(%dma_start3A_61 : memref<640xf32, #tpu.memory_space<hbm>>) target(%dma_start3A : memref<640xf32, #tpu.memory_space<vmem_shared>>) target_semaphore(%run_scoped3A : memref<!tpu.dma_semaphore, #tpu.memory_space<semaphore_mem>>)
      %dma_wait3A = tpu.memref_slice %arg7[%mul3A_4] : memref<10240xf32, #tpu.memory_space<vmem_shared>> -> memref<640xf32, #tpu.memory_space<vmem_shared>>
      %dma_wait3A_62 = tpu.memref_slice %arg3[%mul3A_2] : memref<10240xf32, #tpu.memory_space<hbm>> -> memref<640xf32, #tpu.memory_space<hbm>>
      tpu.wait_dma2 semaphore(%run_scoped3A : memref<!tpu.dma_semaphore, #tpu.memory_space<semaphore_mem>>) src(%dma_wait3A_62 : memref<640xf32, #tpu.memory_space<hbm>>) dst(%dma_wait3A : memref<640xf32, #tpu.memory_space<vmem_shared>>)
      tpu.yield
    }) : () -> ()
    "tpu.region"() ({
      %run_scoped3A = tpu.sem_alloc : memref<!tpu.dma_semaphore, #tpu.memory_space<semaphore_mem>>
      %dma_start3A = arith.constant 0 : i32
      %dma_start3A_61 = arith.constant 0 : i32
      %dma_start3A_62 = tpu.memref_slice %arg2[%add3A, %dma_start3A, %dma_start3A_61] : memref<32x80x128xi32, #tpu.memory_space<hbm>> -> memref<1x80x128xi32, #tpu.memory_space<hbm>>
      %dma_start3A_63 = tpu.memref_squeeze %dma_start3A_62 : memref<1x80x128xi32, #tpu.memory_space<hbm>> -> memref<80x128xi32, #tpu.memory_space<hbm>>
      %dma_start3A_64 = arith.constant 0 : i32
      %dma_start3A_65 = arith.constant 0 : i32
      %dma_start3A_66 = tpu.memref_slice %arg2[%add3A, %dma_start3A_64, %dma_start3A_65] : memref<32x80x128xi32, #tpu.memory_space<hbm>> -> memref<1x80x128xi32, #tpu.memory_space<hbm>>
      %dma_start3A_67 = tpu.memref_squeeze %dma_start3A_66 : memref<1x80x128xi32, #tpu.memory_space<hbm>> -> memref<80x128xi32, #tpu.memory_space<hbm>>
      tpu.enqueue_dma source(%dma_start3A_67 : memref<80x128xi32, #tpu.memory_space<hbm>>) target(%arg5 : memref<80x128xi32, #tpu.memory_space<vmem>>) target_semaphore(%run_scoped3A : memref<!tpu.dma_semaphore, #tpu.memory_space<semaphore_mem>>)
      %dma_wait3A = arith.constant 0 : i32
      %dma_wait3A_68 = arith.constant 0 : i32
      %dma_wait3A_69 = tpu.memref_slice %arg2[%add3A, %dma_wait3A, %dma_wait3A_68] : memref<32x80x128xi32, #tpu.memory_space<hbm>> -> memref<1x80x128xi32, #tpu.memory_space<hbm>>
      %dma_wait3A_70 = tpu.memref_squeeze %dma_wait3A_69 : memref<1x80x128xi32, #tpu.memory_space<hbm>> -> memref<80x128xi32, #tpu.memory_space<hbm>>
      %dma_wait3A_71 = arith.constant 0 : i32
      %dma_wait3A_72 = arith.constant 0 : i32
      %dma_wait3A_73 = tpu.memref_slice %arg2[%add3A, %dma_wait3A_71, %dma_wait3A_72] : memref<32x80x128xi32, #tpu.memory_space<hbm>> -> memref<1x80x128xi32, #tpu.memory_space<hbm>>
      %dma_wait3A_74 = tpu.memref_squeeze %dma_wait3A_73 : memref<1x80x128xi32, #tpu.memory_space<hbm>> -> memref<80x128xi32, #tpu.memory_space<hbm>>
      tpu.wait_dma2 semaphore(%run_scoped3A : memref<!tpu.dma_semaphore, #tpu.memory_space<semaphore_mem>>) src(%dma_wait3A_74 : memref<80x128xi32, #tpu.memory_space<hbm>>) dst(%arg5 : memref<80x128xi32, #tpu.memory_space<vmem>>)
      tpu.yield
    }) : () -> ()
    %broadcast_in_dim3A = arith.constant 1.000000e+00 : f32
    %broadcast_in_dim3A_5 = vector.broadcast %broadcast_in_dim3A : f32 to vector<16xf32>
    %swap3A = arith.constant 0 : index
    %swap3A_6 = tpu.vector_load %arg6[%swap3A] {strides = array<i32>} : memref<128xf32, #tpu.memory_space<vmem>>, vector<16xf32>,
    %swap3A_7 = vector.shape_cast %swap3A_6 : vector<16xf32> to vector<16xf32>
    %swap3A_8 = vector.shape_cast %broadcast_in_dim3A_5 : vector<16xf32> to vector<16xf32>
    tpu.vector_store %arg6[%swap3A], %swap3A_8 {strides = array<i32>} : memref<128xf32, #tpu.memory_space<vmem>>, vector<16xf32>,
    %broadcast_in_dim3A_9 = arith.constant 1.000000e+00 : f32
    %broadcast_in_dim3A_10 = vector.broadcast %broadcast_in_dim3A_9 : f32 to vector<16xf32>
    %swap3A_11 = arith.constant 16 : index
    %swap3A_12 = tpu.vector_load %arg6[%swap3A_11] {strides = array<i32>} : memref<128xf32, #tpu.memory_space<vmem>>, vector<16xf32>,
    %swap3A_13 = vector.shape_cast %swap3A_12 : vector<16xf32> to vector<16xf32>
    %swap3A_14 = vector.shape_cast %broadcast_in_dim3A_10 : vector<16xf32> to vector<16xf32>
    tpu.vector_store %arg6[%swap3A_11], %swap3A_14 {strides = array<i32>} : memref<128xf32, #tpu.memory_space<vmem>>, vector<16xf32>,
    %broadcast_in_dim3A_15 = arith.constant 1.000000e+00 : f32
    %broadcast_in_dim3A_16 = vector.broadcast %broadcast_in_dim3A_15 : f32 to vector<16xf32>
    %swap3A_17 = arith.constant 32 : index
    %swap3A_18 = tpu.vector_load %arg6[%swap3A_17] {strides = array<i32>} : memref<128xf32, #tpu.memory_space<vmem>>, vector<16xf32>,
    %swap3A_19 = vector.shape_cast %swap3A_18 : vector<16xf32> to vector<16xf32>
    %swap3A_20 = vector.shape_cast %broadcast_in_dim3A_16 : vector<16xf32> to vector<16xf32>
    tpu.vector_store %arg6[%swap3A_17], %swap3A_20 {strides = array<i32>} : memref<128xf32, #tpu.memory_space<vmem>>, vector<16xf32>,
    %broadcast_in_dim3A_21 = arith.constant 1.000000e+00 : f32
    %broadcast_in_dim3A_22 = vector.broadcast %broadcast_in_dim3A_21 : f32 to vector<16xf32>
    %swap3A_23 = arith.constant 48 : index
    %swap3A_24 = tpu.vector_load %arg6[%swap3A_23] {strides = array<i32>} : memref<128xf32, #tpu.memory_space<vmem>>, vector<16xf32>,
    %swap3A_25 = vector.shape_cast %swap3A_24 : vector<16xf32> to vector<16xf32>
    %swap3A_26 = vector.shape_cast %broadcast_in_dim3A_22 : vector<16xf32> to vector<16xf32>
    tpu.vector_store %arg6[%swap3A_23], %swap3A_26 {strides = array<i32>} : memref<128xf32, #tpu.memory_space<vmem>>, vector<16xf32>,
    %broadcast_in_dim3A_27 = arith.constant 1.000000e+00 : f32
    %broadcast_in_dim3A_28 = vector.broadcast %broadcast_in_dim3A_27 : f32 to vector<16xf32>
    %swap3A_29 = arith.constant 64 : index
    %swap3A_30 = tpu.vector_load %arg6[%swap3A_29] {strides = array<i32>} : memref<128xf32, #tpu.memory_space<vmem>>, vector<16xf32>,
    %swap3A_31 = vector.shape_cast %swap3A_30 : vector<16xf32> to vector<16xf32>
    %swap3A_32 = vector.shape_cast %broadcast_in_dim3A_28 : vector<16xf32> to vector<16xf32>
    tpu.vector_store %arg6[%swap3A_29], %swap3A_32 {strides = array<i32>} : memref<128xf32, #tpu.memory_space<vmem>>, vector<16xf32>,
    %broadcast_in_dim3A_33 = arith.constant 1.000000e+00 : f32
    %broadcast_in_dim3A_34 = vector.broadcast %broadcast_in_dim3A_33 : f32 to vector<16xf32>
    %swap3A_35 = arith.constant 80 : index
    %swap3A_36 = tpu.vector_load %arg6[%swap3A_35] {strides = array<i32>} : memref<128xf32, #tpu.memory_space<vmem>>, vector<16xf32>,
    %swap3A_37 = vector.shape_cast %swap3A_36 : vector<16xf32> to vector<16xf32>
    %swap3A_38 = vector.shape_cast %broadcast_in_dim3A_34 : vector<16xf32> to vector<16xf32>
    tpu.vector_store %arg6[%swap3A_35], %swap3A_38 {strides = array<i32>} : memref<128xf32, #tpu.memory_space<vmem>>, vector<16xf32>,
    %broadcast_in_dim3A_39 = arith.constant 1.000000e+00 : f32
    %broadcast_in_dim3A_40 = vector.broadcast %broadcast_in_dim3A_39 : f32 to vector<16xf32>
    %swap3A_41 = arith.constant 96 : index
    %swap3A_42 = tpu.vector_load %arg6[%swap3A_41] {strides = array<i32>} : memref<128xf32, #tpu.memory_space<vmem>>, vector<16xf32>,
    %swap3A_43 = vector.shape_cast %swap3A_42 : vector<16xf32> to vector<16xf32>
    %swap3A_44 = vector.shape_cast %broadcast_in_dim3A_40 : vector<16xf32> to vector<16xf32>
    tpu.vector_store %arg6[%swap3A_41], %swap3A_44 {strides = array<i32>} : memref<128xf32, #tpu.memory_space<vmem>>, vector<16xf32>,
    %broadcast_in_dim3A_45 = arith.constant 1.000000e+00 : f32
    %broadcast_in_dim3A_46 = vector.broadcast %broadcast_in_dim3A_45 : f32 to vector<16xf32>
    %swap3A_47 = arith.constant 112 : index
    %swap3A_48 = tpu.vector_load %arg6[%swap3A_47] {strides = array<i32>} : memref<128xf32, #tpu.memory_space<vmem>>, vector<16xf32>,
    %swap3A_49 = vector.shape_cast %swap3A_48 : vector<16xf32> to vector<16xf32>
    %swap3A_50 = vector.shape_cast %broadcast_in_dim3A_46 : vector<16xf32> to vector<16xf32>
    tpu.vector_store %arg6[%swap3A_47], %swap3A_50 {strides = array<i32>} : memref<128xf32, #tpu.memory_space<vmem>>, vector<16xf32>,
    %barrier3A = arith.constant 0 : index
    tpu.barrier barrier_id(%barrier3A)
    %scan3A = arith.constant 0 : i32
    %scan3A_51 = arith.constant 0 : i32
    %scan3A_52 = arith.constant 80 : i32
    %scan3A_53 = arith.addi %scan3A_51, %scan3A_52 : i32
    %scan3A_54 = arith.constant 1 : i32
    scf.for %scan3A_61 = %scan3A_51 to %scan3A_53 step %scan3A_54  : i32 {
      "tpu.region"() ({
        %run_scoped3A = tpu.sem_alloc : memref<!tpu.dma_semaphore, #tpu.memory_space<semaphore_mem>>
        %dma_start3A = arith.constant 0 : i32
        %dma_start3A_62 = tpu.memref_slice %arg5[%scan3A_61, %dma_start3A] : memref<80x128xi32, #tpu.memory_space<vmem>> -> memref<1x128xi32, #tpu.memory_space<vmem>>
        %dma_start3A_63 = tpu.memref_squeeze %dma_start3A_62 : memref<1x128xi32, #tpu.memory_space<vmem>> -> memref<128xi32, #tpu.memory_space<vmem>>
        %dma_start3A_64 = arith.constant 0 : i32
        %dma_start3A_65 = tpu.memref_slice %arg7[%dma_start3A_64] : memref<10240xf32, #tpu.memory_space<vmem_shared>> -> memref<10240xf32, #tpu.memory_space<vmem_shared>>
        tpu.enqueue_indirect_dma source(%arg6 : memref<128xf32, #tpu.memory_space<vmem>>) target(%dma_start3A_65 : memref<10240xf32, #tpu.memory_space<vmem_shared>>) offsets(%dma_start3A_63 : memref<128xi32, #tpu.memory_space<vmem>>) semaphore(%run_scoped3A : memref<!tpu.dma_semaphore, #tpu.memory_space<semaphore_mem>>) {add = true}
        %dma_wait3A = arith.constant 0 : i32
        %dma_wait3A_66 = tpu.memref_slice %arg5[%scan3A_61, %dma_wait3A] : memref<80x128xi32, #tpu.memory_space<vmem>> -> memref<1x128xi32, #tpu.memory_space<vmem>>
        %dma_wait3A_67 = tpu.memref_squeeze %dma_wait3A_66 : memref<1x128xi32, #tpu.memory_space<vmem>> -> memref<128xi32, #tpu.memory_space<vmem>>
        %dma_wait3A_68 = arith.constant 0 : i32
        %dma_wait3A_69 = tpu.memref_slice %arg7[%dma_wait3A_68] : memref<10240xf32, #tpu.memory_space<vmem_shared>> -> memref<10240xf32, #tpu.memory_space<vmem_shared>>
        tpu.wait_indirect_dma semaphore(%run_scoped3A : memref<!tpu.dma_semaphore, #tpu.memory_space<semaphore_mem>>) src(%arg6 : memref<128xf32, #tpu.memory_space<vmem>>) dst(%dma_wait3A_69 : memref<10240xf32, #tpu.memory_space<vmem_shared>>)
        tpu.yield
      }) : () -> ()
    }
    %scan3A_55 = arith.constant 80 : i32
    %barrier3A_56 = arith.constant 0 : index
    tpu.barrier barrier_id(%barrier3A_56)
    %mul3A_57 = arith.constant 640 : i32
    %mul3A_58 = arith.muli %arg1, %mul3A_57 : i32
    %mul3A_59 = arith.constant 640 : i32
    %mul3A_60 = arith.muli %arg1, %mul3A_59 : i32
    "tpu.region"() ({
      %run_scoped3A = tpu.sem_alloc : memref<!tpu.dma_semaphore, #tpu.memory_space<semaphore_mem>>
      %dma_start3A = arith.constant 0 : i32
      %dma_start3A_61 = tpu.memref_slice %arg4[%arg0, %dma_start3A] : memref<2x10240xf32, #tpu.memory_space<hbm>> -> memref<1x10240xf32, #tpu.memory_space<hbm>>
      %dma_start3A_62 = tpu.memref_squeeze %dma_start3A_61 : memref<1x10240xf32, #tpu.memory_space<hbm>> -> memref<10240xf32, #tpu.memory_space<hbm>>
      %dma_start3A_63 = tpu.memref_slice %dma_start3A_62[%mul3A_60] : memref<10240xf32, #tpu.memory_space<hbm>> -> memref<640xf32, #tpu.memory_space<hbm>>
      %dma_start3A_64 = tpu.memref_slice %arg7[%mul3A_58] : memref<10240xf32, #tpu.memory_space<vmem_shared>> -> memref<640xf32, #tpu.memory_space<vmem_shared>>
      tpu.enqueue_dma source(%dma_start3A_64 : memref<640xf32, #tpu.memory_space<vmem_shared>>) target(%dma_start3A_63 : memref<640xf32, #tpu.memory_space<hbm>>) target_semaphore(%run_scoped3A : memref<!tpu.dma_semaphore, #tpu.memory_space<semaphore_mem>>)
      %dma_wait3A = arith.constant 0 : i32
      %dma_wait3A_65 = tpu.memref_slice %arg4[%arg0, %dma_wait3A] : memref<2x10240xf32, #tpu.memory_space<hbm>> -> memref<1x10240xf32, #tpu.memory_space<hbm>>
      %dma_wait3A_66 = tpu.memref_squeeze %dma_wait3A_65 : memref<1x10240xf32, #tpu.memory_space<hbm>> -> memref<10240xf32, #tpu.memory_space<hbm>>
      %dma_wait3A_67 = tpu.memref_slice %dma_wait3A_66[%mul3A_60] : memref<10240xf32, #tpu.memory_space<hbm>> -> memref<640xf32, #tpu.memory_space<hbm>>
      %dma_wait3A_68 = tpu.memref_slice %arg7[%mul3A_58] : memref<10240xf32, #tpu.memory_space<vmem_shared>> -> memref<640xf32, #tpu.memory_space<vmem_shared>>
      tpu.wait_dma2 semaphore(%run_scoped3A : memref<!tpu.dma_semaphore, #tpu.memory_space<semaphore_mem>>) src(%dma_wait3A_68 : memref<640xf32, #tpu.memory_space<vmem_shared>>) dst(%dma_wait3A_67 : memref<640xf32, #tpu.memory_space<hbm>>)
      tpu.yield
    }) : () -> ()
    return
  }
}

#map = affine_map<(d0, d1) -> (0, 0)>
#map1 = affine_map<(d0, d1) -> (0, 0, 0)>
module attributes {stable_mosaic.version = 14 : i64} {
  func.func @_prop_body(%arg0: i32, %arg1: i32, %arg2: memref<10240x128xf32, #tpu.memory_space<hbm>>, %arg3: memref<32x80x128xi32, #tpu.memory_space<hbm>>, %arg4: memref<32x80x128xi32, #tpu.memory_space<hbm>>, %arg5: memref<10240x128xf32, #tpu.memory_space<hbm>>, %arg6: memref<2x10240x128xf32, #tpu.memory_space<hbm>>, %arg7: memref<4x128xi32, #tpu.memory_space<vmem>>, %arg8: memref<4x128xi32, #tpu.memory_space<vmem>>, %arg9: memref<128x128xf32, #tpu.memory_space<vmem>>, %arg10: memref<128x128xf32, #tpu.memory_space<vmem>>, %arg11: memref<10240x128xf32, #tpu.memory_space<vmem_shared>>, %arg12: memref<!tpu.dma_semaphore, #tpu.memory_space<semaphore_mem>>, %arg13: memref<!tpu.dma_semaphore, #tpu.memory_space<semaphore_mem>>, %arg14: memref<!tpu.dma_semaphore, #tpu.memory_space<semaphore_mem>>, %arg15: memref<!tpu.dma_semaphore, #tpu.memory_space<semaphore_mem>>, %arg16: memref<!tpu.dma_semaphore, #tpu.memory_space<semaphore_mem>>, %arg17: memref<!tpu.dma_semaphore, #tpu.memory_space<semaphore_mem>>) attributes {dimension_semantics = [#tpu.dimension_semantics<core_parallel>, #tpu.dimension_semantics<subcore_parallel>], iteration_bounds = array<i64: 2, 16>, scalar_prefetch = 0 : i64, scratch_operands = 11 : i64, tpu.core_type = #tpu.core_type<sc_vector_subcore>, window_params = [{transform_indices = #map}, {transform_indices = #map1}, {transform_indices = #map1}, {transform_indices = #map}, {transform_indices = #map1}]} {
    %mul3A = arith.constant 16 : i32
    %mul3A_0 = arith.muli %arg0, %mul3A : i32
    %add3A = arith.addi %mul3A_0, %arg1 : i32
    %mul3A_1 = arith.constant 640 : i32
    %mul3A_2 = arith.muli %arg1, %mul3A_1 : i32
    %mul3A_3 = arith.constant 640 : i32
    %mul3A_4 = arith.muli %arg1, %mul3A_3 : i32
    "tpu.region"() ({
      %run_scoped3A = tpu.sem_alloc : memref<!tpu.dma_semaphore, #tpu.memory_space<semaphore_mem>>
      %dma_start3A_147 = arith.constant 0 : i32
      %dma_start3A_148 = tpu.memref_slice %arg11[%mul3A_4, %dma_start3A_147] : memref<10240x128xf32, #tpu.memory_space<vmem_shared>> -> memref<640x128xf32, #tpu.memory_space<vmem_shared>>
      %dma_start3A_149 = arith.constant 0 : i32
      %dma_start3A_150 = tpu.memref_slice %arg5[%mul3A_2, %dma_start3A_149] : memref<10240x128xf32, #tpu.memory_space<hbm>> -> memref<640x128xf32, #tpu.memory_space<hbm>>
      tpu.enqueue_dma source(%dma_start3A_150 : memref<640x128xf32, #tpu.memory_space<hbm>>) target(%dma_start3A_148 : memref<640x128xf32, #tpu.memory_space<vmem_shared>>) target_semaphore(%run_scoped3A : memref<!tpu.dma_semaphore, #tpu.memory_space<semaphore_mem>>)
      %dma_wait3A_151 = arith.constant 0 : i32
      %dma_wait3A_152 = tpu.memref_slice %arg11[%mul3A_4, %dma_wait3A_151] : memref<10240x128xf32, #tpu.memory_space<vmem_shared>> -> memref<640x128xf32, #tpu.memory_space<vmem_shared>>
      %dma_wait3A_153 = arith.constant 0 : i32
      %dma_wait3A_154 = tpu.memref_slice %arg5[%mul3A_2, %dma_wait3A_153] : memref<10240x128xf32, #tpu.memory_space<hbm>> -> memref<640x128xf32, #tpu.memory_space<hbm>>
      tpu.wait_dma2 semaphore(%run_scoped3A : memref<!tpu.dma_semaphore, #tpu.memory_space<semaphore_mem>>) src(%dma_wait3A_154 : memref<640x128xf32, #tpu.memory_space<hbm>>) dst(%dma_wait3A_152 : memref<640x128xf32, #tpu.memory_space<vmem_shared>>)
      tpu.yield
    }) : () -> ()
    %barrier3A = arith.constant 0 : index
    tpu.barrier barrier_id(%barrier3A)
    %dma_start3A = arith.constant 0 : i32
    %dma_start3A_5 = arith.constant 0 : i32
    %dma_start3A_6 = tpu.memref_slice %arg7[%dma_start3A, %dma_start3A_5] : memref<4x128xi32, #tpu.memory_space<vmem>> -> memref<2x128xi32, #tpu.memory_space<vmem>>
    %dma_start3A_7 = arith.constant 0 : i32
    %dma_start3A_8 = arith.constant 0 : i32
    %dma_start3A_9 = tpu.memref_slice %arg3[%add3A, %dma_start3A_7, %dma_start3A_8] : memref<32x80x128xi32, #tpu.memory_space<hbm>> -> memref<1x80x128xi32, #tpu.memory_space<hbm>>
    %dma_start3A_10 = tpu.memref_squeeze %dma_start3A_9 : memref<1x80x128xi32, #tpu.memory_space<hbm>> -> memref<80x128xi32, #tpu.memory_space<hbm>>
    %dma_start3A_11 = arith.constant 0 : i32
    %dma_start3A_12 = arith.constant 0 : i32
    %dma_start3A_13 = tpu.memref_slice %dma_start3A_10[%dma_start3A_11, %dma_start3A_12] : memref<80x128xi32, #tpu.memory_space<hbm>> -> memref<2x128xi32, #tpu.memory_space<hbm>>
    %dma_start3A_14 = arith.constant 0 : i32
    %dma_start3A_15 = arith.constant 0 : i32
    %dma_start3A_16 = tpu.memref_slice %arg7[%dma_start3A_14, %dma_start3A_15] : memref<4x128xi32, #tpu.memory_space<vmem>> -> memref<2x128xi32, #tpu.memory_space<vmem>>
    %dma_start3A_17 = arith.constant 0 : i32
    %dma_start3A_18 = arith.constant 0 : i32
    %dma_start3A_19 = tpu.memref_slice %arg3[%add3A, %dma_start3A_17, %dma_start3A_18] : memref<32x80x128xi32, #tpu.memory_space<hbm>> -> memref<1x80x128xi32, #tpu.memory_space<hbm>>
    %dma_start3A_20 = tpu.memref_squeeze %dma_start3A_19 : memref<1x80x128xi32, #tpu.memory_space<hbm>> -> memref<80x128xi32, #tpu.memory_space<hbm>>
    %dma_start3A_21 = arith.constant 0 : i32
    %dma_start3A_22 = arith.constant 0 : i32
    %dma_start3A_23 = tpu.memref_slice %dma_start3A_20[%dma_start3A_21, %dma_start3A_22] : memref<80x128xi32, #tpu.memory_space<hbm>> -> memref<2x128xi32, #tpu.memory_space<hbm>>
    tpu.enqueue_dma source(%dma_start3A_23 : memref<2x128xi32, #tpu.memory_space<hbm>>) target(%dma_start3A_16 : memref<2x128xi32, #tpu.memory_space<vmem>>) target_semaphore(%arg12 : memref<!tpu.dma_semaphore, #tpu.memory_space<semaphore_mem>>)
    %dma_start3A_24 = arith.constant 0 : i32
    %dma_start3A_25 = arith.constant 0 : i32
    %dma_start3A_26 = tpu.memref_slice %arg8[%dma_start3A_24, %dma_start3A_25] : memref<4x128xi32, #tpu.memory_space<vmem>> -> memref<2x128xi32, #tpu.memory_space<vmem>>
    %dma_start3A_27 = arith.constant 0 : i32
    %dma_start3A_28 = arith.constant 0 : i32
    %dma_start3A_29 = tpu.memref_slice %arg4[%add3A, %dma_start3A_27, %dma_start3A_28] : memref<32x80x128xi32, #tpu.memory_space<hbm>> -> memref<1x80x128xi32, #tpu.memory_space<hbm>>
    %dma_start3A_30 = tpu.memref_squeeze %dma_start3A_29 : memref<1x80x128xi32, #tpu.memory_space<hbm>> -> memref<80x128xi32, #tpu.memory_space<hbm>>
    %dma_start3A_31 = arith.constant 0 : i32
    %dma_start3A_32 = arith.constant 0 : i32
    %dma_start3A_33 = tpu.memref_slice %dma_start3A_30[%dma_start3A_31, %dma_start3A_32] : memref<80x128xi32, #tpu.memory_space<hbm>> -> memref<2x128xi32, #tpu.memory_space<hbm>>
    %dma_start3A_34 = arith.constant 0 : i32
    %dma_start3A_35 = arith.constant 0 : i32
    %dma_start3A_36 = tpu.memref_slice %arg8[%dma_start3A_34, %dma_start3A_35] : memref<4x128xi32, #tpu.memory_space<vmem>> -> memref<2x128xi32, #tpu.memory_space<vmem>>
    %dma_start3A_37 = arith.constant 0 : i32
    %dma_start3A_38 = arith.constant 0 : i32
    %dma_start3A_39 = tpu.memref_slice %arg4[%add3A, %dma_start3A_37, %dma_start3A_38] : memref<32x80x128xi32, #tpu.memory_space<hbm>> -> memref<1x80x128xi32, #tpu.memory_space<hbm>>
    %dma_start3A_40 = tpu.memref_squeeze %dma_start3A_39 : memref<1x80x128xi32, #tpu.memory_space<hbm>> -> memref<80x128xi32, #tpu.memory_space<hbm>>
    %dma_start3A_41 = arith.constant 0 : i32
    %dma_start3A_42 = arith.constant 0 : i32
    %dma_start3A_43 = tpu.memref_slice %dma_start3A_40[%dma_start3A_41, %dma_start3A_42] : memref<80x128xi32, #tpu.memory_space<hbm>> -> memref<2x128xi32, #tpu.memory_space<hbm>>
    tpu.enqueue_dma source(%dma_start3A_43 : memref<2x128xi32, #tpu.memory_space<hbm>>) target(%dma_start3A_36 : memref<2x128xi32, #tpu.memory_space<vmem>>) target_semaphore(%arg12 : memref<!tpu.dma_semaphore, #tpu.memory_space<semaphore_mem>>)
    %dma_start3A_44 = arith.constant 2 : i32
    %dma_start3A_45 = arith.constant 0 : i32
    %dma_start3A_46 = tpu.memref_slice %arg7[%dma_start3A_44, %dma_start3A_45] : memref<4x128xi32, #tpu.memory_space<vmem>> -> memref<2x128xi32, #tpu.memory_space<vmem>>
    %dma_start3A_47 = arith.constant 0 : i32
    %dma_start3A_48 = arith.constant 0 : i32
    %dma_start3A_49 = tpu.memref_slice %arg3[%add3A, %dma_start3A_47, %dma_start3A_48] : memref<32x80x128xi32, #tpu.memory_space<hbm>> -> memref<1x80x128xi32, #tpu.memory_space<hbm>>
    %dma_start3A_50 = tpu.memref_squeeze %dma_start3A_49 : memref<1x80x128xi32, #tpu.memory_space<hbm>> -> memref<80x128xi32, #tpu.memory_space<hbm>>
    %dma_start3A_51 = arith.constant 2 : i32
    %dma_start3A_52 = arith.constant 0 : i32
    %dma_start3A_53 = tpu.memref_slice %dma_start3A_50[%dma_start3A_51, %dma_start3A_52] : memref<80x128xi32, #tpu.memory_space<hbm>> -> memref<2x128xi32, #tpu.memory_space<hbm>>
    %dma_start3A_54 = arith.constant 2 : i32
    %dma_start3A_55 = arith.constant 0 : i32
    %dma_start3A_56 = tpu.memref_slice %arg7[%dma_start3A_54, %dma_start3A_55] : memref<4x128xi32, #tpu.memory_space<vmem>> -> memref<2x128xi32, #tpu.memory_space<vmem>>
    %dma_start3A_57 = arith.constant 0 : i32
    %dma_start3A_58 = arith.constant 0 : i32
    %dma_start3A_59 = tpu.memref_slice %arg3[%add3A, %dma_start3A_57, %dma_start3A_58] : memref<32x80x128xi32, #tpu.memory_space<hbm>> -> memref<1x80x128xi32, #tpu.memory_space<hbm>>
    %dma_start3A_60 = tpu.memref_squeeze %dma_start3A_59 : memref<1x80x128xi32, #tpu.memory_space<hbm>> -> memref<80x128xi32, #tpu.memory_space<hbm>>
    %dma_start3A_61 = arith.constant 2 : i32
    %dma_start3A_62 = arith.constant 0 : i32
    %dma_start3A_63 = tpu.memref_slice %dma_start3A_60[%dma_start3A_61, %dma_start3A_62] : memref<80x128xi32, #tpu.memory_space<hbm>> -> memref<2x128xi32, #tpu.memory_space<hbm>>
    tpu.enqueue_dma source(%dma_start3A_63 : memref<2x128xi32, #tpu.memory_space<hbm>>) target(%dma_start3A_56 : memref<2x128xi32, #tpu.memory_space<vmem>>) target_semaphore(%arg13 : memref<!tpu.dma_semaphore, #tpu.memory_space<semaphore_mem>>)
    %dma_start3A_64 = arith.constant 2 : i32
    %dma_start3A_65 = arith.constant 0 : i32
    %dma_start3A_66 = tpu.memref_slice %arg8[%dma_start3A_64, %dma_start3A_65] : memref<4x128xi32, #tpu.memory_space<vmem>> -> memref<2x128xi32, #tpu.memory_space<vmem>>
    %dma_start3A_67 = arith.constant 0 : i32
    %dma_start3A_68 = arith.constant 0 : i32
    %dma_start3A_69 = tpu.memref_slice %arg4[%add3A, %dma_start3A_67, %dma_start3A_68] : memref<32x80x128xi32, #tpu.memory_space<hbm>> -> memref<1x80x128xi32, #tpu.memory_space<hbm>>
    %dma_start3A_70 = tpu.memref_squeeze %dma_start3A_69 : memref<1x80x128xi32, #tpu.memory_space<hbm>> -> memref<80x128xi32, #tpu.memory_space<hbm>>
    %dma_start3A_71 = arith.constant 2 : i32
    %dma_start3A_72 = arith.constant 0 : i32
    %dma_start3A_73 = tpu.memref_slice %dma_start3A_70[%dma_start3A_71, %dma_start3A_72] : memref<80x128xi32, #tpu.memory_space<hbm>> -> memref<2x128xi32, #tpu.memory_space<hbm>>
    %dma_start3A_74 = arith.constant 2 : i32
    %dma_start3A_75 = arith.constant 0 : i32
    %dma_start3A_76 = tpu.memref_slice %arg8[%dma_start3A_74, %dma_start3A_75] : memref<4x128xi32, #tpu.memory_space<vmem>> -> memref<2x128xi32, #tpu.memory_space<vmem>>
    %dma_start3A_77 = arith.constant 0 : i32
    %dma_start3A_78 = arith.constant 0 : i32
    %dma_start3A_79 = tpu.memref_slice %arg4[%add3A, %dma_start3A_77, %dma_start3A_78] : memref<32x80x128xi32, #tpu.memory_space<hbm>> -> memref<1x80x128xi32, #tpu.memory_space<hbm>>
    %dma_start3A_80 = tpu.memref_squeeze %dma_start3A_79 : memref<1x80x128xi32, #tpu.memory_space<hbm>> -> memref<80x128xi32, #tpu.memory_space<hbm>>
    %dma_start3A_81 = arith.constant 2 : i32
    %dma_start3A_82 = arith.constant 0 : i32
    %dma_start3A_83 = tpu.memref_slice %dma_start3A_80[%dma_start3A_81, %dma_start3A_82] : memref<80x128xi32, #tpu.memory_space<hbm>> -> memref<2x128xi32, #tpu.memory_space<hbm>>
    tpu.enqueue_dma source(%dma_start3A_83 : memref<2x128xi32, #tpu.memory_space<hbm>>) target(%dma_start3A_76 : memref<2x128xi32, #tpu.memory_space<vmem>>) target_semaphore(%arg13 : memref<!tpu.dma_semaphore, #tpu.memory_space<semaphore_mem>>)
    %dma_wait3A = arith.constant 0 : i32
    %dma_wait3A_84 = arith.constant 0 : i32
    %dma_wait3A_85 = tpu.memref_slice %arg7[%dma_wait3A, %dma_wait3A_84] : memref<4x128xi32, #tpu.memory_space<vmem>> -> memref<2x128xi32, #tpu.memory_space<vmem>>
    %dma_wait3A_86 = arith.constant 0 : i32
    %dma_wait3A_87 = arith.constant 0 : i32
    %dma_wait3A_88 = tpu.memref_slice %arg3[%add3A, %dma_wait3A_86, %dma_wait3A_87] : memref<32x80x128xi32, #tpu.memory_space<hbm>> -> memref<1x80x128xi32, #tpu.memory_space<hbm>>
    %dma_wait3A_89 = tpu.memref_squeeze %dma_wait3A_88 : memref<1x80x128xi32, #tpu.memory_space<hbm>> -> memref<80x128xi32, #tpu.memory_space<hbm>>
    %dma_wait3A_90 = arith.constant 0 : i32
    %dma_wait3A_91 = arith.constant 0 : i32
    %dma_wait3A_92 = tpu.memref_slice %dma_wait3A_89[%dma_wait3A_90, %dma_wait3A_91] : memref<80x128xi32, #tpu.memory_space<hbm>> -> memref<2x128xi32, #tpu.memory_space<hbm>>
    %dma_wait3A_93 = arith.constant 0 : i32
    %dma_wait3A_94 = arith.constant 0 : i32
    %dma_wait3A_95 = tpu.memref_slice %arg7[%dma_wait3A_93, %dma_wait3A_94] : memref<4x128xi32, #tpu.memory_space<vmem>> -> memref<2x128xi32, #tpu.memory_space<vmem>>
    %dma_wait3A_96 = arith.constant 0 : i32
    %dma_wait3A_97 = arith.constant 0 : i32
    %dma_wait3A_98 = tpu.memref_slice %arg3[%add3A, %dma_wait3A_96, %dma_wait3A_97] : memref<32x80x128xi32, #tpu.memory_space<hbm>> -> memref<1x80x128xi32, #tpu.memory_space<hbm>>
    %dma_wait3A_99 = tpu.memref_squeeze %dma_wait3A_98 : memref<1x80x128xi32, #tpu.memory_space<hbm>> -> memref<80x128xi32, #tpu.memory_space<hbm>>
    %dma_wait3A_100 = arith.constant 0 : i32
    %dma_wait3A_101 = arith.constant 0 : i32
    %dma_wait3A_102 = tpu.memref_slice %dma_wait3A_99[%dma_wait3A_100, %dma_wait3A_101] : memref<80x128xi32, #tpu.memory_space<hbm>> -> memref<2x128xi32, #tpu.memory_space<hbm>>
    tpu.wait_dma2 semaphore(%arg12 : memref<!tpu.dma_semaphore, #tpu.memory_space<semaphore_mem>>) src(%dma_wait3A_102 : memref<2x128xi32, #tpu.memory_space<hbm>>) dst(%dma_wait3A_95 : memref<2x128xi32, #tpu.memory_space<vmem>>)
    %dma_wait3A_103 = arith.constant 0 : i32
    %dma_wait3A_104 = arith.constant 0 : i32
    %dma_wait3A_105 = tpu.memref_slice %arg8[%dma_wait3A_103, %dma_wait3A_104] : memref<4x128xi32, #tpu.memory_space<vmem>> -> memref<2x128xi32, #tpu.memory_space<vmem>>
    %dma_wait3A_106 = arith.constant 0 : i32
    %dma_wait3A_107 = arith.constant 0 : i32
    %dma_wait3A_108 = tpu.memref_slice %arg4[%add3A, %dma_wait3A_106, %dma_wait3A_107] : memref<32x80x128xi32, #tpu.memory_space<hbm>> -> memref<1x80x128xi32, #tpu.memory_space<hbm>>
    %dma_wait3A_109 = tpu.memref_squeeze %dma_wait3A_108 : memref<1x80x128xi32, #tpu.memory_space<hbm>> -> memref<80x128xi32, #tpu.memory_space<hbm>>
    %dma_wait3A_110 = arith.constant 0 : i32
    %dma_wait3A_111 = arith.constant 0 : i32
    %dma_wait3A_112 = tpu.memref_slice %dma_wait3A_109[%dma_wait3A_110, %dma_wait3A_111] : memref<80x128xi32, #tpu.memory_space<hbm>> -> memref<2x128xi32, #tpu.memory_space<hbm>>
    %dma_wait3A_113 = arith.constant 0 : i32
    %dma_wait3A_114 = arith.constant 0 : i32
    %dma_wait3A_115 = tpu.memref_slice %arg8[%dma_wait3A_113, %dma_wait3A_114] : memref<4x128xi32, #tpu.memory_space<vmem>> -> memref<2x128xi32, #tpu.memory_space<vmem>>
    %dma_wait3A_116 = arith.constant 0 : i32
    %dma_wait3A_117 = arith.constant 0 : i32
    %dma_wait3A_118 = tpu.memref_slice %arg4[%add3A, %dma_wait3A_116, %dma_wait3A_117] : memref<32x80x128xi32, #tpu.memory_space<hbm>> -> memref<1x80x128xi32, #tpu.memory_space<hbm>>
    %dma_wait3A_119 = tpu.memref_squeeze %dma_wait3A_118 : memref<1x80x128xi32, #tpu.memory_space<hbm>> -> memref<80x128xi32, #tpu.memory_space<hbm>>
    %dma_wait3A_120 = arith.constant 0 : i32
    %dma_wait3A_121 = arith.constant 0 : i32
    %dma_wait3A_122 = tpu.memref_slice %dma_wait3A_119[%dma_wait3A_120, %dma_wait3A_121] : memref<80x128xi32, #tpu.memory_space<hbm>> -> memref<2x128xi32, #tpu.memory_space<hbm>>
    tpu.wait_dma2 semaphore(%arg12 : memref<!tpu.dma_semaphore, #tpu.memory_space<semaphore_mem>>) src(%dma_wait3A_122 : memref<2x128xi32, #tpu.memory_space<hbm>>) dst(%dma_wait3A_115 : memref<2x128xi32, #tpu.memory_space<vmem>>)
    %dma_start3A_123 = arith.constant 0 : i32
    %dma_start3A_124 = arith.constant 0 : i32
    %dma_start3A_125 = tpu.memref_slice %arg7[%dma_start3A_123, %dma_start3A_124] : memref<4x128xi32, #tpu.memory_space<vmem>> -> memref<1x128xi32, #tpu.memory_space<vmem>>
    %dma_start3A_126 = tpu.memref_squeeze %dma_start3A_125 : memref<1x128xi32, #tpu.memory_space<vmem>> -> memref<128xi32, #tpu.memory_space<vmem>>
    %dma_start3A_127 = arith.constant 0 : i32
    %dma_start3A_128 = arith.constant 0 : i32
    %dma_start3A_129 = tpu.memref_slice %arg2[%dma_start3A_127, %dma_start3A_128] : memref<10240x128xf32, #tpu.memory_space<hbm>> -> memref<10240x128xf32, #tpu.memory_space<hbm>>
    tpu.enqueue_indirect_dma source(%dma_start3A_129 : memref<10240x128xf32, #tpu.memory_space<hbm>>) target(%arg9 : memref<128x128xf32, #tpu.memory_space<vmem>>) offsets(%dma_start3A_126 : memref<128xi32, #tpu.memory_space<vmem>>) semaphore(%arg14 : memref<!tpu.dma_semaphore, #tpu.memory_space<semaphore_mem>>)
    %dma_start3A_130 = arith.constant 1 : i32
    %dma_start3A_131 = arith.constant 0 : i32
    %dma_start3A_132 = tpu.memref_slice %arg7[%dma_start3A_130, %dma_start3A_131] : memref<4x128xi32, #tpu.memory_space<vmem>> -> memref<1x128xi32, #tpu.memory_space<vmem>>
    %dma_start3A_133 = tpu.memref_squeeze %dma_start3A_132 : memref<1x128xi32, #tpu.memory_space<vmem>> -> memref<128xi32, #tpu.memory_space<vmem>>
    %dma_start3A_134 = arith.constant 0 : i32
    %dma_start3A_135 = arith.constant 0 : i32
    %dma_start3A_136 = tpu.memref_slice %arg2[%dma_start3A_134, %dma_start3A_135] : memref<10240x128xf32, #tpu.memory_space<hbm>> -> memref<10240x128xf32, #tpu.memory_space<hbm>>
    tpu.enqueue_indirect_dma source(%dma_start3A_136 : memref<10240x128xf32, #tpu.memory_space<hbm>>) target(%arg10 : memref<128x128xf32, #tpu.memory_space<vmem>>) offsets(%dma_start3A_133 : memref<128xi32, #tpu.memory_space<vmem>>) semaphore(%arg15 : memref<!tpu.dma_semaphore, #tpu.memory_space<semaphore_mem>>)
    %scan3A = arith.constant 0 : i32
    %scan3A_137 = arith.constant 0 : i32
    %scan3A_138 = arith.constant 20 : i32
    %scan3A_139 = arith.addi %scan3A_137, %scan3A_138 : i32
    %scan3A_140 = arith.constant 1 : i32
    scf.for %scan3A_147 = %scan3A_137 to %scan3A_139 step %scan3A_140  : i32 {
      %mul3A_148 = arith.constant 4 : i32
      %mul3A_149 = arith.muli %mul3A_148, %scan3A_147 : i32
      %dma_wait3A_150 = arith.constant 0 : i32
      %dma_wait3A_151 = arith.constant 0 : i32
      %dma_wait3A_152 = tpu.memref_slice %arg7[%dma_wait3A_150, %dma_wait3A_151] : memref<4x128xi32, #tpu.memory_space<vmem>> -> memref<1x128xi32, #tpu.memory_space<vmem>>
      %dma_wait3A_153 = tpu.memref_squeeze %dma_wait3A_152 : memref<1x128xi32, #tpu.memory_space<vmem>> -> memref<128xi32, #tpu.memory_space<vmem>>
      %dma_wait3A_154 = arith.constant 0 : i32
      %dma_wait3A_155 = arith.constant 0 : i32
      %dma_wait3A_156 = tpu.memref_slice %arg2[%dma_wait3A_154, %dma_wait3A_155] : memref<10240x128xf32, #tpu.memory_space<hbm>> -> memref<10240x128xf32, #tpu.memory_space<hbm>>
      tpu.wait_indirect_dma semaphore(%arg14 : memref<!tpu.dma_semaphore, #tpu.memory_space<semaphore_mem>>) src(%dma_wait3A_156 : memref<10240x128xf32, #tpu.memory_space<hbm>>) dst(%arg9 : memref<128x128xf32, #tpu.memory_space<vmem>>)
      %dma_start3A_157 = arith.constant 0 : i32
      %dma_start3A_158 = arith.constant 0 : i32
      %dma_start3A_159 = tpu.memref_slice %arg8[%dma_start3A_157, %dma_start3A_158] : memref<4x128xi32, #tpu.memory_space<vmem>> -> memref<1x128xi32, #tpu.memory_space<vmem>>
      %dma_start3A_160 = tpu.memref_squeeze %dma_start3A_159 : memref<1x128xi32, #tpu.memory_space<vmem>> -> memref<128xi32, #tpu.memory_space<vmem>>
      %dma_start3A_161 = arith.constant 0 : i32
      %dma_start3A_162 = arith.constant 0 : i32
      %dma_start3A_163 = tpu.memref_slice %arg11[%dma_start3A_161, %dma_start3A_162] : memref<10240x128xf32, #tpu.memory_space<vmem_shared>> -> memref<10240x128xf32, #tpu.memory_space<vmem_shared>>
      tpu.enqueue_indirect_dma source(%arg9 : memref<128x128xf32, #tpu.memory_space<vmem>>) target(%dma_start3A_163 : memref<10240x128xf32, #tpu.memory_space<vmem_shared>>) offsets(%dma_start3A_160 : memref<128xi32, #tpu.memory_space<vmem>>) semaphore(%arg16 : memref<!tpu.dma_semaphore, #tpu.memory_space<semaphore_mem>>) {add = true}
      %dma_wait3A_164 = arith.constant 1 : i32
      %dma_wait3A_165 = arith.constant 0 : i32
      %dma_wait3A_166 = tpu.memref_slice %arg7[%dma_wait3A_164, %dma_wait3A_165] : memref<4x128xi32, #tpu.memory_space<vmem>> -> memref<1x128xi32, #tpu.memory_space<vmem>>
      %dma_wait3A_167 = tpu.memref_squeeze %dma_wait3A_166 : memref<1x128xi32, #tpu.memory_space<vmem>> -> memref<128xi32, #tpu.memory_space<vmem>>
      %dma_wait3A_168 = arith.constant 0 : i32
      %dma_wait3A_169 = arith.constant 0 : i32
      %dma_wait3A_170 = tpu.memref_slice %arg2[%dma_wait3A_168, %dma_wait3A_169] : memref<10240x128xf32, #tpu.memory_space<hbm>> -> memref<10240x128xf32, #tpu.memory_space<hbm>>
      tpu.wait_indirect_dma semaphore(%arg15 : memref<!tpu.dma_semaphore, #tpu.memory_space<semaphore_mem>>) src(%dma_wait3A_170 : memref<10240x128xf32, #tpu.memory_space<hbm>>) dst(%arg10 : memref<128x128xf32, #tpu.memory_space<vmem>>)
      %dma_start3A_171 = arith.constant 1 : i32
      %dma_start3A_172 = arith.constant 0 : i32
      %dma_start3A_173 = tpu.memref_slice %arg8[%dma_start3A_171, %dma_start3A_172] : memref<4x128xi32, #tpu.memory_space<vmem>> -> memref<1x128xi32, #tpu.memory_space<vmem>>
      %dma_start3A_174 = tpu.memref_squeeze %dma_start3A_173 : memref<1x128xi32, #tpu.memory_space<vmem>> -> memref<128xi32, #tpu.memory_space<vmem>>
      %dma_start3A_175 = arith.constant 0 : i32
      %dma_start3A_176 = arith.constant 0 : i32
      %dma_start3A_177 = tpu.memref_slice %arg11[%dma_start3A_175, %dma_start3A_176] : memref<10240x128xf32, #tpu.memory_space<vmem_shared>> -> memref<10240x128xf32, #tpu.memory_space<vmem_shared>>
      tpu.enqueue_indirect_dma source(%arg10 : memref<128x128xf32, #tpu.memory_space<vmem>>) target(%dma_start3A_177 : memref<10240x128xf32, #tpu.memory_space<vmem_shared>>) offsets(%dma_start3A_174 : memref<128xi32, #tpu.memory_space<vmem>>) semaphore(%arg17 : memref<!tpu.dma_semaphore, #tpu.memory_space<semaphore_mem>>) {add = true}
      %add3A_178 = arith.constant 2 : i32
      %add3A_179 = arith.addi %mul3A_149, %add3A_178 : i32
      %dma_wait3A_180 = arith.constant 2 : i32
      %dma_wait3A_181 = arith.constant 0 : i32
      %dma_wait3A_182 = tpu.memref_slice %arg7[%dma_wait3A_180, %dma_wait3A_181] : memref<4x128xi32, #tpu.memory_space<vmem>> -> memref<2x128xi32, #tpu.memory_space<vmem>>
      %dma_wait3A_183 = arith.constant 0 : i32
      %dma_wait3A_184 = arith.constant 0 : i32
      %dma_wait3A_185 = tpu.memref_slice %arg3[%add3A, %dma_wait3A_183, %dma_wait3A_184] : memref<32x80x128xi32, #tpu.memory_space<hbm>> -> memref<1x80x128xi32, #tpu.memory_space<hbm>>
      %dma_wait3A_186 = tpu.memref_squeeze %dma_wait3A_185 : memref<1x80x128xi32, #tpu.memory_space<hbm>> -> memref<80x128xi32, #tpu.memory_space<hbm>>
      %dma_wait3A_187 = arith.constant 0 : i32
      %dma_wait3A_188 = tpu.memref_slice %dma_wait3A_186[%add3A_179, %dma_wait3A_187] : memref<80x128xi32, #tpu.memory_space<hbm>> -> memref<2x128xi32, #tpu.memory_space<hbm>>
      %dma_wait3A_189 = arith.constant 2 : i32
      %dma_wait3A_190 = arith.constant 0 : i32
      %dma_wait3A_191 = tpu.memref_slice %arg7[%dma_wait3A_189, %dma_wait3A_190] : memref<4x128xi32, #tpu.memory_space<vmem>> -> memref<2x128xi32, #tpu.memory_space<vmem>>
      %dma_wait3A_192 = arith.constant 0 : i32
      %dma_wait3A_193 = arith.constant 0 : i32
      %dma_wait3A_194 = tpu.memref_slice %arg3[%add3A, %dma_wait3A_192, %dma_wait3A_193] : memref<32x80x128xi32, #tpu.memory_space<hbm>> -> memref<1x80x128xi32, #tpu.memory_space<hbm>>
      %dma_wait3A_195 = tpu.memref_squeeze %dma_wait3A_194 : memref<1x80x128xi32, #tpu.memory_space<hbm>> -> memref<80x128xi32, #tpu.memory_space<hbm>>
      %dma_wait3A_196 = arith.constant 0 : i32
      %dma_wait3A_197 = tpu.memref_slice %dma_wait3A_195[%add3A_179, %dma_wait3A_196] : memref<80x128xi32, #tpu.memory_space<hbm>> -> memref<2x128xi32, #tpu.memory_space<hbm>>
      tpu.wait_dma2 semaphore(%arg13 : memref<!tpu.dma_semaphore, #tpu.memory_space<semaphore_mem>>) src(%dma_wait3A_197 : memref<2x128xi32, #tpu.memory_space<hbm>>) dst(%dma_wait3A_191 : memref<2x128xi32, #tpu.memory_space<vmem>>)
      %dma_wait3A_198 = arith.constant 2 : i32
      %dma_wait3A_199 = arith.constant 0 : i32
      %dma_wait3A_200 = tpu.memref_slice %arg8[%dma_wait3A_198, %dma_wait3A_199] : memref<4x128xi32, #tpu.memory_space<vmem>> -> memref<2x128xi32, #tpu.memory_space<vmem>>
      %dma_wait3A_201 = arith.constant 0 : i32
      %dma_wait3A_202 = arith.constant 0 : i32
      %dma_wait3A_203 = tpu.memref_slice %arg4[%add3A, %dma_wait3A_201, %dma_wait3A_202] : memref<32x80x128xi32, #tpu.memory_space<hbm>> -> memref<1x80x128xi32, #tpu.memory_space<hbm>>
      %dma_wait3A_204 = tpu.memref_squeeze %dma_wait3A_203 : memref<1x80x128xi32, #tpu.memory_space<hbm>> -> memref<80x128xi32, #tpu.memory_space<hbm>>
      %dma_wait3A_205 = arith.constant 0 : i32
      %dma_wait3A_206 = tpu.memref_slice %dma_wait3A_204[%add3A_179, %dma_wait3A_205] : memref<80x128xi32, #tpu.memory_space<hbm>> -> memref<2x128xi32, #tpu.memory_space<hbm>>
      %dma_wait3A_207 = arith.constant 2 : i32
      %dma_wait3A_208 = arith.constant 0 : i32
      %dma_wait3A_209 = tpu.memref_slice %arg8[%dma_wait3A_207, %dma_wait3A_208] : memref<4x128xi32, #tpu.memory_space<vmem>> -> memref<2x128xi32, #tpu.memory_space<vmem>>
      %dma_wait3A_210 = arith.constant 0 : i32
      %dma_wait3A_211 = arith.constant 0 : i32
      %dma_wait3A_212 = tpu.memref_slice %arg4[%add3A, %dma_wait3A_210, %dma_wait3A_211] : memref<32x80x128xi32, #tpu.memory_space<hbm>> -> memref<1x80x128xi32, #tpu.memory_space<hbm>>
      %dma_wait3A_213 = tpu.memref_squeeze %dma_wait3A_212 : memref<1x80x128xi32, #tpu.memory_space<hbm>> -> memref<80x128xi32, #tpu.memory_space<hbm>>
      %dma_wait3A_214 = arith.constant 0 : i32
      %dma_wait3A_215 = tpu.memref_slice %dma_wait3A_213[%add3A_179, %dma_wait3A_214] : memref<80x128xi32, #tpu.memory_space<hbm>> -> memref<2x128xi32, #tpu.memory_space<hbm>>
      tpu.wait_dma2 semaphore(%arg13 : memref<!tpu.dma_semaphore, #tpu.memory_space<semaphore_mem>>) src(%dma_wait3A_215 : memref<2x128xi32, #tpu.memory_space<hbm>>) dst(%dma_wait3A_209 : memref<2x128xi32, #tpu.memory_space<vmem>>)
      %dma_wait3A_216 = arith.constant 0 : i32
      %dma_wait3A_217 = arith.constant 0 : i32
      %dma_wait3A_218 = tpu.memref_slice %arg8[%dma_wait3A_216, %dma_wait3A_217] : memref<4x128xi32, #tpu.memory_space<vmem>> -> memref<1x128xi32, #tpu.memory_space<vmem>>
      %dma_wait3A_219 = tpu.memref_squeeze %dma_wait3A_218 : memref<1x128xi32, #tpu.memory_space<vmem>> -> memref<128xi32, #tpu.memory_space<vmem>>
      %dma_wait3A_220 = arith.constant 0 : i32
      %dma_wait3A_221 = arith.constant 0 : i32
      %dma_wait3A_222 = tpu.memref_slice %arg11[%dma_wait3A_220, %dma_wait3A_221] : memref<10240x128xf32, #tpu.memory_space<vmem_shared>> -> memref<10240x128xf32, #tpu.memory_space<vmem_shared>>
      tpu.wait_indirect_dma semaphore(%arg16 : memref<!tpu.dma_semaphore, #tpu.memory_space<semaphore_mem>>) src(%arg9 : memref<128x128xf32, #tpu.memory_space<vmem>>) dst(%dma_wait3A_222 : memref<10240x128xf32, #tpu.memory_space<vmem_shared>>)
      %dma_start3A_223 = arith.constant 2 : i32
      %dma_start3A_224 = arith.constant 0 : i32
      %dma_start3A_225 = tpu.memref_slice %arg7[%dma_start3A_223, %dma_start3A_224] : memref<4x128xi32, #tpu.memory_space<vmem>> -> memref<1x128xi32, #tpu.memory_space<vmem>>
      %dma_start3A_226 = tpu.memref_squeeze %dma_start3A_225 : memref<1x128xi32, #tpu.memory_space<vmem>> -> memref<128xi32, #tpu.memory_space<vmem>>
      %dma_start3A_227 = arith.constant 0 : i32
      %dma_start3A_228 = arith.constant 0 : i32
      %dma_start3A_229 = tpu.memref_slice %arg2[%dma_start3A_227, %dma_start3A_228] : memref<10240x128xf32, #tpu.memory_space<hbm>> -> memref<10240x128xf32, #tpu.memory_space<hbm>>
      tpu.enqueue_indirect_dma source(%dma_start3A_229 : memref<10240x128xf32, #tpu.memory_space<hbm>>) target(%arg9 : memref<128x128xf32, #tpu.memory_space<vmem>>) offsets(%dma_start3A_226 : memref<128xi32, #tpu.memory_space<vmem>>) semaphore(%arg14 : memref<!tpu.dma_semaphore, #tpu.memory_space<semaphore_mem>>)
      %dma_wait3A_230 = arith.constant 1 : i32
      %dma_wait3A_231 = arith.constant 0 : i32
      %dma_wait3A_232 = tpu.memref_slice %arg8[%dma_wait3A_230, %dma_wait3A_231] : memref<4x128xi32, #tpu.memory_space<vmem>> -> memref<1x128xi32, #tpu.memory_space<vmem>>
      %dma_wait3A_233 = tpu.memref_squeeze %dma_wait3A_232 : memref<1x128xi32, #tpu.memory_space<vmem>> -> memref<128xi32, #tpu.memory_space<vmem>>
      %dma_wait3A_234 = arith.constant 0 : i32
      %dma_wait3A_235 = arith.constant 0 : i32
      %dma_wait3A_236 = tpu.memref_slice %arg11[%dma_wait3A_234, %dma_wait3A_235] : memref<10240x128xf32, #tpu.memory_space<vmem_shared>> -> memref<10240x128xf32, #tpu.memory_space<vmem_shared>>
      tpu.wait_indirect_dma semaphore(%arg17 : memref<!tpu.dma_semaphore, #tpu.memory_space<semaphore_mem>>) src(%arg10 : memref<128x128xf32, #tpu.memory_space<vmem>>) dst(%dma_wait3A_236 : memref<10240x128xf32, #tpu.memory_space<vmem_shared>>)
      %dma_start3A_237 = arith.constant 3 : i32
      %dma_start3A_238 = arith.constant 0 : i32
      %dma_start3A_239 = tpu.memref_slice %arg7[%dma_start3A_237, %dma_start3A_238] : memref<4x128xi32, #tpu.memory_space<vmem>> -> memref<1x128xi32, #tpu.memory_space<vmem>>
      %dma_start3A_240 = tpu.memref_squeeze %dma_start3A_239 : memref<1x128xi32, #tpu.memory_space<vmem>> -> memref<128xi32, #tpu.memory_space<vmem>>
      %dma_start3A_241 = arith.constant 0 : i32
      %dma_start3A_242 = arith.constant 0 : i32
      %dma_start3A_243 = tpu.memref_slice %arg2[%dma_start3A_241, %dma_start3A_242] : memref<10240x128xf32, #tpu.memory_space<hbm>> -> memref<10240x128xf32, #tpu.memory_space<hbm>>
      tpu.enqueue_indirect_dma source(%dma_start3A_243 : memref<10240x128xf32, #tpu.memory_space<hbm>>) target(%arg10 : memref<128x128xf32, #tpu.memory_space<vmem>>) offsets(%dma_start3A_240 : memref<128xi32, #tpu.memory_space<vmem>>) semaphore(%arg15 : memref<!tpu.dma_semaphore, #tpu.memory_space<semaphore_mem>>)
      %lt3A = arith.constant 19 : i32
      %lt3A_244 = arith.cmpi slt, %scan3A_147, %lt3A : i32
      %convert_element_type3A = arith.extui %lt3A_244 : i1 to i32
      %cond3A = arith.constant 0 : i32
      %cond3A_245 = arith.cmpi ne, %convert_element_type3A, %cond3A : i32
      scf.if %cond3A_245 {
        %add3A_283 = arith.constant 4 : i32
        %add3A_284 = arith.addi %mul3A_149, %add3A_283 : i32
        %dma_start3A_285 = arith.constant 0 : i32
        %dma_start3A_286 = arith.constant 0 : i32
        %dma_start3A_287 = tpu.memref_slice %arg7[%dma_start3A_285, %dma_start3A_286] : memref<4x128xi32, #tpu.memory_space<vmem>> -> memref<2x128xi32, #tpu.memory_space<vmem>>
        %dma_start3A_288 = arith.constant 0 : i32
        %dma_start3A_289 = arith.constant 0 : i32
        %dma_start3A_290 = tpu.memref_slice %arg3[%add3A, %dma_start3A_288, %dma_start3A_289] : memref<32x80x128xi32, #tpu.memory_space<hbm>> -> memref<1x80x128xi32, #tpu.memory_space<hbm>>
        %dma_start3A_291 = tpu.memref_squeeze %dma_start3A_290 : memref<1x80x128xi32, #tpu.memory_space<hbm>> -> memref<80x128xi32, #tpu.memory_space<hbm>>
        %dma_start3A_292 = arith.constant 0 : i32
        %dma_start3A_293 = tpu.memref_slice %dma_start3A_291[%add3A_284, %dma_start3A_292] : memref<80x128xi32, #tpu.memory_space<hbm>> -> memref<2x128xi32, #tpu.memory_space<hbm>>
        %dma_start3A_294 = arith.constant 0 : i32
        %dma_start3A_295 = arith.constant 0 : i32
        %dma_start3A_296 = tpu.memref_slice %arg7[%dma_start3A_294, %dma_start3A_295] : memref<4x128xi32, #tpu.memory_space<vmem>> -> memref<2x128xi32, #tpu.memory_space<vmem>>
        %dma_start3A_297 = arith.constant 0 : i32
        %dma_start3A_298 = arith.constant 0 : i32
        %dma_start3A_299 = tpu.memref_slice %arg3[%add3A, %dma_start3A_297, %dma_start3A_298] : memref<32x80x128xi32, #tpu.memory_space<hbm>> -> memref<1x80x128xi32, #tpu.memory_space<hbm>>
        %dma_start3A_300 = tpu.memref_squeeze %dma_start3A_299 : memref<1x80x128xi32, #tpu.memory_space<hbm>> -> memref<80x128xi32, #tpu.memory_space<hbm>>
        %dma_start3A_301 = arith.constant 0 : i32
        %dma_start3A_302 = tpu.memref_slice %dma_start3A_300[%add3A_284, %dma_start3A_301] : memref<80x128xi32, #tpu.memory_space<hbm>> -> memref<2x128xi32, #tpu.memory_space<hbm>>
        tpu.enqueue_dma source(%dma_start3A_302 : memref<2x128xi32, #tpu.memory_space<hbm>>) target(%dma_start3A_296 : memref<2x128xi32, #tpu.memory_space<vmem>>) target_semaphore(%arg12 : memref<!tpu.dma_semaphore, #tpu.memory_space<semaphore_mem>>)
        %dma_start3A_303 = arith.constant 0 : i32
        %dma_start3A_304 = arith.constant 0 : i32
        %dma_start3A_305 = tpu.memref_slice %arg8[%dma_start3A_303, %dma_start3A_304] : memref<4x128xi32, #tpu.memory_space<vmem>> -> memref<2x128xi32, #tpu.memory_space<vmem>>
        %dma_start3A_306 = arith.constant 0 : i32
        %dma_start3A_307 = arith.constant 0 : i32
        %dma_start3A_308 = tpu.memref_slice %arg4[%add3A, %dma_start3A_306, %dma_start3A_307] : memref<32x80x128xi32, #tpu.memory_space<hbm>> -> memref<1x80x128xi32, #tpu.memory_space<hbm>>
        %dma_start3A_309 = tpu.memref_squeeze %dma_start3A_308 : memref<1x80x128xi32, #tpu.memory_space<hbm>> -> memref<80x128xi32, #tpu.memory_space<hbm>>
        %dma_start3A_310 = arith.constant 0 : i32
        %dma_start3A_311 = tpu.memref_slice %dma_start3A_309[%add3A_284, %dma_start3A_310] : memref<80x128xi32, #tpu.memory_space<hbm>> -> memref<2x128xi32, #tpu.memory_space<hbm>>
        %dma_start3A_312 = arith.constant 0 : i32
        %dma_start3A_313 = arith.constant 0 : i32
        %dma_start3A_314 = tpu.memref_slice %arg8[%dma_start3A_312, %dma_start3A_313] : memref<4x128xi32, #tpu.memory_space<vmem>> -> memref<2x128xi32, #tpu.memory_space<vmem>>
        %dma_start3A_315 = arith.constant 0 : i32
        %dma_start3A_316 = arith.constant 0 : i32
        %dma_start3A_317 = tpu.memref_slice %arg4[%add3A, %dma_start3A_315, %dma_start3A_316] : memref<32x80x128xi32, #tpu.memory_space<hbm>> -> memref<1x80x128xi32, #tpu.memory_space<hbm>>
        %dma_start3A_318 = tpu.memref_squeeze %dma_start3A_317 : memref<1x80x128xi32, #tpu.memory_space<hbm>> -> memref<80x128xi32, #tpu.memory_space<hbm>>
        %dma_start3A_319 = arith.constant 0 : i32
        %dma_start3A_320 = tpu.memref_slice %dma_start3A_318[%add3A_284, %dma_start3A_319] : memref<80x128xi32, #tpu.memory_space<hbm>> -> memref<2x128xi32, #tpu.memory_space<hbm>>
        tpu.enqueue_dma source(%dma_start3A_320 : memref<2x128xi32, #tpu.memory_space<hbm>>) target(%dma_start3A_314 : memref<2x128xi32, #tpu.memory_space<vmem>>) target_semaphore(%arg12 : memref<!tpu.dma_semaphore, #tpu.memory_space<semaphore_mem>>)
      } else {
      }
      %dma_wait3A_246 = arith.constant 2 : i32
      %dma_wait3A_247 = arith.constant 0 : i32
      %dma_wait3A_248 = tpu.memref_slice %arg7[%dma_wait3A_246, %dma_wait3A_247] : memref<4x128xi32, #tpu.memory_space<vmem>> -> memref<1x128xi32, #tpu.memory_space<vmem>>
      %dma_wait3A_249 = tpu.memref_squeeze %dma_wait3A_248 : memref<1x128xi32, #tpu.memory_space<vmem>> -> memref<128xi32, #tpu.memory_space<vmem>>
      %dma_wait3A_250 = arith.constant 0 : i32
      %dma_wait3A_251 = arith.constant 0 : i32
      %dma_wait3A_252 = tpu.memref_slice %arg2[%dma_wait3A_250, %dma_wait3A_251] : memref<10240x128xf32, #tpu.memory_space<hbm>> -> memref<10240x128xf32, #tpu.memory_space<hbm>>
      tpu.wait_indirect_dma semaphore(%arg14 : memref<!tpu.dma_semaphore, #tpu.memory_space<semaphore_mem>>) src(%dma_wait3A_252 : memref<10240x128xf32, #tpu.memory_space<hbm>>) dst(%arg9 : memref<128x128xf32, #tpu.memory_space<vmem>>)
      %dma_start3A_253 = arith.constant 2 : i32
      %dma_start3A_254 = arith.constant 0 : i32
      %dma_start3A_255 = tpu.memref_slice %arg8[%dma_start3A_253, %dma_start3A_254] : memref<4x128xi32, #tpu.memory_space<vmem>> -> memref<1x128xi32, #tpu.memory_space<vmem>>
      %dma_start3A_256 = tpu.memref_squeeze %dma_start3A_255 : memref<1x128xi32, #tpu.memory_space<vmem>> -> memref<128xi32, #tpu.memory_space<vmem>>
      %dma_start3A_257 = arith.constant 0 : i32
      %dma_start3A_258 = arith.constant 0 : i32
      %dma_start3A_259 = tpu.memref_slice %arg11[%dma_start3A_257, %dma_start3A_258] : memref<10240x128xf32, #tpu.memory_space<vmem_shared>> -> memref<10240x128xf32, #tpu.memory_space<vmem_shared>>
      tpu.enqueue_indirect_dma source(%arg9 : memref<128x128xf32, #tpu.memory_space<vmem>>) target(%dma_start3A_259 : memref<10240x128xf32, #tpu.memory_space<vmem_shared>>) offsets(%dma_start3A_256 : memref<128xi32, #tpu.memory_space<vmem>>) semaphore(%arg16 : memref<!tpu.dma_semaphore, #tpu.memory_space<semaphore_mem>>) {add = true}
      %dma_wait3A_260 = arith.constant 3 : i32
      %dma_wait3A_261 = arith.constant 0 : i32
      %dma_wait3A_262 = tpu.memref_slice %arg7[%dma_wait3A_260, %dma_wait3A_261] : memref<4x128xi32, #tpu.memory_space<vmem>> -> memref<1x128xi32, #tpu.memory_space<vmem>>
      %dma_wait3A_263 = tpu.memref_squeeze %dma_wait3A_262 : memref<1x128xi32, #tpu.memory_space<vmem>> -> memref<128xi32, #tpu.memory_space<vmem>>
      %dma_wait3A_264 = arith.constant 0 : i32
      %dma_wait3A_265 = arith.constant 0 : i32
      %dma_wait3A_266 = tpu.memref_slice %arg2[%dma_wait3A_264, %dma_wait3A_265] : memref<10240x128xf32, #tpu.memory_space<hbm>> -> memref<10240x128xf32, #tpu.memory_space<hbm>>
      tpu.wait_indirect_dma semaphore(%arg15 : memref<!tpu.dma_semaphore, #tpu.memory_space<semaphore_mem>>) src(%dma_wait3A_266 : memref<10240x128xf32, #tpu.memory_space<hbm>>) dst(%arg10 : memref<128x128xf32, #tpu.memory_space<vmem>>)
      %dma_start3A_267 = arith.constant 3 : i32
      %dma_start3A_268 = arith.constant 0 : i32
      %dma_start3A_269 = tpu.memref_slice %arg8[%dma_start3A_267, %dma_start3A_268] : memref<4x128xi32, #tpu.memory_space<vmem>> -> memref<1x128xi32, #tpu.memory_space<vmem>>
      %dma_start3A_270 = tpu.memref_squeeze %dma_start3A_269 : memref<1x128xi32, #tpu.memory_space<vmem>> -> memref<128xi32, #tpu.memory_space<vmem>>
      %dma_start3A_271 = arith.constant 0 : i32
      %dma_start3A_272 = arith.constant 0 : i32
      %dma_start3A_273 = tpu.memref_slice %arg11[%dma_start3A_271, %dma_start3A_272] : memref<10240x128xf32, #tpu.memory_space<vmem_shared>> -> memref<10240x128xf32, #tpu.memory_space<vmem_shared>>
      tpu.enqueue_indirect_dma source(%arg10 : memref<128x128xf32, #tpu.memory_space<vmem>>) target(%dma_start3A_273 : memref<10240x128xf32, #tpu.memory_space<vmem_shared>>) offsets(%dma_start3A_270 : memref<128xi32, #tpu.memory_space<vmem>>) semaphore(%arg17 : memref<!tpu.dma_semaphore, #tpu.memory_space<semaphore_mem>>) {add = true}
      %lt3A_274 = arith.constant 19 : i32
      %lt3A_275 = arith.cmpi slt, %scan3A_147, %lt3A_274 : i32
      %convert_element_type3A_276 = arith.extui %lt3A_275 : i1 to i32
      %cond3A_277 = arith.constant 0 : i32
      %cond3A_278 = arith.cmpi ne, %convert_element_type3A_276, %cond3A_277 : i32
      scf.if %cond3A_278 {
        %add3A_283 = arith.constant 4 : i32
        %add3A_284 = arith.addi %mul3A_149, %add3A_283 : i32
        %dma_wait3A_285 = arith.constant 0 : i32
        %dma_wait3A_286 = arith.constant 0 : i32
        %dma_wait3A_287 = tpu.memref_slice %arg7[%dma_wait3A_285, %dma_wait3A_286] : memref<4x128xi32, #tpu.memory_space<vmem>> -> memref<2x128xi32, #tpu.memory_space<vmem>>
        %dma_wait3A_288 = arith.constant 0 : i32
        %dma_wait3A_289 = arith.constant 0 : i32
        %dma_wait3A_290 = tpu.memref_slice %arg3[%add3A, %dma_wait3A_288, %dma_wait3A_289] : memref<32x80x128xi32, #tpu.memory_space<hbm>> -> memref<1x80x128xi32, #tpu.memory_space<hbm>>
        %dma_wait3A_291 = tpu.memref_squeeze %dma_wait3A_290 : memref<1x80x128xi32, #tpu.memory_space<hbm>> -> memref<80x128xi32, #tpu.memory_space<hbm>>
        %dma_wait3A_292 = arith.constant 0 : i32
        %dma_wait3A_293 = tpu.memref_slice %dma_wait3A_291[%add3A_284, %dma_wait3A_292] : memref<80x128xi32, #tpu.memory_space<hbm>> -> memref<2x128xi32, #tpu.memory_space<hbm>>
        %dma_wait3A_294 = arith.constant 0 : i32
        %dma_wait3A_295 = arith.constant 0 : i32
        %dma_wait3A_296 = tpu.memref_slice %arg7[%dma_wait3A_294, %dma_wait3A_295] : memref<4x128xi32, #tpu.memory_space<vmem>> -> memref<2x128xi32, #tpu.memory_space<vmem>>
        %dma_wait3A_297 = arith.constant 0 : i32
        %dma_wait3A_298 = arith.constant 0 : i32
        %dma_wait3A_299 = tpu.memref_slice %arg3[%add3A, %dma_wait3A_297, %dma_wait3A_298] : memref<32x80x128xi32, #tpu.memory_space<hbm>> -> memref<1x80x128xi32, #tpu.memory_space<hbm>>
        %dma_wait3A_300 = tpu.memref_squeeze %dma_wait3A_299 : memref<1x80x128xi32, #tpu.memory_space<hbm>> -> memref<80x128xi32, #tpu.memory_space<hbm>>
        %dma_wait3A_301 = arith.constant 0 : i32
        %dma_wait3A_302 = tpu.memref_slice %dma_wait3A_300[%add3A_284, %dma_wait3A_301] : memref<80x128xi32, #tpu.memory_space<hbm>> -> memref<2x128xi32, #tpu.memory_space<hbm>>
        tpu.wait_dma2 semaphore(%arg12 : memref<!tpu.dma_semaphore, #tpu.memory_space<semaphore_mem>>) src(%dma_wait3A_302 : memref<2x128xi32, #tpu.memory_space<hbm>>) dst(%dma_wait3A_296 : memref<2x128xi32, #tpu.memory_space<vmem>>)
        %dma_wait3A_303 = arith.constant 0 : i32
        %dma_wait3A_304 = arith.constant 0 : i32
        %dma_wait3A_305 = tpu.memref_slice %arg8[%dma_wait3A_303, %dma_wait3A_304] : memref<4x128xi32, #tpu.memory_space<vmem>> -> memref<2x128xi32, #tpu.memory_space<vmem>>
        %dma_wait3A_306 = arith.constant 0 : i32
        %dma_wait3A_307 = arith.constant 0 : i32
        %dma_wait3A_308 = tpu.memref_slice %arg4[%add3A, %dma_wait3A_306, %dma_wait3A_307] : memref<32x80x128xi32, #tpu.memory_space<hbm>> -> memref<1x80x128xi32, #tpu.memory_space<hbm>>
        %dma_wait3A_309 = tpu.memref_squeeze %dma_wait3A_308 : memref<1x80x128xi32, #tpu.memory_space<hbm>> -> memref<80x128xi32, #tpu.memory_space<hbm>>
        %dma_wait3A_310 = arith.constant 0 : i32
        %dma_wait3A_311 = tpu.memref_slice %dma_wait3A_309[%add3A_284, %dma_wait3A_310] : memref<80x128xi32, #tpu.memory_space<hbm>> -> memref<2x128xi32, #tpu.memory_space<hbm>>
        %dma_wait3A_312 = arith.constant 0 : i32
        %dma_wait3A_313 = arith.constant 0 : i32
        %dma_wait3A_314 = tpu.memref_slice %arg8[%dma_wait3A_312, %dma_wait3A_313] : memref<4x128xi32, #tpu.memory_space<vmem>> -> memref<2x128xi32, #tpu.memory_space<vmem>>
        %dma_wait3A_315 = arith.constant 0 : i32
        %dma_wait3A_316 = arith.constant 0 : i32
        %dma_wait3A_317 = tpu.memref_slice %arg4[%add3A, %dma_wait3A_315, %dma_wait3A_316] : memref<32x80x128xi32, #tpu.memory_space<hbm>> -> memref<1x80x128xi32, #tpu.memory_space<hbm>>
        %dma_wait3A_318 = tpu.memref_squeeze %dma_wait3A_317 : memref<1x80x128xi32, #tpu.memory_space<hbm>> -> memref<80x128xi32, #tpu.memory_space<hbm>>
        %dma_wait3A_319 = arith.constant 0 : i32
        %dma_wait3A_320 = tpu.memref_slice %dma_wait3A_318[%add3A_284, %dma_wait3A_319] : memref<80x128xi32, #tpu.memory_space<hbm>> -> memref<2x128xi32, #tpu.memory_space<hbm>>
        tpu.wait_dma2 semaphore(%arg12 : memref<!tpu.dma_semaphore, #tpu.memory_space<semaphore_mem>>) src(%dma_wait3A_320 : memref<2x128xi32, #tpu.memory_space<hbm>>) dst(%dma_wait3A_314 : memref<2x128xi32, #tpu.memory_space<vmem>>)
        %dma_wait3A_321 = arith.constant 2 : i32
        %dma_wait3A_322 = arith.constant 0 : i32
        %dma_wait3A_323 = tpu.memref_slice %arg8[%dma_wait3A_321, %dma_wait3A_322] : memref<4x128xi32, #tpu.memory_space<vmem>> -> memref<1x128xi32, #tpu.memory_space<vmem>>
        %dma_wait3A_324 = tpu.memref_squeeze %dma_wait3A_323 : memref<1x128xi32, #tpu.memory_space<vmem>> -> memref<128xi32, #tpu.memory_space<vmem>>
        %dma_wait3A_325 = arith.constant 0 : i32
        %dma_wait3A_326 = arith.constant 0 : i32
        %dma_wait3A_327 = tpu.memref_slice %arg11[%dma_wait3A_325, %dma_wait3A_326] : memref<10240x128xf32, #tpu.memory_space<vmem_shared>> -> memref<10240x128xf32, #tpu.memory_space<vmem_shared>>
        tpu.wait_indirect_dma semaphore(%arg16 : memref<!tpu.dma_semaphore, #tpu.memory_space<semaphore_mem>>) src(%arg9 : memref<128x128xf32, #tpu.memory_space<vmem>>) dst(%dma_wait3A_327 : memref<10240x128xf32, #tpu.memory_space<vmem_shared>>)
        %dma_start3A_328 = arith.constant 0 : i32
        %dma_start3A_329 = arith.constant 0 : i32
        %dma_start3A_330 = tpu.memref_slice %arg7[%dma_start3A_328, %dma_start3A_329] : memref<4x128xi32, #tpu.memory_space<vmem>> -> memref<1x128xi32, #tpu.memory_space<vmem>>
        %dma_start3A_331 = tpu.memref_squeeze %dma_start3A_330 : memref<1x128xi32, #tpu.memory_space<vmem>> -> memref<128xi32, #tpu.memory_space<vmem>>
        %dma_start3A_332 = arith.constant 0 : i32
        %dma_start3A_333 = arith.constant 0 : i32
        %dma_start3A_334 = tpu.memref_slice %arg2[%dma_start3A_332, %dma_start3A_333] : memref<10240x128xf32, #tpu.memory_space<hbm>> -> memref<10240x128xf32, #tpu.memory_space<hbm>>
        tpu.enqueue_indirect_dma source(%dma_start3A_334 : memref<10240x128xf32, #tpu.memory_space<hbm>>) target(%arg9 : memref<128x128xf32, #tpu.memory_space<vmem>>) offsets(%dma_start3A_331 : memref<128xi32, #tpu.memory_space<vmem>>) semaphore(%arg14 : memref<!tpu.dma_semaphore, #tpu.memory_space<semaphore_mem>>)
        %dma_wait3A_335 = arith.constant 3 : i32
        %dma_wait3A_336 = arith.constant 0 : i32
        %dma_wait3A_337 = tpu.memref_slice %arg8[%dma_wait3A_335, %dma_wait3A_336] : memref<4x128xi32, #tpu.memory_space<vmem>> -> memref<1x128xi32, #tpu.memory_space<vmem>>
        %dma_wait3A_338 = tpu.memref_squeeze %dma_wait3A_337 : memref<1x128xi32, #tpu.memory_space<vmem>> -> memref<128xi32, #tpu.memory_space<vmem>>
        %dma_wait3A_339 = arith.constant 0 : i32
        %dma_wait3A_340 = arith.constant 0 : i32
        %dma_wait3A_341 = tpu.memref_slice %arg11[%dma_wait3A_339, %dma_wait3A_340] : memref<10240x128xf32, #tpu.memory_space<vmem_shared>> -> memref<10240x128xf32, #tpu.memory_space<vmem_shared>>
        tpu.wait_indirect_dma semaphore(%arg17 : memref<!tpu.dma_semaphore, #tpu.memory_space<semaphore_mem>>) src(%arg10 : memref<128x128xf32, #tpu.memory_space<vmem>>) dst(%dma_wait3A_341 : memref<10240x128xf32, #tpu.memory_space<vmem_shared>>)
        %dma_start3A_342 = arith.constant 1 : i32
        %dma_start3A_343 = arith.constant 0 : i32
        %dma_start3A_344 = tpu.memref_slice %arg7[%dma_start3A_342, %dma_start3A_343] : memref<4x128xi32, #tpu.memory_space<vmem>> -> memref<1x128xi32, #tpu.memory_space<vmem>>
        %dma_start3A_345 = tpu.memref_squeeze %dma_start3A_344 : memref<1x128xi32, #tpu.memory_space<vmem>> -> memref<128xi32, #tpu.memory_space<vmem>>
        %dma_start3A_346 = arith.constant 0 : i32
        %dma_start3A_347 = arith.constant 0 : i32
        %dma_start3A_348 = tpu.memref_slice %arg2[%dma_start3A_346, %dma_start3A_347] : memref<10240x128xf32, #tpu.memory_space<hbm>> -> memref<10240x128xf32, #tpu.memory_space<hbm>>
        tpu.enqueue_indirect_dma source(%dma_start3A_348 : memref<10240x128xf32, #tpu.memory_space<hbm>>) target(%arg10 : memref<128x128xf32, #tpu.memory_space<vmem>>) offsets(%dma_start3A_345 : memref<128xi32, #tpu.memory_space<vmem>>) semaphore(%arg15 : memref<!tpu.dma_semaphore, #tpu.memory_space<semaphore_mem>>)
        %add3A_349 = arith.constant 6 : i32
        %add3A_350 = arith.addi %mul3A_149, %add3A_349 : i32
        %dma_start3A_351 = arith.constant 2 : i32
        %dma_start3A_352 = arith.constant 0 : i32
        %dma_start3A_353 = tpu.memref_slice %arg7[%dma_start3A_351, %dma_start3A_352] : memref<4x128xi32, #tpu.memory_space<vmem>> -> memref<2x128xi32, #tpu.memory_space<vmem>>
        %dma_start3A_354 = arith.constant 0 : i32
        %dma_start3A_355 = arith.constant 0 : i32
        %dma_start3A_356 = tpu.memref_slice %arg3[%add3A, %dma_start3A_354, %dma_start3A_355] : memref<32x80x128xi32, #tpu.memory_space<hbm>> -> memref<1x80x128xi32, #tpu.memory_space<hbm>>
        %dma_start3A_357 = tpu.memref_squeeze %dma_start3A_356 : memref<1x80x128xi32, #tpu.memory_space<hbm>> -> memref<80x128xi32, #tpu.memory_space<hbm>>
        %dma_start3A_358 = arith.constant 0 : i32
        %dma_start3A_359 = tpu.memref_slice %dma_start3A_357[%add3A_350, %dma_start3A_358] : memref<80x128xi32, #tpu.memory_space<hbm>> -> memref<2x128xi32, #tpu.memory_space<hbm>>
        %dma_start3A_360 = arith.constant 2 : i32
        %dma_start3A_361 = arith.constant 0 : i32
        %dma_start3A_362 = tpu.memref_slice %arg7[%dma_start3A_360, %dma_start3A_361] : memref<4x128xi32, #tpu.memory_space<vmem>> -> memref<2x128xi32, #tpu.memory_space<vmem>>
        %dma_start3A_363 = arith.constant 0 : i32
        %dma_start3A_364 = arith.constant 0 : i32
        %dma_start3A_365 = tpu.memref_slice %arg3[%add3A, %dma_start3A_363, %dma_start3A_364] : memref<32x80x128xi32, #tpu.memory_space<hbm>> -> memref<1x80x128xi32, #tpu.memory_space<hbm>>
        %dma_start3A_366 = tpu.memref_squeeze %dma_start3A_365 : memref<1x80x128xi32, #tpu.memory_space<hbm>> -> memref<80x128xi32, #tpu.memory_space<hbm>>
        %dma_start3A_367 = arith.constant 0 : i32
        %dma_start3A_368 = tpu.memref_slice %dma_start3A_366[%add3A_350, %dma_start3A_367] : memref<80x128xi32, #tpu.memory_space<hbm>> -> memref<2x128xi32, #tpu.memory_space<hbm>>
        tpu.enqueue_dma source(%dma_start3A_368 : memref<2x128xi32, #tpu.memory_space<hbm>>) target(%dma_start3A_362 : memref<2x128xi32, #tpu.memory_space<vmem>>) target_semaphore(%arg13 : memref<!tpu.dma_semaphore, #tpu.memory_space<semaphore_mem>>)
        %dma_start3A_369 = arith.constant 2 : i32
        %dma_start3A_370 = arith.constant 0 : i32
        %dma_start3A_371 = tpu.memref_slice %arg8[%dma_start3A_369, %dma_start3A_370] : memref<4x128xi32, #tpu.memory_space<vmem>> -> memref<2x128xi32, #tpu.memory_space<vmem>>
        %dma_start3A_372 = arith.constant 0 : i32
        %dma_start3A_373 = arith.constant 0 : i32
        %dma_start3A_374 = tpu.memref_slice %arg4[%add3A, %dma_start3A_372, %dma_start3A_373] : memref<32x80x128xi32, #tpu.memory_space<hbm>> -> memref<1x80x128xi32, #tpu.memory_space<hbm>>
        %dma_start3A_375 = tpu.memref_squeeze %dma_start3A_374 : memref<1x80x128xi32, #tpu.memory_space<hbm>> -> memref<80x128xi32, #tpu.memory_space<hbm>>
        %dma_start3A_376 = arith.constant 0 : i32
        %dma_start3A_377 = tpu.memref_slice %dma_start3A_375[%add3A_350, %dma_start3A_376] : memref<80x128xi32, #tpu.memory_space<hbm>> -> memref<2x128xi32, #tpu.memory_space<hbm>>
        %dma_start3A_378 = arith.constant 2 : i32
        %dma_start3A_379 = arith.constant 0 : i32
        %dma_start3A_380 = tpu.memref_slice %arg8[%dma_start3A_378, %dma_start3A_379] : memref<4x128xi32, #tpu.memory_space<vmem>> -> memref<2x128xi32, #tpu.memory_space<vmem>>
        %dma_start3A_381 = arith.constant 0 : i32
        %dma_start3A_382 = arith.constant 0 : i32
        %dma_start3A_383 = tpu.memref_slice %arg4[%add3A, %dma_start3A_381, %dma_start3A_382] : memref<32x80x128xi32, #tpu.memory_space<hbm>> -> memref<1x80x128xi32, #tpu.memory_space<hbm>>
        %dma_start3A_384 = tpu.memref_squeeze %dma_start3A_383 : memref<1x80x128xi32, #tpu.memory_space<hbm>> -> memref<80x128xi32, #tpu.memory_space<hbm>>
        %dma_start3A_385 = arith.constant 0 : i32
        %dma_start3A_386 = tpu.memref_slice %dma_start3A_384[%add3A_350, %dma_start3A_385] : memref<80x128xi32, #tpu.memory_space<hbm>> -> memref<2x128xi32, #tpu.memory_space<hbm>>
        tpu.enqueue_dma source(%dma_start3A_386 : memref<2x128xi32, #tpu.memory_space<hbm>>) target(%dma_start3A_380 : memref<2x128xi32, #tpu.memory_space<vmem>>) target_semaphore(%arg13 : memref<!tpu.dma_semaphore, #tpu.memory_space<semaphore_mem>>)
      } else {
      }
      %eq3A = arith.constant 19 : i32
      %eq3A_279 = arith.cmpi eq, %scan3A_147, %eq3A : i32
      %convert_element_type3A_280 = arith.extui %eq3A_279 : i1 to i32
      %cond3A_281 = arith.constant 0 : i32
      %cond3A_282 = arith.cmpi ne, %convert_element_type3A_280, %cond3A_281 : i32
      scf.if %cond3A_282 {
        %dma_wait3A_283 = arith.constant 2 : i32
        %dma_wait3A_284 = arith.constant 0 : i32
        %dma_wait3A_285 = tpu.memref_slice %arg8[%dma_wait3A_283, %dma_wait3A_284] : memref<4x128xi32, #tpu.memory_space<vmem>> -> memref<1x128xi32, #tpu.memory_space<vmem>>
        %dma_wait3A_286 = tpu.memref_squeeze %dma_wait3A_285 : memref<1x128xi32, #tpu.memory_space<vmem>> -> memref<128xi32, #tpu.memory_space<vmem>>
        %dma_wait3A_287 = arith.constant 0 : i32
        %dma_wait3A_288 = arith.constant 0 : i32
        %dma_wait3A_289 = tpu.memref_slice %arg11[%dma_wait3A_287, %dma_wait3A_288] : memref<10240x128xf32, #tpu.memory_space<vmem_shared>> -> memref<10240x128xf32, #tpu.memory_space<vmem_shared>>
        tpu.wait_indirect_dma semaphore(%arg16 : memref<!tpu.dma_semaphore, #tpu.memory_space<semaphore_mem>>) src(%arg9 : memref<128x128xf32, #tpu.memory_space<vmem>>) dst(%dma_wait3A_289 : memref<10240x128xf32, #tpu.memory_space<vmem_shared>>)
        %dma_wait3A_290 = arith.constant 3 : i32
        %dma_wait3A_291 = arith.constant 0 : i32
        %dma_wait3A_292 = tpu.memref_slice %arg8[%dma_wait3A_290, %dma_wait3A_291] : memref<4x128xi32, #tpu.memory_space<vmem>> -> memref<1x128xi32, #tpu.memory_space<vmem>>
        %dma_wait3A_293 = tpu.memref_squeeze %dma_wait3A_292 : memref<1x128xi32, #tpu.memory_space<vmem>> -> memref<128xi32, #tpu.memory_space<vmem>>
        %dma_wait3A_294 = arith.constant 0 : i32
        %dma_wait3A_295 = arith.constant 0 : i32
        %dma_wait3A_296 = tpu.memref_slice %arg11[%dma_wait3A_294, %dma_wait3A_295] : memref<10240x128xf32, #tpu.memory_space<vmem_shared>> -> memref<10240x128xf32, #tpu.memory_space<vmem_shared>>
        tpu.wait_indirect_dma semaphore(%arg17 : memref<!tpu.dma_semaphore, #tpu.memory_space<semaphore_mem>>) src(%arg10 : memref<128x128xf32, #tpu.memory_space<vmem>>) dst(%dma_wait3A_296 : memref<10240x128xf32, #tpu.memory_space<vmem_shared>>)
      } else {
      }
    }
    %scan3A_141 = arith.constant 20 : i32
    %barrier3A_142 = arith.constant 0 : index
    tpu.barrier barrier_id(%barrier3A_142)
    %mul3A_143 = arith.constant 640 : i32
    %mul3A_144 = arith.muli %arg1, %mul3A_143 : i32
    %mul3A_145 = arith.constant 640 : i32
    %mul3A_146 = arith.muli %arg1, %mul3A_145 : i32
    "tpu.region"() ({
      %run_scoped3A = tpu.sem_alloc : memref<!tpu.dma_semaphore, #tpu.memory_space<semaphore_mem>>
      %dma_start3A_147 = arith.constant 0 : i32
      %dma_start3A_148 = arith.constant 0 : i32
      %dma_start3A_149 = tpu.memref_slice %arg6[%arg0, %dma_start3A_147, %dma_start3A_148] : memref<2x10240x128xf32, #tpu.memory_space<hbm>> -> memref<1x10240x128xf32, #tpu.memory_space<hbm>>
      %dma_start3A_150 = tpu.memref_squeeze %dma_start3A_149 : memref<1x10240x128xf32, #tpu.memory_space<hbm>> -> memref<10240x128xf32, #tpu.memory_space<hbm>>
      %dma_start3A_151 = arith.constant 0 : i32
      %dma_start3A_152 = tpu.memref_slice %dma_start3A_150[%mul3A_146, %dma_start3A_151] : memref<10240x128xf32, #tpu.memory_space<hbm>> -> memref<640x128xf32, #tpu.memory_space<hbm>>
      %dma_start3A_153 = arith.constant 0 : i32
      %dma_start3A_154 = tpu.memref_slice %arg11[%mul3A_144, %dma_start3A_153] : memref<10240x128xf32, #tpu.memory_space<vmem_shared>> -> memref<640x128xf32, #tpu.memory_space<vmem_shared>>
      tpu.enqueue_dma source(%dma_start3A_154 : memref<640x128xf32, #tpu.memory_space<vmem_shared>>) target(%dma_start3A_152 : memref<640x128xf32, #tpu.memory_space<hbm>>) target_semaphore(%run_scoped3A : memref<!tpu.dma_semaphore, #tpu.memory_space<semaphore_mem>>)
      %dma_wait3A_155 = arith.constant 0 : i32
      %dma_wait3A_156 = arith.constant 0 : i32
      %dma_wait3A_157 = tpu.memref_slice %arg6[%arg0, %dma_wait3A_155, %dma_wait3A_156] : memref<2x10240x128xf32, #tpu.memory_space<hbm>> -> memref<1x10240x128xf32, #tpu.memory_space<hbm>>
      %dma_wait3A_158 = tpu.memref_squeeze %dma_wait3A_157 : memref<1x10240x128xf32, #tpu.memory_space<hbm>> -> memref<10240x128xf32, #tpu.memory_space<hbm>>
      %dma_wait3A_159 = arith.constant 0 : i32
      %dma_wait3A_160 = tpu.memref_slice %dma_wait3A_158[%mul3A_146, %dma_wait3A_159] : memref<10240x128xf32, #tpu.memory_space<hbm>> -> memref<640x128xf32, #tpu.memory_space<hbm>>
      %dma_wait3A_161 = arith.constant 0 : i32
      %dma_wait3A_162 = tpu.memref_slice %arg11[%mul3A_144, %dma_wait3A_161] : memref<10240x128xf32, #tpu.memory_space<vmem_shared>> -> memref<640x128xf32, #tpu.memory_space<vmem_shared>>
      tpu.wait_dma2 semaphore(%run_scoped3A : memref<!tpu.dma_semaphore, #tpu.memory_space<semaphore_mem>>) src(%dma_wait3A_162 : memref<640x128xf32, #tpu.memory_space<vmem_shared>>) dst(%dma_wait3A_160 : memref<640x128xf32, #tpu.memory_space<hbm>>)
      tpu.yield
    }) : () -> ()
    return
  }
}

#map = affine_map<(d0, d1) -> (0, 0)>
#map1 = affine_map<(d0, d1) -> (0, 0, 0)>
module attributes {stable_mosaic.version = 14 : i64} {
  func.func @_prop_body(%arg0: i32, %arg1: i32, %arg2: memref<10240x128xf32, #tpu.memory_space<hbm>>, %arg3: memref<32x80x128xi32, #tpu.memory_space<hbm>>, %arg4: memref<32x80x128xi32, #tpu.memory_space<hbm>>, %arg5: memref<10240x128xf32, #tpu.memory_space<hbm>>, %arg6: memref<2x10240x128xf32, #tpu.memory_space<hbm>>, %arg7: memref<4x128xi32, #tpu.memory_space<vmem>>, %arg8: memref<4x128xi32, #tpu.memory_space<vmem>>, %arg9: memref<128x128xf32, #tpu.memory_space<vmem>>, %arg10: memref<128x128xf32, #tpu.memory_space<vmem>>, %arg11: memref<10240x128xf32, #tpu.memory_space<vmem_shared>>, %arg12: memref<!tpu.dma_semaphore, #tpu.memory_space<semaphore_mem>>, %arg13: memref<!tpu.dma_semaphore, #tpu.memory_space<semaphore_mem>>, %arg14: memref<!tpu.dma_semaphore, #tpu.memory_space<semaphore_mem>>, %arg15: memref<!tpu.dma_semaphore, #tpu.memory_space<semaphore_mem>>, %arg16: memref<!tpu.dma_semaphore, #tpu.memory_space<semaphore_mem>>, %arg17: memref<!tpu.dma_semaphore, #tpu.memory_space<semaphore_mem>>) attributes {dimension_semantics = [#tpu.dimension_semantics<core_parallel>, #tpu.dimension_semantics<subcore_parallel>], iteration_bounds = array<i64: 2, 16>, scalar_prefetch = 0 : i64, scratch_operands = 11 : i64, tpu.core_type = #tpu.core_type<sc_vector_subcore>, window_params = [{transform_indices = #map}, {transform_indices = #map1}, {transform_indices = #map1}, {transform_indices = #map}, {transform_indices = #map1}]} {
    %mul3A = arith.constant 16 : i32
    %mul3A_0 = arith.muli %arg0, %mul3A : i32
    %add3A = arith.addi %mul3A_0, %arg1 : i32
    %mul3A_1 = arith.constant 640 : i32
    %mul3A_2 = arith.muli %arg1, %mul3A_1 : i32
    %mul3A_3 = arith.constant 640 : i32
    %mul3A_4 = arith.muli %arg1, %mul3A_3 : i32
    "tpu.region"() ({
      %run_scoped3A = tpu.sem_alloc : memref<!tpu.dma_semaphore, #tpu.memory_space<semaphore_mem>>
      %dma_start3A_147 = arith.constant 0 : i32
      %dma_start3A_148 = tpu.memref_slice %arg11[%mul3A_4, %dma_start3A_147] : memref<10240x128xf32, #tpu.memory_space<vmem_shared>> -> memref<640x128xf32, #tpu.memory_space<vmem_shared>>
      %dma_start3A_149 = arith.constant 0 : i32
      %dma_start3A_150 = tpu.memref_slice %arg5[%mul3A_2, %dma_start3A_149] : memref<10240x128xf32, #tpu.memory_space<hbm>> -> memref<640x128xf32, #tpu.memory_space<hbm>>
      tpu.enqueue_dma source(%dma_start3A_150 : memref<640x128xf32, #tpu.memory_space<hbm>>) target(%dma_start3A_148 : memref<640x128xf32, #tpu.memory_space<vmem_shared>>) target_semaphore(%run_scoped3A : memref<!tpu.dma_semaphore, #tpu.memory_space<semaphore_mem>>)
      %dma_wait3A_151 = arith.constant 0 : i32
      %dma_wait3A_152 = tpu.memref_slice %arg11[%mul3A_4, %dma_wait3A_151] : memref<10240x128xf32, #tpu.memory_space<vmem_shared>> -> memref<640x128xf32, #tpu.memory_space<vmem_shared>>
      %dma_wait3A_153 = arith.constant 0 : i32
      %dma_wait3A_154 = tpu.memref_slice %arg5[%mul3A_2, %dma_wait3A_153] : memref<10240x128xf32, #tpu.memory_space<hbm>> -> memref<640x128xf32, #tpu.memory_space<hbm>>
      tpu.wait_dma2 semaphore(%run_scoped3A : memref<!tpu.dma_semaphore, #tpu.memory_space<semaphore_mem>>) src(%dma_wait3A_154 : memref<640x128xf32, #tpu.memory_space<hbm>>) dst(%dma_wait3A_152 : memref<640x128xf32, #tpu.memory_space<vmem_shared>>)
      tpu.yield
    }) : () -> ()
    %barrier3A = arith.constant 0 : index
    tpu.barrier barrier_id(%barrier3A)
    %dma_start3A = arith.constant 0 : i32
    %dma_start3A_5 = arith.constant 0 : i32
    %dma_start3A_6 = tpu.memref_slice %arg7[%dma_start3A, %dma_start3A_5] : memref<4x128xi32, #tpu.memory_space<vmem>> -> memref<2x128xi32, #tpu.memory_space<vmem>>
    %dma_start3A_7 = arith.constant 0 : i32
    %dma_start3A_8 = arith.constant 0 : i32
    %dma_start3A_9 = tpu.memref_slice %arg3[%add3A, %dma_start3A_7, %dma_start3A_8] : memref<32x80x128xi32, #tpu.memory_space<hbm>> -> memref<1x80x128xi32, #tpu.memory_space<hbm>>
    %dma_start3A_10 = tpu.memref_squeeze %dma_start3A_9 : memref<1x80x128xi32, #tpu.memory_space<hbm>> -> memref<80x128xi32, #tpu.memory_space<hbm>>
    %dma_start3A_11 = arith.constant 0 : i32
    %dma_start3A_12 = arith.constant 0 : i32
    %dma_start3A_13 = tpu.memref_slice %dma_start3A_10[%dma_start3A_11, %dma_start3A_12] : memref<80x128xi32, #tpu.memory_space<hbm>> -> memref<2x128xi32, #tpu.memory_space<hbm>>
    %dma_start3A_14 = arith.constant 0 : i32
    %dma_start3A_15 = arith.constant 0 : i32
    %dma_start3A_16 = tpu.memref_slice %arg7[%dma_start3A_14, %dma_start3A_15] : memref<4x128xi32, #tpu.memory_space<vmem>> -> memref<2x128xi32, #tpu.memory_space<vmem>>
    %dma_start3A_17 = arith.constant 0 : i32
    %dma_start3A_18 = arith.constant 0 : i32
    %dma_start3A_19 = tpu.memref_slice %arg3[%add3A, %dma_start3A_17, %dma_start3A_18] : memref<32x80x128xi32, #tpu.memory_space<hbm>> -> memref<1x80x128xi32, #tpu.memory_space<hbm>>
    %dma_start3A_20 = tpu.memref_squeeze %dma_start3A_19 : memref<1x80x128xi32, #tpu.memory_space<hbm>> -> memref<80x128xi32, #tpu.memory_space<hbm>>
    %dma_start3A_21 = arith.constant 0 : i32
    %dma_start3A_22 = arith.constant 0 : i32
    %dma_start3A_23 = tpu.memref_slice %dma_start3A_20[%dma_start3A_21, %dma_start3A_22] : memref<80x128xi32, #tpu.memory_space<hbm>> -> memref<2x128xi32, #tpu.memory_space<hbm>>
    tpu.enqueue_dma source(%dma_start3A_23 : memref<2x128xi32, #tpu.memory_space<hbm>>) target(%dma_start3A_16 : memref<2x128xi32, #tpu.memory_space<vmem>>) target_semaphore(%arg12 : memref<!tpu.dma_semaphore, #tpu.memory_space<semaphore_mem>>)
    %dma_start3A_24 = arith.constant 0 : i32
    %dma_start3A_25 = arith.constant 0 : i32
    %dma_start3A_26 = tpu.memref_slice %arg8[%dma_start3A_24, %dma_start3A_25] : memref<4x128xi32, #tpu.memory_space<vmem>> -> memref<2x128xi32, #tpu.memory_space<vmem>>
    %dma_start3A_27 = arith.constant 0 : i32
    %dma_start3A_28 = arith.constant 0 : i32
    %dma_start3A_29 = tpu.memref_slice %arg4[%add3A, %dma_start3A_27, %dma_start3A_28] : memref<32x80x128xi32, #tpu.memory_space<hbm>> -> memref<1x80x128xi32, #tpu.memory_space<hbm>>
    %dma_start3A_30 = tpu.memref_squeeze %dma_start3A_29 : memref<1x80x128xi32, #tpu.memory_space<hbm>> -> memref<80x128xi32, #tpu.memory_space<hbm>>
    %dma_start3A_31 = arith.constant 0 : i32
    %dma_start3A_32 = arith.constant 0 : i32
    %dma_start3A_33 = tpu.memref_slice %dma_start3A_30[%dma_start3A_31, %dma_start3A_32] : memref<80x128xi32, #tpu.memory_space<hbm>> -> memref<2x128xi32, #tpu.memory_space<hbm>>
    %dma_start3A_34 = arith.constant 0 : i32
    %dma_start3A_35 = arith.constant 0 : i32
    %dma_start3A_36 = tpu.memref_slice %arg8[%dma_start3A_34, %dma_start3A_35] : memref<4x128xi32, #tpu.memory_space<vmem>> -> memref<2x128xi32, #tpu.memory_space<vmem>>
    %dma_start3A_37 = arith.constant 0 : i32
    %dma_start3A_38 = arith.constant 0 : i32
    %dma_start3A_39 = tpu.memref_slice %arg4[%add3A, %dma_start3A_37, %dma_start3A_38] : memref<32x80x128xi32, #tpu.memory_space<hbm>> -> memref<1x80x128xi32, #tpu.memory_space<hbm>>
    %dma_start3A_40 = tpu.memref_squeeze %dma_start3A_39 : memref<1x80x128xi32, #tpu.memory_space<hbm>> -> memref<80x128xi32, #tpu.memory_space<hbm>>
    %dma_start3A_41 = arith.constant 0 : i32
    %dma_start3A_42 = arith.constant 0 : i32
    %dma_start3A_43 = tpu.memref_slice %dma_start3A_40[%dma_start3A_41, %dma_start3A_42] : memref<80x128xi32, #tpu.memory_space<hbm>> -> memref<2x128xi32, #tpu.memory_space<hbm>>
    tpu.enqueue_dma source(%dma_start3A_43 : memref<2x128xi32, #tpu.memory_space<hbm>>) target(%dma_start3A_36 : memref<2x128xi32, #tpu.memory_space<vmem>>) target_semaphore(%arg12 : memref<!tpu.dma_semaphore, #tpu.memory_space<semaphore_mem>>)
    %dma_start3A_44 = arith.constant 2 : i32
    %dma_start3A_45 = arith.constant 0 : i32
    %dma_start3A_46 = tpu.memref_slice %arg7[%dma_start3A_44, %dma_start3A_45] : memref<4x128xi32, #tpu.memory_space<vmem>> -> memref<2x128xi32, #tpu.memory_space<vmem>>
    %dma_start3A_47 = arith.constant 0 : i32
    %dma_start3A_48 = arith.constant 0 : i32
    %dma_start3A_49 = tpu.memref_slice %arg3[%add3A, %dma_start3A_47, %dma_start3A_48] : memref<32x80x128xi32, #tpu.memory_space<hbm>> -> memref<1x80x128xi32, #tpu.memory_space<hbm>>
    %dma_start3A_50 = tpu.memref_squeeze %dma_start3A_49 : memref<1x80x128xi32, #tpu.memory_space<hbm>> -> memref<80x128xi32, #tpu.memory_space<hbm>>
    %dma_start3A_51 = arith.constant 2 : i32
    %dma_start3A_52 = arith.constant 0 : i32
    %dma_start3A_53 = tpu.memref_slice %dma_start3A_50[%dma_start3A_51, %dma_start3A_52] : memref<80x128xi32, #tpu.memory_space<hbm>> -> memref<2x128xi32, #tpu.memory_space<hbm>>
    %dma_start3A_54 = arith.constant 2 : i32
    %dma_start3A_55 = arith.constant 0 : i32
    %dma_start3A_56 = tpu.memref_slice %arg7[%dma_start3A_54, %dma_start3A_55] : memref<4x128xi32, #tpu.memory_space<vmem>> -> memref<2x128xi32, #tpu.memory_space<vmem>>
    %dma_start3A_57 = arith.constant 0 : i32
    %dma_start3A_58 = arith.constant 0 : i32
    %dma_start3A_59 = tpu.memref_slice %arg3[%add3A, %dma_start3A_57, %dma_start3A_58] : memref<32x80x128xi32, #tpu.memory_space<hbm>> -> memref<1x80x128xi32, #tpu.memory_space<hbm>>
    %dma_start3A_60 = tpu.memref_squeeze %dma_start3A_59 : memref<1x80x128xi32, #tpu.memory_space<hbm>> -> memref<80x128xi32, #tpu.memory_space<hbm>>
    %dma_start3A_61 = arith.constant 2 : i32
    %dma_start3A_62 = arith.constant 0 : i32
    %dma_start3A_63 = tpu.memref_slice %dma_start3A_60[%dma_start3A_61, %dma_start3A_62] : memref<80x128xi32, #tpu.memory_space<hbm>> -> memref<2x128xi32, #tpu.memory_space<hbm>>
    tpu.enqueue_dma source(%dma_start3A_63 : memref<2x128xi32, #tpu.memory_space<hbm>>) target(%dma_start3A_56 : memref<2x128xi32, #tpu.memory_space<vmem>>) target_semaphore(%arg13 : memref<!tpu.dma_semaphore, #tpu.memory_space<semaphore_mem>>)
    %dma_start3A_64 = arith.constant 2 : i32
    %dma_start3A_65 = arith.constant 0 : i32
    %dma_start3A_66 = tpu.memref_slice %arg8[%dma_start3A_64, %dma_start3A_65] : memref<4x128xi32, #tpu.memory_space<vmem>> -> memref<2x128xi32, #tpu.memory_space<vmem>>
    %dma_start3A_67 = arith.constant 0 : i32
    %dma_start3A_68 = arith.constant 0 : i32
    %dma_start3A_69 = tpu.memref_slice %arg4[%add3A, %dma_start3A_67, %dma_start3A_68] : memref<32x80x128xi32, #tpu.memory_space<hbm>> -> memref<1x80x128xi32, #tpu.memory_space<hbm>>
    %dma_start3A_70 = tpu.memref_squeeze %dma_start3A_69 : memref<1x80x128xi32, #tpu.memory_space<hbm>> -> memref<80x128xi32, #tpu.memory_space<hbm>>
    %dma_start3A_71 = arith.constant 2 : i32
    %dma_start3A_72 = arith.constant 0 : i32
    %dma_start3A_73 = tpu.memref_slice %dma_start3A_70[%dma_start3A_71, %dma_start3A_72] : memref<80x128xi32, #tpu.memory_space<hbm>> -> memref<2x128xi32, #tpu.memory_space<hbm>>
    %dma_start3A_74 = arith.constant 2 : i32
    %dma_start3A_75 = arith.constant 0 : i32
    %dma_start3A_76 = tpu.memref_slice %arg8[%dma_start3A_74, %dma_start3A_75] : memref<4x128xi32, #tpu.memory_space<vmem>> -> memref<2x128xi32, #tpu.memory_space<vmem>>
    %dma_start3A_77 = arith.constant 0 : i32
    %dma_start3A_78 = arith.constant 0 : i32
    %dma_start3A_79 = tpu.memref_slice %arg4[%add3A, %dma_start3A_77, %dma_start3A_78] : memref<32x80x128xi32, #tpu.memory_space<hbm>> -> memref<1x80x128xi32, #tpu.memory_space<hbm>>
    %dma_start3A_80 = tpu.memref_squeeze %dma_start3A_79 : memref<1x80x128xi32, #tpu.memory_space<hbm>> -> memref<80x128xi32, #tpu.memory_space<hbm>>
    %dma_start3A_81 = arith.constant 2 : i32
    %dma_start3A_82 = arith.constant 0 : i32
    %dma_start3A_83 = tpu.memref_slice %dma_start3A_80[%dma_start3A_81, %dma_start3A_82] : memref<80x128xi32, #tpu.memory_space<hbm>> -> memref<2x128xi32, #tpu.memory_space<hbm>>
    tpu.enqueue_dma source(%dma_start3A_83 : memref<2x128xi32, #tpu.memory_space<hbm>>) target(%dma_start3A_76 : memref<2x128xi32, #tpu.memory_space<vmem>>) target_semaphore(%arg13 : memref<!tpu.dma_semaphore, #tpu.memory_space<semaphore_mem>>)
    %dma_wait3A = arith.constant 0 : i32
    %dma_wait3A_84 = arith.constant 0 : i32
    %dma_wait3A_85 = tpu.memref_slice %arg7[%dma_wait3A, %dma_wait3A_84] : memref<4x128xi32, #tpu.memory_space<vmem>> -> memref<2x128xi32, #tpu.memory_space<vmem>>
    %dma_wait3A_86 = arith.constant 0 : i32
    %dma_wait3A_87 = arith.constant 0 : i32
    %dma_wait3A_88 = tpu.memref_slice %arg3[%add3A, %dma_wait3A_86, %dma_wait3A_87] : memref<32x80x128xi32, #tpu.memory_space<hbm>> -> memref<1x80x128xi32, #tpu.memory_space<hbm>>
    %dma_wait3A_89 = tpu.memref_squeeze %dma_wait3A_88 : memref<1x80x128xi32, #tpu.memory_space<hbm>> -> memref<80x128xi32, #tpu.memory_space<hbm>>
    %dma_wait3A_90 = arith.constant 0 : i32
    %dma_wait3A_91 = arith.constant 0 : i32
    %dma_wait3A_92 = tpu.memref_slice %dma_wait3A_89[%dma_wait3A_90, %dma_wait3A_91] : memref<80x128xi32, #tpu.memory_space<hbm>> -> memref<2x128xi32, #tpu.memory_space<hbm>>
    %dma_wait3A_93 = arith.constant 0 : i32
    %dma_wait3A_94 = arith.constant 0 : i32
    %dma_wait3A_95 = tpu.memref_slice %arg7[%dma_wait3A_93, %dma_wait3A_94] : memref<4x128xi32, #tpu.memory_space<vmem>> -> memref<2x128xi32, #tpu.memory_space<vmem>>
    %dma_wait3A_96 = arith.constant 0 : i32
    %dma_wait3A_97 = arith.constant 0 : i32
    %dma_wait3A_98 = tpu.memref_slice %arg3[%add3A, %dma_wait3A_96, %dma_wait3A_97] : memref<32x80x128xi32, #tpu.memory_space<hbm>> -> memref<1x80x128xi32, #tpu.memory_space<hbm>>
    %dma_wait3A_99 = tpu.memref_squeeze %dma_wait3A_98 : memref<1x80x128xi32, #tpu.memory_space<hbm>> -> memref<80x128xi32, #tpu.memory_space<hbm>>
    %dma_wait3A_100 = arith.constant 0 : i32
    %dma_wait3A_101 = arith.constant 0 : i32
    %dma_wait3A_102 = tpu.memref_slice %dma_wait3A_99[%dma_wait3A_100, %dma_wait3A_101] : memref<80x128xi32, #tpu.memory_space<hbm>> -> memref<2x128xi32, #tpu.memory_space<hbm>>
    tpu.wait_dma2 semaphore(%arg12 : memref<!tpu.dma_semaphore, #tpu.memory_space<semaphore_mem>>) src(%dma_wait3A_102 : memref<2x128xi32, #tpu.memory_space<hbm>>) dst(%dma_wait3A_95 : memref<2x128xi32, #tpu.memory_space<vmem>>)
    %dma_wait3A_103 = arith.constant 0 : i32
    %dma_wait3A_104 = arith.constant 0 : i32
    %dma_wait3A_105 = tpu.memref_slice %arg8[%dma_wait3A_103, %dma_wait3A_104] : memref<4x128xi32, #tpu.memory_space<vmem>> -> memref<2x128xi32, #tpu.memory_space<vmem>>
    %dma_wait3A_106 = arith.constant 0 : i32
    %dma_wait3A_107 = arith.constant 0 : i32
    %dma_wait3A_108 = tpu.memref_slice %arg4[%add3A, %dma_wait3A_106, %dma_wait3A_107] : memref<32x80x128xi32, #tpu.memory_space<hbm>> -> memref<1x80x128xi32, #tpu.memory_space<hbm>>
    %dma_wait3A_109 = tpu.memref_squeeze %dma_wait3A_108 : memref<1x80x128xi32, #tpu.memory_space<hbm>> -> memref<80x128xi32, #tpu.memory_space<hbm>>
    %dma_wait3A_110 = arith.constant 0 : i32
    %dma_wait3A_111 = arith.constant 0 : i32
    %dma_wait3A_112 = tpu.memref_slice %dma_wait3A_109[%dma_wait3A_110, %dma_wait3A_111] : memref<80x128xi32, #tpu.memory_space<hbm>> -> memref<2x128xi32, #tpu.memory_space<hbm>>
    %dma_wait3A_113 = arith.constant 0 : i32
    %dma_wait3A_114 = arith.constant 0 : i32
    %dma_wait3A_115 = tpu.memref_slice %arg8[%dma_wait3A_113, %dma_wait3A_114] : memref<4x128xi32, #tpu.memory_space<vmem>> -> memref<2x128xi32, #tpu.memory_space<vmem>>
    %dma_wait3A_116 = arith.constant 0 : i32
    %dma_wait3A_117 = arith.constant 0 : i32
    %dma_wait3A_118 = tpu.memref_slice %arg4[%add3A, %dma_wait3A_116, %dma_wait3A_117] : memref<32x80x128xi32, #tpu.memory_space<hbm>> -> memref<1x80x128xi32, #tpu.memory_space<hbm>>
    %dma_wait3A_119 = tpu.memref_squeeze %dma_wait3A_118 : memref<1x80x128xi32, #tpu.memory_space<hbm>> -> memref<80x128xi32, #tpu.memory_space<hbm>>
    %dma_wait3A_120 = arith.constant 0 : i32
    %dma_wait3A_121 = arith.constant 0 : i32
    %dma_wait3A_122 = tpu.memref_slice %dma_wait3A_119[%dma_wait3A_120, %dma_wait3A_121] : memref<80x128xi32, #tpu.memory_space<hbm>> -> memref<2x128xi32, #tpu.memory_space<hbm>>
    tpu.wait_dma2 semaphore(%arg12 : memref<!tpu.dma_semaphore, #tpu.memory_space<semaphore_mem>>) src(%dma_wait3A_122 : memref<2x128xi32, #tpu.memory_space<hbm>>) dst(%dma_wait3A_115 : memref<2x128xi32, #tpu.memory_space<vmem>>)
    %dma_start3A_123 = arith.constant 0 : i32
    %dma_start3A_124 = arith.constant 0 : i32
    %dma_start3A_125 = tpu.memref_slice %arg7[%dma_start3A_123, %dma_start3A_124] : memref<4x128xi32, #tpu.memory_space<vmem>> -> memref<1x128xi32, #tpu.memory_space<vmem>>
    %dma_start3A_126 = tpu.memref_squeeze %dma_start3A_125 : memref<1x128xi32, #tpu.memory_space<vmem>> -> memref<128xi32, #tpu.memory_space<vmem>>
    %dma_start3A_127 = arith.constant 0 : i32
    %dma_start3A_128 = arith.constant 0 : i32
    %dma_start3A_129 = tpu.memref_slice %arg2[%dma_start3A_127, %dma_start3A_128] : memref<10240x128xf32, #tpu.memory_space<hbm>> -> memref<10240x128xf32, #tpu.memory_space<hbm>>
    tpu.enqueue_indirect_dma source(%dma_start3A_129 : memref<10240x128xf32, #tpu.memory_space<hbm>>) target(%arg9 : memref<128x128xf32, #tpu.memory_space<vmem>>) offsets(%dma_start3A_126 : memref<128xi32, #tpu.memory_space<vmem>>) semaphore(%arg14 : memref<!tpu.dma_semaphore, #tpu.memory_space<semaphore_mem>>)
    %dma_start3A_130 = arith.constant 1 : i32
    %dma_start3A_131 = arith.constant 0 : i32
    %dma_start3A_132 = tpu.memref_slice %arg7[%dma_start3A_130, %dma_start3A_131] : memref<4x128xi32, #tpu.memory_space<vmem>> -> memref<1x128xi32, #tpu.memory_space<vmem>>
    %dma_start3A_133 = tpu.memref_squeeze %dma_start3A_132 : memref<1x128xi32, #tpu.memory_space<vmem>> -> memref<128xi32, #tpu.memory_space<vmem>>
    %dma_start3A_134 = arith.constant 0 : i32
    %dma_start3A_135 = arith.constant 0 : i32
    %dma_start3A_136 = tpu.memref_slice %arg2[%dma_start3A_134, %dma_start3A_135] : memref<10240x128xf32, #tpu.memory_space<hbm>> -> memref<10240x128xf32, #tpu.memory_space<hbm>>
    tpu.enqueue_indirect_dma source(%dma_start3A_136 : memref<10240x128xf32, #tpu.memory_space<hbm>>) target(%arg10 : memref<128x128xf32, #tpu.memory_space<vmem>>) offsets(%dma_start3A_133 : memref<128xi32, #tpu.memory_space<vmem>>) semaphore(%arg15 : memref<!tpu.dma_semaphore, #tpu.memory_space<semaphore_mem>>)
    %scan3A = arith.constant 0 : i32
    %scan3A_137 = arith.constant 0 : i32
    %scan3A_138 = arith.constant 20 : i32
    %scan3A_139 = arith.addi %scan3A_137, %scan3A_138 : i32
    %scan3A_140 = arith.constant 1 : i32
    scf.for %scan3A_147 = %scan3A_137 to %scan3A_139 step %scan3A_140  : i32 {
      %mul3A_148 = arith.constant 4 : i32
      %mul3A_149 = arith.muli %mul3A_148, %scan3A_147 : i32
      %dma_wait3A_150 = arith.constant 0 : i32
      %dma_wait3A_151 = arith.constant 0 : i32
      %dma_wait3A_152 = tpu.memref_slice %arg7[%dma_wait3A_150, %dma_wait3A_151] : memref<4x128xi32, #tpu.memory_space<vmem>> -> memref<1x128xi32, #tpu.memory_space<vmem>>
      %dma_wait3A_153 = tpu.memref_squeeze %dma_wait3A_152 : memref<1x128xi32, #tpu.memory_space<vmem>> -> memref<128xi32, #tpu.memory_space<vmem>>
      %dma_wait3A_154 = arith.constant 0 : i32
      %dma_wait3A_155 = arith.constant 0 : i32
      %dma_wait3A_156 = tpu.memref_slice %arg2[%dma_wait3A_154, %dma_wait3A_155] : memref<10240x128xf32, #tpu.memory_space<hbm>> -> memref<10240x128xf32, #tpu.memory_space<hbm>>
      tpu.wait_indirect_dma semaphore(%arg14 : memref<!tpu.dma_semaphore, #tpu.memory_space<semaphore_mem>>) src(%dma_wait3A_156 : memref<10240x128xf32, #tpu.memory_space<hbm>>) dst(%arg9 : memref<128x128xf32, #tpu.memory_space<vmem>>)
      %dma_start3A_157 = arith.constant 0 : i32
      %dma_start3A_158 = arith.constant 0 : i32
      %dma_start3A_159 = tpu.memref_slice %arg8[%dma_start3A_157, %dma_start3A_158] : memref<4x128xi32, #tpu.memory_space<vmem>> -> memref<1x128xi32, #tpu.memory_space<vmem>>
      %dma_start3A_160 = tpu.memref_squeeze %dma_start3A_159 : memref<1x128xi32, #tpu.memory_space<vmem>> -> memref<128xi32, #tpu.memory_space<vmem>>
      %dma_start3A_161 = arith.constant 0 : i32
      %dma_start3A_162 = arith.constant 0 : i32
      %dma_start3A_163 = tpu.memref_slice %arg11[%dma_start3A_161, %dma_start3A_162] : memref<10240x128xf32, #tpu.memory_space<vmem_shared>> -> memref<10240x128xf32, #tpu.memory_space<vmem_shared>>
      tpu.enqueue_indirect_dma source(%arg9 : memref<128x128xf32, #tpu.memory_space<vmem>>) target(%dma_start3A_163 : memref<10240x128xf32, #tpu.memory_space<vmem_shared>>) offsets(%dma_start3A_160 : memref<128xi32, #tpu.memory_space<vmem>>) semaphore(%arg16 : memref<!tpu.dma_semaphore, #tpu.memory_space<semaphore_mem>>) {add = true}
      %dma_wait3A_164 = arith.constant 1 : i32
      %dma_wait3A_165 = arith.constant 0 : i32
      %dma_wait3A_166 = tpu.memref_slice %arg7[%dma_wait3A_164, %dma_wait3A_165] : memref<4x128xi32, #tpu.memory_space<vmem>> -> memref<1x128xi32, #tpu.memory_space<vmem>>
      %dma_wait3A_167 = tpu.memref_squeeze %dma_wait3A_166 : memref<1x128xi32, #tpu.memory_space<vmem>> -> memref<128xi32, #tpu.memory_space<vmem>>
      %dma_wait3A_168 = arith.constant 0 : i32
      %dma_wait3A_169 = arith.constant 0 : i32
      %dma_wait3A_170 = tpu.memref_slice %arg2[%dma_wait3A_168, %dma_wait3A_169] : memref<10240x128xf32, #tpu.memory_space<hbm>> -> memref<10240x128xf32, #tpu.memory_space<hbm>>
      tpu.wait_indirect_dma semaphore(%arg15 : memref<!tpu.dma_semaphore, #tpu.memory_space<semaphore_mem>>) src(%dma_wait3A_170 : memref<10240x128xf32, #tpu.memory_space<hbm>>) dst(%arg10 : memref<128x128xf32, #tpu.memory_space<vmem>>)
      %dma_start3A_171 = arith.constant 1 : i32
      %dma_start3A_172 = arith.constant 0 : i32
      %dma_start3A_173 = tpu.memref_slice %arg8[%dma_start3A_171, %dma_start3A_172] : memref<4x128xi32, #tpu.memory_space<vmem>> -> memref<1x128xi32, #tpu.memory_space<vmem>>
      %dma_start3A_174 = tpu.memref_squeeze %dma_start3A_173 : memref<1x128xi32, #tpu.memory_space<vmem>> -> memref<128xi32, #tpu.memory_space<vmem>>
      %dma_start3A_175 = arith.constant 0 : i32
      %dma_start3A_176 = arith.constant 0 : i32
      %dma_start3A_177 = tpu.memref_slice %arg11[%dma_start3A_175, %dma_start3A_176] : memref<10240x128xf32, #tpu.memory_space<vmem_shared>> -> memref<10240x128xf32, #tpu.memory_space<vmem_shared>>
      tpu.enqueue_indirect_dma source(%arg10 : memref<128x128xf32, #tpu.memory_space<vmem>>) target(%dma_start3A_177 : memref<10240x128xf32, #tpu.memory_space<vmem_shared>>) offsets(%dma_start3A_174 : memref<128xi32, #tpu.memory_space<vmem>>) semaphore(%arg17 : memref<!tpu.dma_semaphore, #tpu.memory_space<semaphore_mem>>) {add = true}
      %add3A_178 = arith.constant 2 : i32
      %add3A_179 = arith.addi %mul3A_149, %add3A_178 : i32
      %dma_wait3A_180 = arith.constant 2 : i32
      %dma_wait3A_181 = arith.constant 0 : i32
      %dma_wait3A_182 = tpu.memref_slice %arg7[%dma_wait3A_180, %dma_wait3A_181] : memref<4x128xi32, #tpu.memory_space<vmem>> -> memref<2x128xi32, #tpu.memory_space<vmem>>
      %dma_wait3A_183 = arith.constant 0 : i32
      %dma_wait3A_184 = arith.constant 0 : i32
      %dma_wait3A_185 = tpu.memref_slice %arg3[%add3A, %dma_wait3A_183, %dma_wait3A_184] : memref<32x80x128xi32, #tpu.memory_space<hbm>> -> memref<1x80x128xi32, #tpu.memory_space<hbm>>
      %dma_wait3A_186 = tpu.memref_squeeze %dma_wait3A_185 : memref<1x80x128xi32, #tpu.memory_space<hbm>> -> memref<80x128xi32, #tpu.memory_space<hbm>>
      %dma_wait3A_187 = arith.constant 0 : i32
      %dma_wait3A_188 = tpu.memref_slice %dma_wait3A_186[%add3A_179, %dma_wait3A_187] : memref<80x128xi32, #tpu.memory_space<hbm>> -> memref<2x128xi32, #tpu.memory_space<hbm>>
      %dma_wait3A_189 = arith.constant 2 : i32
      %dma_wait3A_190 = arith.constant 0 : i32
      %dma_wait3A_191 = tpu.memref_slice %arg7[%dma_wait3A_189, %dma_wait3A_190] : memref<4x128xi32, #tpu.memory_space<vmem>> -> memref<2x128xi32, #tpu.memory_space<vmem>>
      %dma_wait3A_192 = arith.constant 0 : i32
      %dma_wait3A_193 = arith.constant 0 : i32
      %dma_wait3A_194 = tpu.memref_slice %arg3[%add3A, %dma_wait3A_192, %dma_wait3A_193] : memref<32x80x128xi32, #tpu.memory_space<hbm>> -> memref<1x80x128xi32, #tpu.memory_space<hbm>>
      %dma_wait3A_195 = tpu.memref_squeeze %dma_wait3A_194 : memref<1x80x128xi32, #tpu.memory_space<hbm>> -> memref<80x128xi32, #tpu.memory_space<hbm>>
      %dma_wait3A_196 = arith.constant 0 : i32
      %dma_wait3A_197 = tpu.memref_slice %dma_wait3A_195[%add3A_179, %dma_wait3A_196] : memref<80x128xi32, #tpu.memory_space<hbm>> -> memref<2x128xi32, #tpu.memory_space<hbm>>
      tpu.wait_dma2 semaphore(%arg13 : memref<!tpu.dma_semaphore, #tpu.memory_space<semaphore_mem>>) src(%dma_wait3A_197 : memref<2x128xi32, #tpu.memory_space<hbm>>) dst(%dma_wait3A_191 : memref<2x128xi32, #tpu.memory_space<vmem>>)
      %dma_wait3A_198 = arith.constant 2 : i32
      %dma_wait3A_199 = arith.constant 0 : i32
      %dma_wait3A_200 = tpu.memref_slice %arg8[%dma_wait3A_198, %dma_wait3A_199] : memref<4x128xi32, #tpu.memory_space<vmem>> -> memref<2x128xi32, #tpu.memory_space<vmem>>
      %dma_wait3A_201 = arith.constant 0 : i32
      %dma_wait3A_202 = arith.constant 0 : i32
      %dma_wait3A_203 = tpu.memref_slice %arg4[%add3A, %dma_wait3A_201, %dma_wait3A_202] : memref<32x80x128xi32, #tpu.memory_space<hbm>> -> memref<1x80x128xi32, #tpu.memory_space<hbm>>
      %dma_wait3A_204 = tpu.memref_squeeze %dma_wait3A_203 : memref<1x80x128xi32, #tpu.memory_space<hbm>> -> memref<80x128xi32, #tpu.memory_space<hbm>>
      %dma_wait3A_205 = arith.constant 0 : i32
      %dma_wait3A_206 = tpu.memref_slice %dma_wait3A_204[%add3A_179, %dma_wait3A_205] : memref<80x128xi32, #tpu.memory_space<hbm>> -> memref<2x128xi32, #tpu.memory_space<hbm>>
      %dma_wait3A_207 = arith.constant 2 : i32
      %dma_wait3A_208 = arith.constant 0 : i32
      %dma_wait3A_209 = tpu.memref_slice %arg8[%dma_wait3A_207, %dma_wait3A_208] : memref<4x128xi32, #tpu.memory_space<vmem>> -> memref<2x128xi32, #tpu.memory_space<vmem>>
      %dma_wait3A_210 = arith.constant 0 : i32
      %dma_wait3A_211 = arith.constant 0 : i32
      %dma_wait3A_212 = tpu.memref_slice %arg4[%add3A, %dma_wait3A_210, %dma_wait3A_211] : memref<32x80x128xi32, #tpu.memory_space<hbm>> -> memref<1x80x128xi32, #tpu.memory_space<hbm>>
      %dma_wait3A_213 = tpu.memref_squeeze %dma_wait3A_212 : memref<1x80x128xi32, #tpu.memory_space<hbm>> -> memref<80x128xi32, #tpu.memory_space<hbm>>
      %dma_wait3A_214 = arith.constant 0 : i32
      %dma_wait3A_215 = tpu.memref_slice %dma_wait3A_213[%add3A_179, %dma_wait3A_214] : memref<80x128xi32, #tpu.memory_space<hbm>> -> memref<2x128xi32, #tpu.memory_space<hbm>>
      tpu.wait_dma2 semaphore(%arg13 : memref<!tpu.dma_semaphore, #tpu.memory_space<semaphore_mem>>) src(%dma_wait3A_215 : memref<2x128xi32, #tpu.memory_space<hbm>>) dst(%dma_wait3A_209 : memref<2x128xi32, #tpu.memory_space<vmem>>)
      %dma_wait3A_216 = arith.constant 0 : i32
      %dma_wait3A_217 = arith.constant 0 : i32
      %dma_wait3A_218 = tpu.memref_slice %arg8[%dma_wait3A_216, %dma_wait3A_217] : memref<4x128xi32, #tpu.memory_space<vmem>> -> memref<1x128xi32, #tpu.memory_space<vmem>>
      %dma_wait3A_219 = tpu.memref_squeeze %dma_wait3A_218 : memref<1x128xi32, #tpu.memory_space<vmem>> -> memref<128xi32, #tpu.memory_space<vmem>>
      %dma_wait3A_220 = arith.constant 0 : i32
      %dma_wait3A_221 = arith.constant 0 : i32
      %dma_wait3A_222 = tpu.memref_slice %arg11[%dma_wait3A_220, %dma_wait3A_221] : memref<10240x128xf32, #tpu.memory_space<vmem_shared>> -> memref<10240x128xf32, #tpu.memory_space<vmem_shared>>
      tpu.wait_indirect_dma semaphore(%arg16 : memref<!tpu.dma_semaphore, #tpu.memory_space<semaphore_mem>>) src(%arg9 : memref<128x128xf32, #tpu.memory_space<vmem>>) dst(%dma_wait3A_222 : memref<10240x128xf32, #tpu.memory_space<vmem_shared>>)
      %dma_start3A_223 = arith.constant 2 : i32
      %dma_start3A_224 = arith.constant 0 : i32
      %dma_start3A_225 = tpu.memref_slice %arg7[%dma_start3A_223, %dma_start3A_224] : memref<4x128xi32, #tpu.memory_space<vmem>> -> memref<1x128xi32, #tpu.memory_space<vmem>>
      %dma_start3A_226 = tpu.memref_squeeze %dma_start3A_225 : memref<1x128xi32, #tpu.memory_space<vmem>> -> memref<128xi32, #tpu.memory_space<vmem>>
      %dma_start3A_227 = arith.constant 0 : i32
      %dma_start3A_228 = arith.constant 0 : i32
      %dma_start3A_229 = tpu.memref_slice %arg2[%dma_start3A_227, %dma_start3A_228] : memref<10240x128xf32, #tpu.memory_space<hbm>> -> memref<10240x128xf32, #tpu.memory_space<hbm>>
      tpu.enqueue_indirect_dma source(%dma_start3A_229 : memref<10240x128xf32, #tpu.memory_space<hbm>>) target(%arg9 : memref<128x128xf32, #tpu.memory_space<vmem>>) offsets(%dma_start3A_226 : memref<128xi32, #tpu.memory_space<vmem>>) semaphore(%arg14 : memref<!tpu.dma_semaphore, #tpu.memory_space<semaphore_mem>>)
      %dma_wait3A_230 = arith.constant 1 : i32
      %dma_wait3A_231 = arith.constant 0 : i32
      %dma_wait3A_232 = tpu.memref_slice %arg8[%dma_wait3A_230, %dma_wait3A_231] : memref<4x128xi32, #tpu.memory_space<vmem>> -> memref<1x128xi32, #tpu.memory_space<vmem>>
      %dma_wait3A_233 = tpu.memref_squeeze %dma_wait3A_232 : memref<1x128xi32, #tpu.memory_space<vmem>> -> memref<128xi32, #tpu.memory_space<vmem>>
      %dma_wait3A_234 = arith.constant 0 : i32
      %dma_wait3A_235 = arith.constant 0 : i32
      %dma_wait3A_236 = tpu.memref_slice %arg11[%dma_wait3A_234, %dma_wait3A_235] : memref<10240x128xf32, #tpu.memory_space<vmem_shared>> -> memref<10240x128xf32, #tpu.memory_space<vmem_shared>>
      tpu.wait_indirect_dma semaphore(%arg17 : memref<!tpu.dma_semaphore, #tpu.memory_space<semaphore_mem>>) src(%arg10 : memref<128x128xf32, #tpu.memory_space<vmem>>) dst(%dma_wait3A_236 : memref<10240x128xf32, #tpu.memory_space<vmem_shared>>)
      %dma_start3A_237 = arith.constant 3 : i32
      %dma_start3A_238 = arith.constant 0 : i32
      %dma_start3A_239 = tpu.memref_slice %arg7[%dma_start3A_237, %dma_start3A_238] : memref<4x128xi32, #tpu.memory_space<vmem>> -> memref<1x128xi32, #tpu.memory_space<vmem>>
      %dma_start3A_240 = tpu.memref_squeeze %dma_start3A_239 : memref<1x128xi32, #tpu.memory_space<vmem>> -> memref<128xi32, #tpu.memory_space<vmem>>
      %dma_start3A_241 = arith.constant 0 : i32
      %dma_start3A_242 = arith.constant 0 : i32
      %dma_start3A_243 = tpu.memref_slice %arg2[%dma_start3A_241, %dma_start3A_242] : memref<10240x128xf32, #tpu.memory_space<hbm>> -> memref<10240x128xf32, #tpu.memory_space<hbm>>
      tpu.enqueue_indirect_dma source(%dma_start3A_243 : memref<10240x128xf32, #tpu.memory_space<hbm>>) target(%arg10 : memref<128x128xf32, #tpu.memory_space<vmem>>) offsets(%dma_start3A_240 : memref<128xi32, #tpu.memory_space<vmem>>) semaphore(%arg15 : memref<!tpu.dma_semaphore, #tpu.memory_space<semaphore_mem>>)
      %lt3A = arith.constant 19 : i32
      %lt3A_244 = arith.cmpi slt, %scan3A_147, %lt3A : i32
      %convert_element_type3A = arith.extui %lt3A_244 : i1 to i32
      %cond3A = arith.constant 0 : i32
      %cond3A_245 = arith.cmpi ne, %convert_element_type3A, %cond3A : i32
      scf.if %cond3A_245 {
        %add3A_283 = arith.constant 4 : i32
        %add3A_284 = arith.addi %mul3A_149, %add3A_283 : i32
        %dma_start3A_285 = arith.constant 0 : i32
        %dma_start3A_286 = arith.constant 0 : i32
        %dma_start3A_287 = tpu.memref_slice %arg7[%dma_start3A_285, %dma_start3A_286] : memref<4x128xi32, #tpu.memory_space<vmem>> -> memref<2x128xi32, #tpu.memory_space<vmem>>
        %dma_start3A_288 = arith.constant 0 : i32
        %dma_start3A_289 = arith.constant 0 : i32
        %dma_start3A_290 = tpu.memref_slice %arg3[%add3A, %dma_start3A_288, %dma_start3A_289] : memref<32x80x128xi32, #tpu.memory_space<hbm>> -> memref<1x80x128xi32, #tpu.memory_space<hbm>>
        %dma_start3A_291 = tpu.memref_squeeze %dma_start3A_290 : memref<1x80x128xi32, #tpu.memory_space<hbm>> -> memref<80x128xi32, #tpu.memory_space<hbm>>
        %dma_start3A_292 = arith.constant 0 : i32
        %dma_start3A_293 = tpu.memref_slice %dma_start3A_291[%add3A_284, %dma_start3A_292] : memref<80x128xi32, #tpu.memory_space<hbm>> -> memref<2x128xi32, #tpu.memory_space<hbm>>
        %dma_start3A_294 = arith.constant 0 : i32
        %dma_start3A_295 = arith.constant 0 : i32
        %dma_start3A_296 = tpu.memref_slice %arg7[%dma_start3A_294, %dma_start3A_295] : memref<4x128xi32, #tpu.memory_space<vmem>> -> memref<2x128xi32, #tpu.memory_space<vmem>>
        %dma_start3A_297 = arith.constant 0 : i32
        %dma_start3A_298 = arith.constant 0 : i32
        %dma_start3A_299 = tpu.memref_slice %arg3[%add3A, %dma_start3A_297, %dma_start3A_298] : memref<32x80x128xi32, #tpu.memory_space<hbm>> -> memref<1x80x128xi32, #tpu.memory_space<hbm>>
        %dma_start3A_300 = tpu.memref_squeeze %dma_start3A_299 : memref<1x80x128xi32, #tpu.memory_space<hbm>> -> memref<80x128xi32, #tpu.memory_space<hbm>>
        %dma_start3A_301 = arith.constant 0 : i32
        %dma_start3A_302 = tpu.memref_slice %dma_start3A_300[%add3A_284, %dma_start3A_301] : memref<80x128xi32, #tpu.memory_space<hbm>> -> memref<2x128xi32, #tpu.memory_space<hbm>>
        tpu.enqueue_dma source(%dma_start3A_302 : memref<2x128xi32, #tpu.memory_space<hbm>>) target(%dma_start3A_296 : memref<2x128xi32, #tpu.memory_space<vmem>>) target_semaphore(%arg12 : memref<!tpu.dma_semaphore, #tpu.memory_space<semaphore_mem>>)
        %dma_start3A_303 = arith.constant 0 : i32
        %dma_start3A_304 = arith.constant 0 : i32
        %dma_start3A_305 = tpu.memref_slice %arg8[%dma_start3A_303, %dma_start3A_304] : memref<4x128xi32, #tpu.memory_space<vmem>> -> memref<2x128xi32, #tpu.memory_space<vmem>>
        %dma_start3A_306 = arith.constant 0 : i32
        %dma_start3A_307 = arith.constant 0 : i32
        %dma_start3A_308 = tpu.memref_slice %arg4[%add3A, %dma_start3A_306, %dma_start3A_307] : memref<32x80x128xi32, #tpu.memory_space<hbm>> -> memref<1x80x128xi32, #tpu.memory_space<hbm>>
        %dma_start3A_309 = tpu.memref_squeeze %dma_start3A_308 : memref<1x80x128xi32, #tpu.memory_space<hbm>> -> memref<80x128xi32, #tpu.memory_space<hbm>>
        %dma_start3A_310 = arith.constant 0 : i32
        %dma_start3A_311 = tpu.memref_slice %dma_start3A_309[%add3A_284, %dma_start3A_310] : memref<80x128xi32, #tpu.memory_space<hbm>> -> memref<2x128xi32, #tpu.memory_space<hbm>>
        %dma_start3A_312 = arith.constant 0 : i32
        %dma_start3A_313 = arith.constant 0 : i32
        %dma_start3A_314 = tpu.memref_slice %arg8[%dma_start3A_312, %dma_start3A_313] : memref<4x128xi32, #tpu.memory_space<vmem>> -> memref<2x128xi32, #tpu.memory_space<vmem>>
        %dma_start3A_315 = arith.constant 0 : i32
        %dma_start3A_316 = arith.constant 0 : i32
        %dma_start3A_317 = tpu.memref_slice %arg4[%add3A, %dma_start3A_315, %dma_start3A_316] : memref<32x80x128xi32, #tpu.memory_space<hbm>> -> memref<1x80x128xi32, #tpu.memory_space<hbm>>
        %dma_start3A_318 = tpu.memref_squeeze %dma_start3A_317 : memref<1x80x128xi32, #tpu.memory_space<hbm>> -> memref<80x128xi32, #tpu.memory_space<hbm>>
        %dma_start3A_319 = arith.constant 0 : i32
        %dma_start3A_320 = tpu.memref_slice %dma_start3A_318[%add3A_284, %dma_start3A_319] : memref<80x128xi32, #tpu.memory_space<hbm>> -> memref<2x128xi32, #tpu.memory_space<hbm>>
        tpu.enqueue_dma source(%dma_start3A_320 : memref<2x128xi32, #tpu.memory_space<hbm>>) target(%dma_start3A_314 : memref<2x128xi32, #tpu.memory_space<vmem>>) target_semaphore(%arg12 : memref<!tpu.dma_semaphore, #tpu.memory_space<semaphore_mem>>)
      } else {
      }
      %dma_wait3A_246 = arith.constant 2 : i32
      %dma_wait3A_247 = arith.constant 0 : i32
      %dma_wait3A_248 = tpu.memref_slice %arg7[%dma_wait3A_246, %dma_wait3A_247] : memref<4x128xi32, #tpu.memory_space<vmem>> -> memref<1x128xi32, #tpu.memory_space<vmem>>
      %dma_wait3A_249 = tpu.memref_squeeze %dma_wait3A_248 : memref<1x128xi32, #tpu.memory_space<vmem>> -> memref<128xi32, #tpu.memory_space<vmem>>
      %dma_wait3A_250 = arith.constant 0 : i32
      %dma_wait3A_251 = arith.constant 0 : i32
      %dma_wait3A_252 = tpu.memref_slice %arg2[%dma_wait3A_250, %dma_wait3A_251] : memref<10240x128xf32, #tpu.memory_space<hbm>> -> memref<10240x128xf32, #tpu.memory_space<hbm>>
      tpu.wait_indirect_dma semaphore(%arg14 : memref<!tpu.dma_semaphore, #tpu.memory_space<semaphore_mem>>) src(%dma_wait3A_252 : memref<10240x128xf32, #tpu.memory_space<hbm>>) dst(%arg9 : memref<128x128xf32, #tpu.memory_space<vmem>>)
      %dma_start3A_253 = arith.constant 2 : i32
      %dma_start3A_254 = arith.constant 0 : i32
      %dma_start3A_255 = tpu.memref_slice %arg8[%dma_start3A_253, %dma_start3A_254] : memref<4x128xi32, #tpu.memory_space<vmem>> -> memref<1x128xi32, #tpu.memory_space<vmem>>
      %dma_start3A_256 = tpu.memref_squeeze %dma_start3A_255 : memref<1x128xi32, #tpu.memory_space<vmem>> -> memref<128xi32, #tpu.memory_space<vmem>>
      %dma_start3A_257 = arith.constant 0 : i32
      %dma_start3A_258 = arith.constant 0 : i32
      %dma_start3A_259 = tpu.memref_slice %arg11[%dma_start3A_257, %dma_start3A_258] : memref<10240x128xf32, #tpu.memory_space<vmem_shared>> -> memref<10240x128xf32, #tpu.memory_space<vmem_shared>>
      tpu.enqueue_indirect_dma source(%arg9 : memref<128x128xf32, #tpu.memory_space<vmem>>) target(%dma_start3A_259 : memref<10240x128xf32, #tpu.memory_space<vmem_shared>>) offsets(%dma_start3A_256 : memref<128xi32, #tpu.memory_space<vmem>>) semaphore(%arg16 : memref<!tpu.dma_semaphore, #tpu.memory_space<semaphore_mem>>) {add = true}
      %dma_wait3A_260 = arith.constant 3 : i32
      %dma_wait3A_261 = arith.constant 0 : i32
      %dma_wait3A_262 = tpu.memref_slice %arg7[%dma_wait3A_260, %dma_wait3A_261] : memref<4x128xi32, #tpu.memory_space<vmem>> -> memref<1x128xi32, #tpu.memory_space<vmem>>
      %dma_wait3A_263 = tpu.memref_squeeze %dma_wait3A_262 : memref<1x128xi32, #tpu.memory_space<vmem>> -> memref<128xi32, #tpu.memory_space<vmem>>
      %dma_wait3A_264 = arith.constant 0 : i32
      %dma_wait3A_265 = arith.constant 0 : i32
      %dma_wait3A_266 = tpu.memref_slice %arg2[%dma_wait3A_264, %dma_wait3A_265] : memref<10240x128xf32, #tpu.memory_space<hbm>> -> memref<10240x128xf32, #tpu.memory_space<hbm>>
      tpu.wait_indirect_dma semaphore(%arg15 : memref<!tpu.dma_semaphore, #tpu.memory_space<semaphore_mem>>) src(%dma_wait3A_266 : memref<10240x128xf32, #tpu.memory_space<hbm>>) dst(%arg10 : memref<128x128xf32, #tpu.memory_space<vmem>>)
      %dma_start3A_267 = arith.constant 3 : i32
      %dma_start3A_268 = arith.constant 0 : i32
      %dma_start3A_269 = tpu.memref_slice %arg8[%dma_start3A_267, %dma_start3A_268] : memref<4x128xi32, #tpu.memory_space<vmem>> -> memref<1x128xi32, #tpu.memory_space<vmem>>
      %dma_start3A_270 = tpu.memref_squeeze %dma_start3A_269 : memref<1x128xi32, #tpu.memory_space<vmem>> -> memref<128xi32, #tpu.memory_space<vmem>>
      %dma_start3A_271 = arith.constant 0 : i32
      %dma_start3A_272 = arith.constant 0 : i32
      %dma_start3A_273 = tpu.memref_slice %arg11[%dma_start3A_271, %dma_start3A_272] : memref<10240x128xf32, #tpu.memory_space<vmem_shared>> -> memref<10240x128xf32, #tpu.memory_space<vmem_shared>>
      tpu.enqueue_indirect_dma source(%arg10 : memref<128x128xf32, #tpu.memory_space<vmem>>) target(%dma_start3A_273 : memref<10240x128xf32, #tpu.memory_space<vmem_shared>>) offsets(%dma_start3A_270 : memref<128xi32, #tpu.memory_space<vmem>>) semaphore(%arg17 : memref<!tpu.dma_semaphore, #tpu.memory_space<semaphore_mem>>) {add = true}
      %lt3A_274 = arith.constant 19 : i32
      %lt3A_275 = arith.cmpi slt, %scan3A_147, %lt3A_274 : i32
      %convert_element_type3A_276 = arith.extui %lt3A_275 : i1 to i32
      %cond3A_277 = arith.constant 0 : i32
      %cond3A_278 = arith.cmpi ne, %convert_element_type3A_276, %cond3A_277 : i32
      scf.if %cond3A_278 {
        %add3A_283 = arith.constant 4 : i32
        %add3A_284 = arith.addi %mul3A_149, %add3A_283 : i32
        %dma_wait3A_285 = arith.constant 0 : i32
        %dma_wait3A_286 = arith.constant 0 : i32
        %dma_wait3A_287 = tpu.memref_slice %arg7[%dma_wait3A_285, %dma_wait3A_286] : memref<4x128xi32, #tpu.memory_space<vmem>> -> memref<2x128xi32, #tpu.memory_space<vmem>>
        %dma_wait3A_288 = arith.constant 0 : i32
        %dma_wait3A_289 = arith.constant 0 : i32
        %dma_wait3A_290 = tpu.memref_slice %arg3[%add3A, %dma_wait3A_288, %dma_wait3A_289] : memref<32x80x128xi32, #tpu.memory_space<hbm>> -> memref<1x80x128xi32, #tpu.memory_space<hbm>>
        %dma_wait3A_291 = tpu.memref_squeeze %dma_wait3A_290 : memref<1x80x128xi32, #tpu.memory_space<hbm>> -> memref<80x128xi32, #tpu.memory_space<hbm>>
        %dma_wait3A_292 = arith.constant 0 : i32
        %dma_wait3A_293 = tpu.memref_slice %dma_wait3A_291[%add3A_284, %dma_wait3A_292] : memref<80x128xi32, #tpu.memory_space<hbm>> -> memref<2x128xi32, #tpu.memory_space<hbm>>
        %dma_wait3A_294 = arith.constant 0 : i32
        %dma_wait3A_295 = arith.constant 0 : i32
        %dma_wait3A_296 = tpu.memref_slice %arg7[%dma_wait3A_294, %dma_wait3A_295] : memref<4x128xi32, #tpu.memory_space<vmem>> -> memref<2x128xi32, #tpu.memory_space<vmem>>
        %dma_wait3A_297 = arith.constant 0 : i32
        %dma_wait3A_298 = arith.constant 0 : i32
        %dma_wait3A_299 = tpu.memref_slice %arg3[%add3A, %dma_wait3A_297, %dma_wait3A_298] : memref<32x80x128xi32, #tpu.memory_space<hbm>> -> memref<1x80x128xi32, #tpu.memory_space<hbm>>
        %dma_wait3A_300 = tpu.memref_squeeze %dma_wait3A_299 : memref<1x80x128xi32, #tpu.memory_space<hbm>> -> memref<80x128xi32, #tpu.memory_space<hbm>>
        %dma_wait3A_301 = arith.constant 0 : i32
        %dma_wait3A_302 = tpu.memref_slice %dma_wait3A_300[%add3A_284, %dma_wait3A_301] : memref<80x128xi32, #tpu.memory_space<hbm>> -> memref<2x128xi32, #tpu.memory_space<hbm>>
        tpu.wait_dma2 semaphore(%arg12 : memref<!tpu.dma_semaphore, #tpu.memory_space<semaphore_mem>>) src(%dma_wait3A_302 : memref<2x128xi32, #tpu.memory_space<hbm>>) dst(%dma_wait3A_296 : memref<2x128xi32, #tpu.memory_space<vmem>>)
        %dma_wait3A_303 = arith.constant 0 : i32
        %dma_wait3A_304 = arith.constant 0 : i32
        %dma_wait3A_305 = tpu.memref_slice %arg8[%dma_wait3A_303, %dma_wait3A_304] : memref<4x128xi32, #tpu.memory_space<vmem>> -> memref<2x128xi32, #tpu.memory_space<vmem>>
        %dma_wait3A_306 = arith.constant 0 : i32
        %dma_wait3A_307 = arith.constant 0 : i32
        %dma_wait3A_308 = tpu.memref_slice %arg4[%add3A, %dma_wait3A_306, %dma_wait3A_307] : memref<32x80x128xi32, #tpu.memory_space<hbm>> -> memref<1x80x128xi32, #tpu.memory_space<hbm>>
        %dma_wait3A_309 = tpu.memref_squeeze %dma_wait3A_308 : memref<1x80x128xi32, #tpu.memory_space<hbm>> -> memref<80x128xi32, #tpu.memory_space<hbm>>
        %dma_wait3A_310 = arith.constant 0 : i32
        %dma_wait3A_311 = tpu.memref_slice %dma_wait3A_309[%add3A_284, %dma_wait3A_310] : memref<80x128xi32, #tpu.memory_space<hbm>> -> memref<2x128xi32, #tpu.memory_space<hbm>>
        %dma_wait3A_312 = arith.constant 0 : i32
        %dma_wait3A_313 = arith.constant 0 : i32
        %dma_wait3A_314 = tpu.memref_slice %arg8[%dma_wait3A_312, %dma_wait3A_313] : memref<4x128xi32, #tpu.memory_space<vmem>> -> memref<2x128xi32, #tpu.memory_space<vmem>>
        %dma_wait3A_315 = arith.constant 0 : i32
        %dma_wait3A_316 = arith.constant 0 : i32
        %dma_wait3A_317 = tpu.memref_slice %arg4[%add3A, %dma_wait3A_315, %dma_wait3A_316] : memref<32x80x128xi32, #tpu.memory_space<hbm>> -> memref<1x80x128xi32, #tpu.memory_space<hbm>>
        %dma_wait3A_318 = tpu.memref_squeeze %dma_wait3A_317 : memref<1x80x128xi32, #tpu.memory_space<hbm>> -> memref<80x128xi32, #tpu.memory_space<hbm>>
        %dma_wait3A_319 = arith.constant 0 : i32
        %dma_wait3A_320 = tpu.memref_slice %dma_wait3A_318[%add3A_284, %dma_wait3A_319] : memref<80x128xi32, #tpu.memory_space<hbm>> -> memref<2x128xi32, #tpu.memory_space<hbm>>
        tpu.wait_dma2 semaphore(%arg12 : memref<!tpu.dma_semaphore, #tpu.memory_space<semaphore_mem>>) src(%dma_wait3A_320 : memref<2x128xi32, #tpu.memory_space<hbm>>) dst(%dma_wait3A_314 : memref<2x128xi32, #tpu.memory_space<vmem>>)
        %dma_wait3A_321 = arith.constant 2 : i32
        %dma_wait3A_322 = arith.constant 0 : i32
        %dma_wait3A_323 = tpu.memref_slice %arg8[%dma_wait3A_321, %dma_wait3A_322] : memref<4x128xi32, #tpu.memory_space<vmem>> -> memref<1x128xi32, #tpu.memory_space<vmem>>
        %dma_wait3A_324 = tpu.memref_squeeze %dma_wait3A_323 : memref<1x128xi32, #tpu.memory_space<vmem>> -> memref<128xi32, #tpu.memory_space<vmem>>
        %dma_wait3A_325 = arith.constant 0 : i32
        %dma_wait3A_326 = arith.constant 0 : i32
        %dma_wait3A_327 = tpu.memref_slice %arg11[%dma_wait3A_325, %dma_wait3A_326] : memref<10240x128xf32, #tpu.memory_space<vmem_shared>> -> memref<10240x128xf32, #tpu.memory_space<vmem_shared>>
        tpu.wait_indirect_dma semaphore(%arg16 : memref<!tpu.dma_semaphore, #tpu.memory_space<semaphore_mem>>) src(%arg9 : memref<128x128xf32, #tpu.memory_space<vmem>>) dst(%dma_wait3A_327 : memref<10240x128xf32, #tpu.memory_space<vmem_shared>>)
        %dma_start3A_328 = arith.constant 0 : i32
        %dma_start3A_329 = arith.constant 0 : i32
        %dma_start3A_330 = tpu.memref_slice %arg7[%dma_start3A_328, %dma_start3A_329] : memref<4x128xi32, #tpu.memory_space<vmem>> -> memref<1x128xi32, #tpu.memory_space<vmem>>
        %dma_start3A_331 = tpu.memref_squeeze %dma_start3A_330 : memref<1x128xi32, #tpu.memory_space<vmem>> -> memref<128xi32, #tpu.memory_space<vmem>>
        %dma_start3A_332 = arith.constant 0 : i32
        %dma_start3A_333 = arith.constant 0 : i32
        %dma_start3A_334 = tpu.memref_slice %arg2[%dma_start3A_332, %dma_start3A_333] : memref<10240x128xf32, #tpu.memory_space<hbm>> -> memref<10240x128xf32, #tpu.memory_space<hbm>>
        tpu.enqueue_indirect_dma source(%dma_start3A_334 : memref<10240x128xf32, #tpu.memory_space<hbm>>) target(%arg9 : memref<128x128xf32, #tpu.memory_space<vmem>>) offsets(%dma_start3A_331 : memref<128xi32, #tpu.memory_space<vmem>>) semaphore(%arg14 : memref<!tpu.dma_semaphore, #tpu.memory_space<semaphore_mem>>)
        %dma_wait3A_335 = arith.constant 3 : i32
        %dma_wait3A_336 = arith.constant 0 : i32
        %dma_wait3A_337 = tpu.memref_slice %arg8[%dma_wait3A_335, %dma_wait3A_336] : memref<4x128xi32, #tpu.memory_space<vmem>> -> memref<1x128xi32, #tpu.memory_space<vmem>>
        %dma_wait3A_338 = tpu.memref_squeeze %dma_wait3A_337 : memref<1x128xi32, #tpu.memory_space<vmem>> -> memref<128xi32, #tpu.memory_space<vmem>>
        %dma_wait3A_339 = arith.constant 0 : i32
        %dma_wait3A_340 = arith.constant 0 : i32
        %dma_wait3A_341 = tpu.memref_slice %arg11[%dma_wait3A_339, %dma_wait3A_340] : memref<10240x128xf32, #tpu.memory_space<vmem_shared>> -> memref<10240x128xf32, #tpu.memory_space<vmem_shared>>
        tpu.wait_indirect_dma semaphore(%arg17 : memref<!tpu.dma_semaphore, #tpu.memory_space<semaphore_mem>>) src(%arg10 : memref<128x128xf32, #tpu.memory_space<vmem>>) dst(%dma_wait3A_341 : memref<10240x128xf32, #tpu.memory_space<vmem_shared>>)
        %dma_start3A_342 = arith.constant 1 : i32
        %dma_start3A_343 = arith.constant 0 : i32
        %dma_start3A_344 = tpu.memref_slice %arg7[%dma_start3A_342, %dma_start3A_343] : memref<4x128xi32, #tpu.memory_space<vmem>> -> memref<1x128xi32, #tpu.memory_space<vmem>>
        %dma_start3A_345 = tpu.memref_squeeze %dma_start3A_344 : memref<1x128xi32, #tpu.memory_space<vmem>> -> memref<128xi32, #tpu.memory_space<vmem>>
        %dma_start3A_346 = arith.constant 0 : i32
        %dma_start3A_347 = arith.constant 0 : i32
        %dma_start3A_348 = tpu.memref_slice %arg2[%dma_start3A_346, %dma_start3A_347] : memref<10240x128xf32, #tpu.memory_space<hbm>> -> memref<10240x128xf32, #tpu.memory_space<hbm>>
        tpu.enqueue_indirect_dma source(%dma_start3A_348 : memref<10240x128xf32, #tpu.memory_space<hbm>>) target(%arg10 : memref<128x128xf32, #tpu.memory_space<vmem>>) offsets(%dma_start3A_345 : memref<128xi32, #tpu.memory_space<vmem>>) semaphore(%arg15 : memref<!tpu.dma_semaphore, #tpu.memory_space<semaphore_mem>>)
        %add3A_349 = arith.constant 6 : i32
        %add3A_350 = arith.addi %mul3A_149, %add3A_349 : i32
        %dma_start3A_351 = arith.constant 2 : i32
        %dma_start3A_352 = arith.constant 0 : i32
        %dma_start3A_353 = tpu.memref_slice %arg7[%dma_start3A_351, %dma_start3A_352] : memref<4x128xi32, #tpu.memory_space<vmem>> -> memref<2x128xi32, #tpu.memory_space<vmem>>
        %dma_start3A_354 = arith.constant 0 : i32
        %dma_start3A_355 = arith.constant 0 : i32
        %dma_start3A_356 = tpu.memref_slice %arg3[%add3A, %dma_start3A_354, %dma_start3A_355] : memref<32x80x128xi32, #tpu.memory_space<hbm>> -> memref<1x80x128xi32, #tpu.memory_space<hbm>>
        %dma_start3A_357 = tpu.memref_squeeze %dma_start3A_356 : memref<1x80x128xi32, #tpu.memory_space<hbm>> -> memref<80x128xi32, #tpu.memory_space<hbm>>
        %dma_start3A_358 = arith.constant 0 : i32
        %dma_start3A_359 = tpu.memref_slice %dma_start3A_357[%add3A_350, %dma_start3A_358] : memref<80x128xi32, #tpu.memory_space<hbm>> -> memref<2x128xi32, #tpu.memory_space<hbm>>
        %dma_start3A_360 = arith.constant 2 : i32
        %dma_start3A_361 = arith.constant 0 : i32
        %dma_start3A_362 = tpu.memref_slice %arg7[%dma_start3A_360, %dma_start3A_361] : memref<4x128xi32, #tpu.memory_space<vmem>> -> memref<2x128xi32, #tpu.memory_space<vmem>>
        %dma_start3A_363 = arith.constant 0 : i32
        %dma_start3A_364 = arith.constant 0 : i32
        %dma_start3A_365 = tpu.memref_slice %arg3[%add3A, %dma_start3A_363, %dma_start3A_364] : memref<32x80x128xi32, #tpu.memory_space<hbm>> -> memref<1x80x128xi32, #tpu.memory_space<hbm>>
        %dma_start3A_366 = tpu.memref_squeeze %dma_start3A_365 : memref<1x80x128xi32, #tpu.memory_space<hbm>> -> memref<80x128xi32, #tpu.memory_space<hbm>>
        %dma_start3A_367 = arith.constant 0 : i32
        %dma_start3A_368 = tpu.memref_slice %dma_start3A_366[%add3A_350, %dma_start3A_367] : memref<80x128xi32, #tpu.memory_space<hbm>> -> memref<2x128xi32, #tpu.memory_space<hbm>>
        tpu.enqueue_dma source(%dma_start3A_368 : memref<2x128xi32, #tpu.memory_space<hbm>>) target(%dma_start3A_362 : memref<2x128xi32, #tpu.memory_space<vmem>>) target_semaphore(%arg13 : memref<!tpu.dma_semaphore, #tpu.memory_space<semaphore_mem>>)
        %dma_start3A_369 = arith.constant 2 : i32
        %dma_start3A_370 = arith.constant 0 : i32
        %dma_start3A_371 = tpu.memref_slice %arg8[%dma_start3A_369, %dma_start3A_370] : memref<4x128xi32, #tpu.memory_space<vmem>> -> memref<2x128xi32, #tpu.memory_space<vmem>>
        %dma_start3A_372 = arith.constant 0 : i32
        %dma_start3A_373 = arith.constant 0 : i32
        %dma_start3A_374 = tpu.memref_slice %arg4[%add3A, %dma_start3A_372, %dma_start3A_373] : memref<32x80x128xi32, #tpu.memory_space<hbm>> -> memref<1x80x128xi32, #tpu.memory_space<hbm>>
        %dma_start3A_375 = tpu.memref_squeeze %dma_start3A_374 : memref<1x80x128xi32, #tpu.memory_space<hbm>> -> memref<80x128xi32, #tpu.memory_space<hbm>>
        %dma_start3A_376 = arith.constant 0 : i32
        %dma_start3A_377 = tpu.memref_slice %dma_start3A_375[%add3A_350, %dma_start3A_376] : memref<80x128xi32, #tpu.memory_space<hbm>> -> memref<2x128xi32, #tpu.memory_space<hbm>>
        %dma_start3A_378 = arith.constant 2 : i32
        %dma_start3A_379 = arith.constant 0 : i32
        %dma_start3A_380 = tpu.memref_slice %arg8[%dma_start3A_378, %dma_start3A_379] : memref<4x128xi32, #tpu.memory_space<vmem>> -> memref<2x128xi32, #tpu.memory_space<vmem>>
        %dma_start3A_381 = arith.constant 0 : i32
        %dma_start3A_382 = arith.constant 0 : i32
        %dma_start3A_383 = tpu.memref_slice %arg4[%add3A, %dma_start3A_381, %dma_start3A_382] : memref<32x80x128xi32, #tpu.memory_space<hbm>> -> memref<1x80x128xi32, #tpu.memory_space<hbm>>
        %dma_start3A_384 = tpu.memref_squeeze %dma_start3A_383 : memref<1x80x128xi32, #tpu.memory_space<hbm>> -> memref<80x128xi32, #tpu.memory_space<hbm>>
        %dma_start3A_385 = arith.constant 0 : i32
        %dma_start3A_386 = tpu.memref_slice %dma_start3A_384[%add3A_350, %dma_start3A_385] : memref<80x128xi32, #tpu.memory_space<hbm>> -> memref<2x128xi32, #tpu.memory_space<hbm>>
        tpu.enqueue_dma source(%dma_start3A_386 : memref<2x128xi32, #tpu.memory_space<hbm>>) target(%dma_start3A_380 : memref<2x128xi32, #tpu.memory_space<vmem>>) target_semaphore(%arg13 : memref<!tpu.dma_semaphore, #tpu.memory_space<semaphore_mem>>)
      } else {
      }
      %eq3A = arith.constant 19 : i32
      %eq3A_279 = arith.cmpi eq, %scan3A_147, %eq3A : i32
      %convert_element_type3A_280 = arith.extui %eq3A_279 : i1 to i32
      %cond3A_281 = arith.constant 0 : i32
      %cond3A_282 = arith.cmpi ne, %convert_element_type3A_280, %cond3A_281 : i32
      scf.if %cond3A_282 {
        %dma_wait3A_283 = arith.constant 2 : i32
        %dma_wait3A_284 = arith.constant 0 : i32
        %dma_wait3A_285 = tpu.memref_slice %arg8[%dma_wait3A_283, %dma_wait3A_284] : memref<4x128xi32, #tpu.memory_space<vmem>> -> memref<1x128xi32, #tpu.memory_space<vmem>>
        %dma_wait3A_286 = tpu.memref_squeeze %dma_wait3A_285 : memref<1x128xi32, #tpu.memory_space<vmem>> -> memref<128xi32, #tpu.memory_space<vmem>>
        %dma_wait3A_287 = arith.constant 0 : i32
        %dma_wait3A_288 = arith.constant 0 : i32
        %dma_wait3A_289 = tpu.memref_slice %arg11[%dma_wait3A_287, %dma_wait3A_288] : memref<10240x128xf32, #tpu.memory_space<vmem_shared>> -> memref<10240x128xf32, #tpu.memory_space<vmem_shared>>
        tpu.wait_indirect_dma semaphore(%arg16 : memref<!tpu.dma_semaphore, #tpu.memory_space<semaphore_mem>>) src(%arg9 : memref<128x128xf32, #tpu.memory_space<vmem>>) dst(%dma_wait3A_289 : memref<10240x128xf32, #tpu.memory_space<vmem_shared>>)
        %dma_wait3A_290 = arith.constant 3 : i32
        %dma_wait3A_291 = arith.constant 0 : i32
        %dma_wait3A_292 = tpu.memref_slice %arg8[%dma_wait3A_290, %dma_wait3A_291] : memref<4x128xi32, #tpu.memory_space<vmem>> -> memref<1x128xi32, #tpu.memory_space<vmem>>
        %dma_wait3A_293 = tpu.memref_squeeze %dma_wait3A_292 : memref<1x128xi32, #tpu.memory_space<vmem>> -> memref<128xi32, #tpu.memory_space<vmem>>
        %dma_wait3A_294 = arith.constant 0 : i32
        %dma_wait3A_295 = arith.constant 0 : i32
        %dma_wait3A_296 = tpu.memref_slice %arg11[%dma_wait3A_294, %dma_wait3A_295] : memref<10240x128xf32, #tpu.memory_space<vmem_shared>> -> memref<10240x128xf32, #tpu.memory_space<vmem_shared>>
        tpu.wait_indirect_dma semaphore(%arg17 : memref<!tpu.dma_semaphore, #tpu.memory_space<semaphore_mem>>) src(%arg10 : memref<128x128xf32, #tpu.memory_space<vmem>>) dst(%dma_wait3A_296 : memref<10240x128xf32, #tpu.memory_space<vmem_shared>>)
      } else {
      }
    }
    %scan3A_141 = arith.constant 20 : i32
    %barrier3A_142 = arith.constant 0 : index
    tpu.barrier barrier_id(%barrier3A_142)
    %mul3A_143 = arith.constant 640 : i32
    %mul3A_144 = arith.muli %arg1, %mul3A_143 : i32
    %mul3A_145 = arith.constant 640 : i32
    %mul3A_146 = arith.muli %arg1, %mul3A_145 : i32
    "tpu.region"() ({
      %run_scoped3A = tpu.sem_alloc : memref<!tpu.dma_semaphore, #tpu.memory_space<semaphore_mem>>
      %dma_start3A_147 = arith.constant 0 : i32
      %dma_start3A_148 = arith.constant 0 : i32
      %dma_start3A_149 = tpu.memref_slice %arg6[%arg0, %dma_start3A_147, %dma_start3A_148] : memref<2x10240x128xf32, #tpu.memory_space<hbm>> -> memref<1x10240x128xf32, #tpu.memory_space<hbm>>
      %dma_start3A_150 = tpu.memref_squeeze %dma_start3A_149 : memref<1x10240x128xf32, #tpu.memory_space<hbm>> -> memref<10240x128xf32, #tpu.memory_space<hbm>>
      %dma_start3A_151 = arith.constant 0 : i32
      %dma_start3A_152 = tpu.memref_slice %dma_start3A_150[%mul3A_146, %dma_start3A_151] : memref<10240x128xf32, #tpu.memory_space<hbm>> -> memref<640x128xf32, #tpu.memory_space<hbm>>
      %dma_start3A_153 = arith.constant 0 : i32
      %dma_start3A_154 = tpu.memref_slice %arg11[%mul3A_144, %dma_start3A_153] : memref<10240x128xf32, #tpu.memory_space<vmem_shared>> -> memref<640x128xf32, #tpu.memory_space<vmem_shared>>
      tpu.enqueue_dma source(%dma_start3A_154 : memref<640x128xf32, #tpu.memory_space<vmem_shared>>) target(%dma_start3A_152 : memref<640x128xf32, #tpu.memory_space<hbm>>) target_semaphore(%run_scoped3A : memref<!tpu.dma_semaphore, #tpu.memory_space<semaphore_mem>>)
      %dma_wait3A_155 = arith.constant 0 : i32
      %dma_wait3A_156 = arith.constant 0 : i32
      %dma_wait3A_157 = tpu.memref_slice %arg6[%arg0, %dma_wait3A_155, %dma_wait3A_156] : memref<2x10240x128xf32, #tpu.memory_space<hbm>> -> memref<1x10240x128xf32, #tpu.memory_space<hbm>>
      %dma_wait3A_158 = tpu.memref_squeeze %dma_wait3A_157 : memref<1x10240x128xf32, #tpu.memory_space<hbm>> -> memref<10240x128xf32, #tpu.memory_space<hbm>>
      %dma_wait3A_159 = arith.constant 0 : i32
      %dma_wait3A_160 = tpu.memref_slice %dma_wait3A_158[%mul3A_146, %dma_wait3A_159] : memref<10240x128xf32, #tpu.memory_space<hbm>> -> memref<640x128xf32, #tpu.memory_space<hbm>>
      %dma_wait3A_161 = arith.constant 0 : i32
      %dma_wait3A_162 = tpu.memref_slice %arg11[%mul3A_144, %dma_wait3A_161] : memref<10240x128xf32, #tpu.memory_space<vmem_shared>> -> memref<640x128xf32, #tpu.memory_space<vmem_shared>>
      tpu.wait_dma2 semaphore(%run_scoped3A : memref<!tpu.dma_semaphore, #tpu.memory_space<semaphore_mem>>) src(%dma_wait3A_162 : memref<640x128xf32, #tpu.memory_space<vmem_shared>>) dst(%dma_wait3A_160 : memref<640x128xf32, #tpu.memory_space<hbm>>)
      tpu.yield
    }) : () -> ()
    return
  }
}

module attributes {stable_mosaic.version = 14 : i64} {
  func.func @_mm_body(%arg0: i32, %arg1: memref<1024x128xf32, #tpu.memory_space<vmem>>, %arg2: memref<128x128xf32, #tpu.memory_space<vmem>>, %arg3: memref<128x128xf32, #tpu.memory_space<vmem>>, %arg4: memref<1024x128xf32, #tpu.memory_space<vmem>>, %arg5: memref<1024x128xf32, #tpu.memory_space<vmem>>) attributes {dimension_semantics = [#tpu.dimension_semantics<arbitrary>], iteration_bounds = array<i64: 10>, scalar_prefetch = 0 : i64, scratch_operands = 0 : i64, tpu.core_type = #tpu.core_type<tc>, window_params = [{transform_indices = @transform_0, window_bounds = array<i64: 1024, 128>}, {pipeline_mode = #tpu.pipeline_mode<synchronous>, transform_indices = @transform_1, window_bounds = array<i64: 128, 128>}, {pipeline_mode = #tpu.pipeline_mode<synchronous>, transform_indices = @transform_2, window_bounds = array<i64: 128, 128>}, {transform_indices = @transform_3, window_bounds = array<i64: 1024, 128>}, {transform_indices = @transform_4, window_bounds = array<i64: 1024, 128>}]} {
    %get3A = arith.constant 0 : index
    %get3A_0 = arith.constant 0 : index
    %get3A_1 = vector.load %arg1[%get3A, %get3A_0] : memref<1024x128xf32, #tpu.memory_space<vmem>>, vector<1024x128xf32>
    %get3A_2 = arith.constant 0 : index
    %get3A_3 = arith.constant 0 : index
    %get3A_4 = vector.load %arg2[%get3A_2, %get3A_3] : memref<128x128xf32, #tpu.memory_space<vmem>>, vector<128x128xf32>
    %dot_general3A = arith.constant dense<0.000000e+00> : vector<1024x128xf32>
    %dot_general3A_5 = tpu.matmul %get3A_1, %get3A_4, %dot_general3A {dimension_numbers = #tpu.dot_dimension_numbers<[1], [0], [0], [1], [0, 0, 1, 1], [], []>, transpose_lhs_hint = false} : vector<1024x128xf32>, vector<128x128xf32>, vector<1024x128xf32> -> vector<1024x128xf32>
    %swap3A = arith.constant 0 : index
    %swap3A_6 = arith.constant 0 : index
    %swap3A_7 = vector.load %arg4[%swap3A, %swap3A_6] : memref<1024x128xf32, #tpu.memory_space<vmem>>, vector<1024x128xf32>
    tpu.vector_store %arg4[%swap3A, %swap3A_6], %dot_general3A_5 {strides = array<i32>} : memref<1024x128xf32, #tpu.memory_space<vmem>>, vector<1024x128xf32>,
    %get3A_8 = arith.constant 0 : index
    %get3A_9 = arith.constant 0 : index
    %get3A_10 = vector.load %arg3[%get3A_8, %get3A_9] : memref<128x128xf32, #tpu.memory_space<vmem>>, vector<128x128xf32>
    %dot_general3A_11 = arith.constant dense<0.000000e+00> : vector<1024x128xf32>
    %dot_general3A_12 = tpu.matmul %get3A_1, %get3A_10, %dot_general3A_11 {dimension_numbers = #tpu.dot_dimension_numbers<[1], [0], [0], [1], [0, 0, 1, 1], [], []>, transpose_lhs_hint = false} : vector<1024x128xf32>, vector<128x128xf32>, vector<1024x128xf32> -> vector<1024x128xf32>
    %swap3A_13 = arith.constant 0 : index
    %swap3A_14 = arith.constant 0 : index
    %swap3A_15 = vector.load %arg5[%swap3A_13, %swap3A_14] : memref<1024x128xf32, #tpu.memory_space<vmem>>, vector<1024x128xf32>
    tpu.vector_store %arg5[%swap3A_13, %swap3A_14], %dot_general3A_12 {strides = array<i32>} : memref<1024x128xf32, #tpu.memory_space<vmem>>, vector<1024x128xf32>,
    return
  }
  func.func @transform_0(%arg0: i32) -> (i32, i32) {
    %c0_i32 = arith.constant 0 : i32
    %c0_i32_0 = arith.constant 0 : i32
    return %arg0, %c0_i32 : i32, i32
  }
  func.func @transform_1(%arg0: i32) -> (i32, i32) {
    %c0_i32 = arith.constant 0 : i32
    %c0_i32_0 = arith.constant 0 : i32
    %c0_i32_1 = arith.constant 0 : i32
    return %c0_i32, %c0_i32_0 : i32, i32
  }
  func.func @transform_2(%arg0: i32) -> (i32, i32) {
    %c0_i32 = arith.constant 0 : i32
    %c0_i32_0 = arith.constant 0 : i32
    %c0_i32_1 = arith.constant 0 : i32
    return %c0_i32, %c0_i32_0 : i32, i32
  }
  func.func @transform_3(%arg0: i32) -> (i32, i32) {
    %c0_i32 = arith.constant 0 : i32
    %c0_i32_0 = arith.constant 0 : i32
    return %arg0, %c0_i32 : i32, i32
  }
  func.func @transform_4(%arg0: i32) -> (i32, i32) {
    %c0_i32 = arith.constant 0 : i32
    %c0_i32_0 = arith.constant 0 : i32
    return %arg0, %c0_i32 : i32, i32
  }
}

module attributes {stable_mosaic.version = 14 : i64} {
  func.func @_scale_body(%arg0: i32, %arg1: memref<1024x128xf32, #tpu.memory_space<vmem>>, %arg2: memref<2x1024x1xf32, #tpu.memory_space<vmem>>, %arg3: memref<1024x128xf32, #tpu.memory_space<vmem>>, %arg4: memref<1024x1xf32, #tpu.memory_space<vmem>>) attributes {dimension_semantics = [#tpu.dimension_semantics<arbitrary>], iteration_bounds = array<i64: 10>, scalar_prefetch = 0 : i64, scratch_operands = 0 : i64, tpu.core_type = #tpu.core_type<tc>, window_params = [{transform_indices = @transform_0, window_bounds = array<i64: 1024, 128>}, {transform_indices = @transform_1, window_bounds = array<i64: 2, 1024, 1>}, {transform_indices = @transform_2, window_bounds = array<i64: 1024, 128>}, {transform_indices = @transform_3, window_bounds = array<i64: 1024, 1>}]} {
    %get3A = arith.constant 0 : index
    %get3A_0 = arith.constant 0 : index
    %get3A_1 = arith.constant 0 : index
    %get3A_2 = vector.load %arg2[%get3A, %get3A_0, %get3A_1] : memref<2x1024x1xf32, #tpu.memory_space<vmem>>, vector<1x1024x1xf32>
    %get3A_3 = vector.shape_cast %get3A_2 : vector<1x1024x1xf32> to vector<1024x1xf32>
    %get3A_4 = arith.constant 1 : index
    %get3A_5 = arith.constant 0 : index
    %get3A_6 = arith.constant 0 : index
    %get3A_7 = vector.load %arg2[%get3A_4, %get3A_5, %get3A_6] : memref<2x1024x1xf32, #tpu.memory_space<vmem>>, vector<1x1024x1xf32>
    %get3A_8 = vector.shape_cast %get3A_7 : vector<1x1024x1xf32> to vector<1024x1xf32>
    %add3A = arith.addf %get3A_3, %get3A_8 : vector<1024x1xf32>
    %max3A = arith.constant 1.000000e+00 : f32
    %max3A_9 = vector.broadcast %max3A : f32 to vector<1024x1xf32>
    %max3A_10 = arith.maximumf %add3A, %max3A_9 : vector<1024x1xf32>
    %rsqrt3A = math.rsqrt %max3A_10 : vector<1024x1xf32>
    %get3A_11 = arith.constant 0 : index
    %get3A_12 = arith.constant 0 : index
    %get3A_13 = vector.load %arg1[%get3A_11, %get3A_12] : memref<1024x128xf32, #tpu.memory_space<vmem>>, vector<1024x128xf32>
    %mul3A = vector.broadcast %rsqrt3A : vector<1024x1xf32> to vector<1024x128xf32>
    %mul3A_14 = arith.mulf %mul3A, %get3A_13 : vector<1024x128xf32>
    %swap3A = arith.constant 0 : index
    %swap3A_15 = arith.constant 0 : index
    %swap3A_16 = vector.load %arg3[%swap3A, %swap3A_15] : memref<1024x128xf32, #tpu.memory_space<vmem>>, vector<1024x128xf32>
    tpu.vector_store %arg3[%swap3A, %swap3A_15], %mul3A_14 {strides = array<i32>} : memref<1024x128xf32, #tpu.memory_space<vmem>>, vector<1024x128xf32>,
    %swap3A_17 = arith.constant 0 : index
    %swap3A_18 = arith.constant 0 : index
    %swap3A_19 = vector.load %arg4[%swap3A_17, %swap3A_18] : memref<1024x1xf32, #tpu.memory_space<vmem>>, vector<1024x1xf32>
    tpu.vector_store %arg4[%swap3A_17, %swap3A_18], %rsqrt3A {strides = array<i32>} : memref<1024x1xf32, #tpu.memory_space<vmem>>, vector<1024x1xf32>,
    return
  }
  func.func @transform_0(%arg0: i32) -> (i32, i32) {
    %c0_i32 = arith.constant 0 : i32
    %c0_i32_0 = arith.constant 0 : i32
    return %arg0, %c0_i32 : i32, i32
  }
  func.func @transform_1(%arg0: i32) -> (i32, i32, i32) {
    %c0_i32 = arith.constant 0 : i32
    %c0_i32_0 = arith.constant 0 : i32
    %c0_i32_1 = arith.constant 0 : i32
    return %c0_i32, %arg0, %c0_i32_0 : i32, i32, i32
  }
  func.func @transform_2(%arg0: i32) -> (i32, i32) {
    %c0_i32 = arith.constant 0 : i32
    %c0_i32_0 = arith.constant 0 : i32
    return %arg0, %c0_i32 : i32, i32
  }
  func.func @transform_3(%arg0: i32) -> (i32, i32) {
    %c0_i32 = arith.constant 0 : i32
    %c0_i32_0 = arith.constant 0 : i32
    return %arg0, %c0_i32 : i32, i32
  }
}

module attributes {stable_mosaic.version = 14 : i64} {
  func.func @_mid_body(%arg0: i32, %arg1: memref<1024x128xf32, #tpu.memory_space<vmem>>, %arg2: memref<2x1024x128xf32, #tpu.memory_space<vmem>>, %arg3: memref<1024x1xf32, #tpu.memory_space<vmem>>, %arg4: memref<128x128xf32, #tpu.memory_space<vmem>>, %arg5: memref<128x128xf32, #tpu.memory_space<vmem>>, %arg6: memref<128x128xf32, #tpu.memory_space<vmem>>, %arg7: memref<128x128xf32, #tpu.memory_space<vmem>>, %arg8: memref<1024x128xf32, #tpu.memory_space<vmem>>, %arg9: memref<1024x128xf32, #tpu.memory_space<vmem>>) attributes {dimension_semantics = [#tpu.dimension_semantics<arbitrary>], iteration_bounds = array<i64: 10>, scalar_prefetch = 0 : i64, scratch_operands = 0 : i64, tpu.core_type = #tpu.core_type<tc>, window_params = [{transform_indices = @transform_0, window_bounds = array<i64: 1024, 128>}, {transform_indices = @transform_1, window_bounds = array<i64: 2, 1024, 128>}, {transform_indices = @transform_2, window_bounds = array<i64: 1024, 1>}, {pipeline_mode = #tpu.pipeline_mode<synchronous>, transform_indices = @transform_3, window_bounds = array<i64: 128, 128>}, {pipeline_mode = #tpu.pipeline_mode<synchronous>, transform_indices = @transform_4, window_bounds = array<i64: 128, 128>}, {pipeline_mode = #tpu.pipeline_mode<synchronous>, transform_indices = @transform_5, window_bounds = array<i64: 128, 128>}, {pipeline_mode = #tpu.pipeline_mode<synchronous>, transform_indices = @transform_6, window_bounds = array<i64: 128, 128>}, {transform_indices = @transform_7, window_bounds = array<i64: 1024, 128>}, {transform_indices = @transform_8, window_bounds = array<i64: 1024, 128>}]} {
    %get3A = arith.constant 0 : index
    %get3A_0 = arith.constant 0 : index
    %get3A_1 = vector.load %arg3[%get3A, %get3A_0] : memref<1024x1xf32, #tpu.memory_space<vmem>>, vector<1024x1xf32>
    %get3A_2 = arith.constant 0 : index
    %get3A_3 = arith.constant 0 : index
    %get3A_4 = vector.load %arg1[%get3A_2, %get3A_3] : memref<1024x128xf32, #tpu.memory_space<vmem>>, vector<1024x128xf32>
    %max3A = arith.constant 0.000000e+00 : f32
    %max3A_5 = vector.broadcast %max3A : f32 to vector<1024x128xf32>
    %max3A_6 = arith.maximumf %get3A_4, %max3A_5 : vector<1024x128xf32>
    %get3A_7 = arith.constant 0 : index
    %get3A_8 = arith.constant 0 : index
    %get3A_9 = arith.constant 0 : index
    %get3A_10 = vector.load %arg2[%get3A_7, %get3A_8, %get3A_9] : memref<2x1024x128xf32, #tpu.memory_space<vmem>>, vector<1x1024x128xf32>
    %get3A_11 = vector.shape_cast %get3A_10 : vector<1x1024x128xf32> to vector<1024x128xf32>
    %get3A_12 = arith.constant 1 : index
    %get3A_13 = arith.constant 0 : index
    %get3A_14 = arith.constant 0 : index
    %get3A_15 = vector.load %arg2[%get3A_12, %get3A_13, %get3A_14] : memref<2x1024x128xf32, #tpu.memory_space<vmem>>, vector<1x1024x128xf32>
    %get3A_16 = vector.shape_cast %get3A_15 : vector<1x1024x128xf32> to vector<1024x128xf32>
    %add3A = arith.addf %get3A_11, %get3A_16 : vector<1024x128xf32>
    %mul3A = vector.broadcast %get3A_1 : vector<1024x1xf32> to vector<1024x128xf32>
    %mul3A_17 = arith.mulf %mul3A, %add3A : vector<1024x128xf32>
    %max3A_18 = arith.constant 0.000000e+00 : f32
    %max3A_19 = vector.broadcast %max3A_18 : f32 to vector<1024x128xf32>
    %max3A_20 = arith.maximumf %mul3A_17, %max3A_19 : vector<1024x128xf32>
    %get3A_21 = arith.constant 0 : index
    %get3A_22 = arith.constant 0 : index
    %get3A_23 = vector.load %arg4[%get3A_21, %get3A_22] : memref<128x128xf32, #tpu.memory_space<vmem>>, vector<128x128xf32>
    %dot_general3A = arith.constant dense<0.000000e+00> : vector<1024x128xf32>
    %dot_general3A_24 = tpu.matmul %max3A_6, %get3A_23, %dot_general3A {dimension_numbers = #tpu.dot_dimension_numbers<[1], [0], [0], [1], [0, 0, 1, 1], [], []>, transpose_lhs_hint = false} : vector<1024x128xf32>, vector<128x128xf32>, vector<1024x128xf32> -> vector<1024x128xf32>
    %get3A_25 = arith.constant 0 : index
    %get3A_26 = arith.constant 0 : index
    %get3A_27 = vector.load %arg5[%get3A_25, %get3A_26] : memref<128x128xf32, #tpu.memory_space<vmem>>, vector<128x128xf32>
    %dot_general3A_28 = arith.constant dense<0.000000e+00> : vector<1024x128xf32>
    %dot_general3A_29 = tpu.matmul %max3A_20, %get3A_27, %dot_general3A_28 {dimension_numbers = #tpu.dot_dimension_numbers<[1], [0], [0], [1], [0, 0, 1, 1], [], []>, transpose_lhs_hint = false} : vector<1024x128xf32>, vector<128x128xf32>, vector<1024x128xf32> -> vector<1024x128xf32>
    %add3A_30 = arith.addf %dot_general3A_24, %dot_general3A_29 : vector<1024x128xf32>
    %swap3A = arith.constant 0 : index
    %swap3A_31 = arith.constant 0 : index
    %swap3A_32 = vector.load %arg8[%swap3A, %swap3A_31] : memref<1024x128xf32, #tpu.memory_space<vmem>>, vector<1024x128xf32>
    tpu.vector_store %arg8[%swap3A, %swap3A_31], %add3A_30 {strides = array<i32>} : memref<1024x128xf32, #tpu.memory_space<vmem>>, vector<1024x128xf32>,
    %get3A_33 = arith.constant 0 : index
    %get3A_34 = arith.constant 0 : index
    %get3A_35 = vector.load %arg6[%get3A_33, %get3A_34] : memref<128x128xf32, #tpu.memory_space<vmem>>, vector<128x128xf32>
    %dot_general3A_36 = arith.constant dense<0.000000e+00> : vector<1024x128xf32>
    %dot_general3A_37 = tpu.matmul %max3A_6, %get3A_35, %dot_general3A_36 {dimension_numbers = #tpu.dot_dimension_numbers<[1], [0], [0], [1], [0, 0, 1, 1], [], []>, transpose_lhs_hint = false} : vector<1024x128xf32>, vector<128x128xf32>, vector<1024x128xf32> -> vector<1024x128xf32>
    %get3A_38 = arith.constant 0 : index
    %get3A_39 = arith.constant 0 : index
    %get3A_40 = vector.load %arg7[%get3A_38, %get3A_39] : memref<128x128xf32, #tpu.memory_space<vmem>>, vector<128x128xf32>
    %dot_general3A_41 = arith.constant dense<0.000000e+00> : vector<1024x128xf32>
    %dot_general3A_42 = tpu.matmul %max3A_20, %get3A_40, %dot_general3A_41 {dimension_numbers = #tpu.dot_dimension_numbers<[1], [0], [0], [1], [0, 0, 1, 1], [], []>, transpose_lhs_hint = false} : vector<1024x128xf32>, vector<128x128xf32>, vector<1024x128xf32> -> vector<1024x128xf32>
    %add3A_43 = arith.addf %dot_general3A_37, %dot_general3A_42 : vector<1024x128xf32>
    %mul3A_44 = vector.broadcast %get3A_1 : vector<1024x1xf32> to vector<1024x128xf32>
    %mul3A_45 = arith.mulf %mul3A_44, %add3A_43 : vector<1024x128xf32>
    %swap3A_46 = arith.constant 0 : index
    %swap3A_47 = arith.constant 0 : index
    %swap3A_48 = vector.load %arg9[%swap3A_46, %swap3A_47] : memref<1024x128xf32, #tpu.memory_space<vmem>>, vector<1024x128xf32>
    tpu.vector_store %arg9[%swap3A_46, %swap3A_47], %mul3A_45 {strides = array<i32>} : memref<1024x128xf32, #tpu.memory_space<vmem>>, vector<1024x128xf32>,
    return
  }
  func.func @transform_0(%arg0: i32) -> (i32, i32) {
    %c0_i32 = arith.constant 0 : i32
    %c0_i32_0 = arith.constant 0 : i32
    return %arg0, %c0_i32 : i32, i32
  }
  func.func @transform_1(%arg0: i32) -> (i32, i32, i32) {
    %c0_i32 = arith.constant 0 : i32
    %c0_i32_0 = arith.constant 0 : i32
    %c0_i32_1 = arith.constant 0 : i32
    return %c0_i32, %arg0, %c0_i32_0 : i32, i32, i32
  }
  func.func @transform_2(%arg0: i32) -> (i32, i32) {
    %c0_i32 = arith.constant 0 : i32
    %c0_i32_0 = arith.constant 0 : i32
    return %arg0, %c0_i32 : i32, i32
  }
  func.func @transform_3(%arg0: i32) -> (i32, i32) {
    %c0_i32 = arith.constant 0 : i32
    %c0_i32_0 = arith.constant 0 : i32
    %c0_i32_1 = arith.constant 0 : i32
    return %c0_i32, %c0_i32_0 : i32, i32
  }
  func.func @transform_4(%arg0: i32) -> (i32, i32) {
    %c0_i32 = arith.constant 0 : i32
    %c0_i32_0 = arith.constant 0 : i32
    %c0_i32_1 = arith.constant 0 : i32
    return %c0_i32, %c0_i32_0 : i32, i32
  }
  func.func @transform_5(%arg0: i32) -> (i32, i32) {
    %c0_i32 = arith.constant 0 : i32
    %c0_i32_0 = arith.constant 0 : i32
    %c0_i32_1 = arith.constant 0 : i32
    return %c0_i32, %c0_i32_0 : i32, i32
  }
  func.func @transform_6(%arg0: i32) -> (i32, i32) {
    %c0_i32 = arith.constant 0 : i32
    %c0_i32_0 = arith.constant 0 : i32
    %c0_i32_1 = arith.constant 0 : i32
    return %c0_i32, %c0_i32_0 : i32, i32
  }
  func.func @transform_7(%arg0: i32) -> (i32, i32) {
    %c0_i32 = arith.constant 0 : i32
    %c0_i32_0 = arith.constant 0 : i32
    return %arg0, %c0_i32 : i32, i32
  }
  func.func @transform_8(%arg0: i32) -> (i32, i32) {
    %c0_i32 = arith.constant 0 : i32
    %c0_i32_0 = arith.constant 0 : i32
    return %arg0, %c0_i32 : i32, i32
  }
}

module attributes {stable_mosaic.version = 14 : i64} {
  func.func @_post_body(%arg0: i32, %arg1: memref<1000x128xf32, #tpu.memory_space<vmem>>, %arg2: memref<2x1000x128xf32, #tpu.memory_space<vmem>>, %arg3: memref<1000x1xf32, #tpu.memory_space<vmem>>, %arg4: memref<1000x256xf32, #tpu.memory_space<vmem>>) attributes {dimension_semantics = [#tpu.dimension_semantics<arbitrary>], iteration_bounds = array<i64: 10>, scalar_prefetch = 0 : i64, scratch_operands = 0 : i64, tpu.core_type = #tpu.core_type<tc>, window_params = [{transform_indices = @transform_0, window_bounds = array<i64: 1000, 128>}, {transform_indices = @transform_1, window_bounds = array<i64: 2, 1000, 128>}, {transform_indices = @transform_2, window_bounds = array<i64: 1000, 1>}, {transform_indices = @transform_3, window_bounds = array<i64: 1000, 256>}]} {
    %get3A = arith.constant 0 : index
    %get3A_0 = arith.constant 0 : index
    %get3A_1 = vector.load %arg3[%get3A, %get3A_0] : memref<1000x1xf32, #tpu.memory_space<vmem>>, vector<1000x1xf32>
    %get3A_2 = arith.constant 0 : index
    %get3A_3 = arith.constant 0 : index
    %get3A_4 = arith.constant 0 : index
    %get3A_5 = vector.load %arg2[%get3A_2, %get3A_3, %get3A_4] : memref<2x1000x128xf32, #tpu.memory_space<vmem>>, vector<1x1000x128xf32>
    %get3A_6 = vector.shape_cast %get3A_5 : vector<1x1000x128xf32> to vector<1000x128xf32>
    %get3A_7 = arith.constant 1 : index
    %get3A_8 = arith.constant 0 : index
    %get3A_9 = arith.constant 0 : index
    %get3A_10 = vector.load %arg2[%get3A_7, %get3A_8, %get3A_9] : memref<2x1000x128xf32, #tpu.memory_space<vmem>>, vector<1x1000x128xf32>
    %get3A_11 = vector.shape_cast %get3A_10 : vector<1x1000x128xf32> to vector<1000x128xf32>
    %add3A = arith.addf %get3A_6, %get3A_11 : vector<1000x128xf32>
    %mul3A = vector.broadcast %get3A_1 : vector<1000x1xf32> to vector<1000x128xf32>
    %mul3A_12 = arith.mulf %mul3A, %add3A : vector<1000x128xf32>
    %get3A_13 = arith.constant 0 : index
    %get3A_14 = arith.constant 0 : index
    %get3A_15 = vector.load %arg1[%get3A_13, %get3A_14] : memref<1000x128xf32, #tpu.memory_space<vmem>>, vector<1000x128xf32>
    %concatenate3A = tpu.concatenate %get3A_15, %mul3A_12 in 1 : vector<1000x128xf32>, vector<1000x128xf32> -> vector<1000x256xf32>
    %reduce_max3A = arith.constant dense<0xFF800000> : vector<1000xf32>
    %reduce_max3A_16 = vector.multi_reduction <maximumf>, %concatenate3A, %reduce_max3A [1] : vector<1000x256xf32> to vector<1000xf32>
    %broadcast_in_dim3A = vector.shape_cast %reduce_max3A_16 : vector<1000xf32> to vector<1000x1xf32>
    %sub3A = vector.broadcast %broadcast_in_dim3A : vector<1000x1xf32> to vector<1000x256xf32>
    %sub3A_17 = arith.subf %concatenate3A, %sub3A : vector<1000x256xf32>
    %exp3A = math.exp %sub3A_17 : vector<1000x256xf32>
    %reduce_sum3A = arith.constant dense<0.000000e+00> : vector<1000xf32>
    %reduce_sum3A_18 = vector.multi_reduction <add>, %exp3A, %reduce_sum3A [1] : vector<1000x256xf32> to vector<1000xf32>
    %broadcast_in_dim3A_19 = vector.shape_cast %reduce_sum3A_18 : vector<1000xf32> to vector<1000x1xf32>
    %sub3A_20 = vector.broadcast %broadcast_in_dim3A : vector<1000x1xf32> to vector<1000x256xf32>
    %sub3A_21 = arith.subf %concatenate3A, %sub3A_20 : vector<1000x256xf32>
    %log3A = math.log %broadcast_in_dim3A_19 : vector<1000x1xf32>
    %sub3A_22 = vector.broadcast %log3A : vector<1000x1xf32> to vector<1000x256xf32>
    %sub3A_23 = arith.subf %sub3A_21, %sub3A_22 : vector<1000x256xf32>
    %swap3A = arith.constant 0 : index
    %swap3A_24 = arith.constant 0 : index
    %swap3A_25 = vector.load %arg4[%swap3A, %swap3A_24] : memref<1000x256xf32, #tpu.memory_space<vmem>>, vector<1000x256xf32>
    tpu.vector_store %arg4[%swap3A, %swap3A_24], %sub3A_23 {strides = array<i32>} : memref<1000x256xf32, #tpu.memory_space<vmem>>, vector<1000x256xf32>,
    return
  }
  func.func @transform_0(%arg0: i32) -> (i32, i32) {
    %c0_i32 = arith.constant 0 : i32
    %c0_i32_0 = arith.constant 0 : i32
    return %arg0, %c0_i32 : i32, i32
  }
  func.func @transform_1(%arg0: i32) -> (i32, i32, i32) {
    %c0_i32 = arith.constant 0 : i32
    %c0_i32_0 = arith.constant 0 : i32
    %c0_i32_1 = arith.constant 0 : i32
    return %c0_i32, %arg0, %c0_i32_0 : i32, i32, i32
  }
  func.func @transform_2(%arg0: i32) -> (i32, i32) {
    %c0_i32 = arith.constant 0 : i32
    %c0_i32_0 = arith.constant 0 : i32
    return %arg0, %c0_i32 : i32, i32
  }
  func.func @transform_3(%arg0: i32) -> (i32, i32) {
    %c0_i32 = arith.constant 0 : i32
    %c0_i32_0 = arith.constant 0 : i32
    return %arg0, %c0_i32 : i32, i32
  }
}

</mosaic_0001>

<sc_bundles>
// kernel: kernel.12.cloned.1.call-start
scs
__scs_entry_jumppad:
0x0: {  	(pc) =	sbr.rel $0x88, $3  }
0x1: {  	(tag) =	ssettag $0x0;
	lr =	simm.s32 $0x1  }
0x2: {  	[smem:$0x3F9B] =	sst lr;
	_ =	strace $0xD0000000  }
0x3: {  	_ = 	snop  }
0x4: {  	_ = 	snop  }
0x5: {  	_ = 	snop  }
0x6: {  	_ = 	snop  }
0x7: {  	_ = 	snop  }
__scs_overlays_trampoline_lowered:
0x8: {  	[smem:$0x3FAA] =	sst s0  }
0x9: {  	[smem:$0x3FAB] =	sst s1  }
0xa: {  	[smem:$0x3FAC] =	sst s2  }
0xb: {  	[smem:$0x3FAD] =	sst s3  }
0xc: {  	[smem:$0x3FAE] =	sst s4  }
0xd: {  	[smem:$0x3FAF] =	sst s5  }
0xe: {  	[smem:$0x3FB0] =	sst s6  }
0xf: {  	[smem:$0x3FB1] =	sst s7  }
0x10: {  	[smem:$0x3FB2] =	sst s8  }
0x11: {  	[smem:$0x3FB3] =	sst s9;
	s0 =	simm.s32 @!p0 $0x0  }
0x12: {  	s1 =	sld [smem:$0x3F99];
	s0 =	simm.s32 @p0 $0x1  }
0x13: {  	[smem:$0x3FB4] =	sst s0;
	s0 =	simm.s32 @!p1 $0x0  }
0x14: {  	s2 =	sld [smem:$0x3F98];
	s0 =	simm.s32 @p1 $0x1  }
0x15: {  	[smem:$0x3FB5] =	sst s0;
	s0 =	simm.s32 @!p2 $0x0  }
0x16: {  	s3 =	sld [smem:$0x3FDB];
	s0 =	simm.s32 @p2 $0x1  }
0x17: {  	s4 =	simm.s32 $0x1BF5;
	[smem:$0x3FB7] =	sst s0  }
0x18: {  	s0 =	sld [smem:$0x3F9A];
	_ =	swait.ge [sflag:s4], $0x0  }
0x19: {  	s7 =	sld [smem:$0x3F9B]  }
0x1a: {  	s8 =	sadd.s32 $0xFFFFE003, lr  }
0x1b: {  	s9 =	sadd.s32 $0xFFFFFEF7, lr;
	s5 =	simm.s32 $0xFFFFFFFF;
	p2 =	slt.u32 s8, $0xFFFFF086  }
0x1c: {  	p1 =	slt.u32 s9, $0xF7A;
	s5 =	simm.s32 @!p2 $0x0  }
0x1d: {  	s5 =	simm.s32 @p1 $0x1;
	p0 =	seq.s32 s7, s2  }
0x1e: {  	s7 =	smul.u32 @!p0 $0xF7A, s2;
	p2 =	seq.s32 @!p0 s5, $0x0  }
0x1f: {  	s9 =	smul.u32 $0xF7A, s1;
	s8 =	simm.s32 @!p0 $0x1BF5;
	p2 =	por !p2, p0  }
0x20: {  	[sflag:s8] =	ssyncset.s32 @!p0 $0xFFFFF086;
	s6 =	sadd.s32 @!p0 s3, s7;
	s7 =	simm.s32 @!p0 $0x108  }
0x21: {  	s3 =	sadd.s32 s3, s9;
	s6 =	sadd.s32 @!p0 $0x88, s6;
	s7 =	simm.s32 @p2 $0x1082  }
0x22: {  	[simem:s7], [sflag:s8] =	dma.local @!p0 [hbm:s6], $0xF7A  }
0x23: {  	s9 =	sor.u32 $0xD0000000, s2;
	s6 =	simm.s32 $0x108;
	_ =	swait.ge @!p0 [sflag:s8], $0x0  }
0x24: {  	s3 =	sadd.s32 $0x88, s3;
	s6 =	simm.s32 @!p1 $0x1082;
	[sflag:s4] =	ssyncset.s32 $0xFFFFF086  }
0x25: {  	[simem:s6], [sflag:s4] =	dma.local [hbm:s3], $0xF7A  }
0x26: {  	[smem:$0x3F9B] =	sst s1;
	(tag) =	ssettag s2;
	_ =	strace s9  }
0x27: {  	s1 =	sld [smem:$0x3FAB]  }
0x28: {  	s2 =	sld [smem:$0x3FAC]  }
0x29: {  	s4 =	sld [smem:$0x3FAE]  }
0x2a: {  	p0 =	seq.s32 s5, $0x0;
	s5 =	sld [smem:$0x3FAF]  }
0x2b: {  	s6 =	sld [smem:$0x3FB0]  }
0x2c: {  	s7 =	sld [smem:$0x3FB1]  }
0x2d: {  	s3 =	simm.s32 $0x108;
	s8 =	sld [smem:$0x3FB2]  }
0x2e: {  	s3 =	simm.s32 @!p0 $0x1082;
	s9 =	sld [smem:$0x3FB3]  }
0x2f: {  	lr =	sadd.s32 s0, s3;
	s0 =	sld [smem:$0x3FAA]  }
0x30: {  	s3 =	sld [smem:$0x3FAD]  }
0x31: {  	[smem:$0x3FB6] =	sst s10  }
0x32: {  	s10 =	sld [smem:$0x3FB4];
	_ =	sdelay $0x3  }
0x33: {  	p0 =	seq.s32 s10, $0x1;
	s10 =	sld [smem:$0x3FB6];
	_ =	sdelay $0x3  }
0x34: {  	[smem:$0x3FB6] =	sst s10  }
0x35: {  	s10 =	sld [smem:$0x3FB5];
	_ =	sdelay $0x3  }
0x36: {  	p1 =	seq.s32 s10, $0x1;
	s10 =	sld [smem:$0x3FB6];
	_ =	sdelay $0x3  }
0x37: {  	[smem:$0x3FB6] =	sst s10  }
0x38: {  	s10 =	sld [smem:$0x3FB7]  }
0x39: {  	_ = 	snop;
	(pc) =	sbr.ind lr, $3  }
0x3a: {  	_ = 	snop  }
0x3b: {  	_ = 	snop  }
0x3c: {  	p2 =	seq.s32 s10, $0x1;
	s10 =	sld [smem:$0x3FB6]  }
0x3d: {  	_ =	shalt  }
0x3e: {  	_ =	shalt  }
0x3f: {  	_ =	shalt  }
0x40: {  	_ =	shalt  }
0x41: {  	_ =	shalt  }
0x42: {  	_ =	shalt  }
0x43: {  	_ =	shalt  }
0x44: {  	_ =	shalt  }
0x45: {  	_ =	shalt  }
0x46: {  	_ =	shalt  }
0x47: {  	_ =	shalt  }
0x48: {  	_ =	shalt  }
0x49: {  	_ =	shalt  }
0x4a: {  	_ =	shalt  }
0x4b: {  	_ =	shalt  }
0x4c: {  	_ =	shalt  }
0x4d: {  	_ =	shalt  }
0x4e: {  	_ =	shalt  }
0x4f: {  	_ =	shalt  }
0x50: {  	_ =	shalt  }
0x51: {  	_ =	shalt  }
0x52: {  	_ =	shalt  }
0x53: {  	_ =	shalt  }
0x54: {  	_ =	shalt  }
0x55: {  	_ =	shalt  }
0x56: {  	_ =	shalt  }
0x57: {  	_ =	shalt  }
0x58: {  	_ =	shalt  }
0x59: {  	_ =	shalt  }
0x5a: {  	_ =	shalt  }
0x5b: {  	_ =	shalt  }
0x5c: {  	_ =	shalt  }
0x5d: {  	_ =	shalt  }
0x5e: {  	_ =	shalt  }
0x5f: {  	_ =	shalt  }
0x60: {  	_ =	shalt  }
0x61: {  	_ =	shalt  }
0x62: {  	_ =	shalt  }
0x63: {  	_ =	shalt  }
0x64: {  	_ =	shalt  }
0x65: {  	_ =	shalt  }
0x66: {  	_ =	shalt  }
0x67: {  	_ =	shalt  }
0x68: {  	_ =	shalt  }
0x69: {  	_ =	shalt  }
0x6a: {  	_ =	shalt  }
0x6b: {  	_ =	shalt  }
0x6c: {  	_ =	shalt  }
0x6d: {  	_ =	shalt  }
0x6e: {  	_ =	shalt  }
0x6f: {  	_ =	shalt  }
0x70: {  	_ =	shalt  }
0x71: {  	_ =	shalt  }
0x72: {  	_ =	shalt  }
0x73: {  	_ =	shalt  }
0x74: {  	_ =	shalt  }
0x75: {  	_ =	shalt  }
0x76: {  	_ =	shalt  }
0x77: {  	_ =	shalt  }
0x78: {  	_ =	shalt  }
0x79: {  	_ =	shalt  }
0x7a: {  	_ =	shalt  }
0x7b: {  	_ =	shalt  }
0x7c: {  	_ =	shalt  }
0x7d: {  	_ =	shalt  }
0x7e: {  	_ =	shalt  }
0x7f: {  	_ =	shalt  }
0x80: {  	_ =	shalt  }
0x81: {  	_ =	shalt  }
0x82: {  	_ =	shalt  }
0x83: {  	_ =	shalt  }
0x84: {  	_ =	shalt  }
0x85: {  	_ =	shalt  }
0x86: {  	_ =	shalt  }
0x87: {  	_ =	shalt  }
.Lfunc_end0:
.L_simem_size_0:
called_computation.1_lowered:
.L_overlay_start_0:
0x88: {  	s2 =	sld [smem:$0x3FD9]  }
0x89: {  	s3 =	sld [smem:$0x3FFE];
	_ =	sdelay $0x1  }
0x8a: {  	s1 =	srdreg.scid  }
0x8b: {  	s0 =	sand.u32 $0x1, s1  }
0x8c: {  	s17 =	sshll.u32 s0, $0xA;
	s2 =	sadd.s32 s3, s2  }
0x8d: {  	s2 =	sadd.s32 s2, s17  }
0x8e: {  	[smem:$0x3FC2] =	sst s2  }
0x8f: {  	_ = 	snop  }
0x90: {  	s2 =	sld [smem:$0x3FD0];
	(tm) =	ssettm $0x1  }
0x91: {  	s18 =	sld [smem:$0x3FFB];
	_ =	sdelay $0x3  }
0x92: {  	_ =	strace s18  }
0x93: {  	s3 =	sld [smem:$0x3FFC];
	_ =	sdelay $0x3  }
0x94: {  	_ =	strace s3  }
0x95: {  	s3 =	sld [smem:$0x3FFD];
	_ =	sdelay $0x3  }
0x96: {  	_ =	strace s3  }
0x97: {  	_ =	strace $0x8FFFFFFF  }
0x98: {  	s19 =	sld [smem:$0x3FDB];
	_ =	sdelay $0x1  }
0x99: {  	s4 =	simm.s32 $_scs_section_size  }
0x9a: {  	s5 =	simm.s32 $_size__tile_overlayer_lowered;
	s6 =	simm.s32 $_tile_overlayer_lowered  }
0x9b: {  	s22 =	simm.s32 $0x1BFF;
	s21 =	sshll.u32 s6, $0x1;
	s3 =	sadd.s32 s4, s19  }
0x9c: {  	s7 =	simm.s32 $0x0;
	s20 =	sshll.u32 s5, $0x1;
	s5 =	sadd.s32 s21, s3  }
0x9d: {  	[timem:s7], [sflag:s22] =	dma.local [hbm:s5], s20  }
0x9e: {  	_ =	swait.ge [sflag:s22], s20  }
0x9f: {  	s4 =	ssub.s32 $0x0, s20;
	[sflag:s22] =	ssyncset.done $0x0  }
0xa0: {  	[sflag:s22] =	ssyncadd.s32 s4;
	_ =	sdelay $0x1  }
0xa1: {  	s23 =	simm.s32 $0x1B8B  }
0xa2: {  	_ =	swait.ge [sflag:s23], $0x1  }
0xa3: {  	[sflag:s23] =	ssyncset.done $0x0  }
0xa4: {  	s25 =	simm.s32 $0x1B8E;
	s24 =	sld [smem:$0x3FFE];
	[sflag:s23] =	ssyncadd.s32 $0xFFFFFFFF  }
0xa5: {  	s26 =	simm.s32 $execute0_lowered;
	[smem:$0x3FD2] =	sst s25  }
0xa6: {  	s5 =	sshll.u32 s26, $0x1;
	_ =	strace $0x80000049;
	[dreg:$0x1] =	wrdreg $0xFFFFFFFF  }
0xa7: {  	s28 =	simm.s32 $_size_execute0_lowered;
	s3 =	sadd.s32 s3, s5;
	[dreg:$0x0] =	wrdreg $0x0  }
0xa8: {  	s5 =	sshll.u32 s28, $0x1;
	[dreg:$0x2] =	wrdreg s3  }
0xa9: {  	[dreg:$0x3] =	wrdreg s5  }
0xaa: {  	[dreg:$0x4] =	wrdreg $0xC0  }
0xab: {  	_ =	task [dreg:s7], $0x5FFFF  }
0xac: {  	[dreg:$0x1] =	wrdreg $0xFFFFFFFF  }
0xad: {  	[dreg:$0x0] =	wrdreg $0x60  }
0xae: {  	[dreg:$0x2] =	wrdreg s2  }
0xaf: {  	[dreg:$0x3] =	wrdreg s24  }
0xb0: {  	[dreg:$0x4] =	wrdreg $0x84000  }
0xb1: {  	[dreg:$0x5] =	wrdreg $0x9  }
0xb2: {  	_ =	task.clear_ibuf [dreg:s7], $0x6FFFF;
	_ =	strace $0x90000049  }
0xb3: {  	s29 =	simm.s32 $0x9;
	_ =	strace $0x8000004B  }
0xb4: {  	_ =	swait.ge [sflag:s29], $0x1  }
0xb5: {  	[sflag:s29] =	ssyncadd.s32 $0xFFFFFFFF  }
0xb6: {  	_ =	strace $0x9000004B  }
0xb7: {  	_ =	sfence  }
0xb8: {  	s30 =	sld [smem:$0x0];
	_ =	sdelay $0x2  }
0xb9: {  	s31 =	sshll.u32 s1, $0xD;
	s1 =	sshrl.u32 s1, $0x2  }
0xba: {  	s3 =	sand.u32 $0x4000, s31;
	s1 =	sadd.s32 s1, s30  }
0xbb: {  	s0 =	sor.u32 s3, s0;
	s1 =	sshll.u32 s1, $0x11  }
0xbc: {  	s0 =	sor.u32 s1, s0  }
0xbd: {  	s0 =	sadd.s32 $0x8F2B, s0  }
0xbe: {  	[sflag:s0] =	ssyncadd.remote.s32 $0x1  }
0xbf: {  	_ =	sfence.sel $0xFFFF  }
0xc0: {  	[dreg:$0x0] =	wrdreg $0xFFFFFFFF;
	(pc) =	sbr.abs _section_cstart, $3  }
0xc1: {  	[dreg:$0x1] =	wrdreg $0xFFFFFFFF  }
0xc2: {  	_ =	task.clear_ibuf [dreg:s7], $0x2FFFF;
	_ =	strace $0x9FFFFFFF  }
0xc3: {  	(tm) =	ssettm $0x7FFFFFFF  }
tec
execute0_lowered:
.L_overlay_start_1:
0x0: {  	(tag) =	ssettag $0x1  }
0x1: {  	s0 =	srdreg.scid  }
0x2: {  	s1 =	rddreg [dreg:$0x0];
	s19 =	stileid.u32  }
0x3: {  	s5 =	rddreg [dreg:$0x1];
	s12 =	simm.s32 $0x200;
	s14 =	simm.s32 $0x100  }
0x4: {  	s16 =	simm.s32 $0x300;
	s17 =	simm.s32 $0x1;
	s18 =	simm.s32 $0x80  }
0x5: {  	s28 =	simm.s32 $0x6;
	s29 =	simm.s32 $0x180;
	s30 =	simm.s32 $0x380  }
0x6: {  	s31 =	simm.s32 $0x0;
	s2 =	sand.u32 $0x1, s0;
	s24 =	smul.u32 $0x2800, s19  }
0x7: {  	s8 =	smul.u32 $0x50000, s19;
	s23 =	sshll.u32 s19, $0x6;
	s3 =	sshll.u32 s2, $0x4  }
0x8: {  	s7 =	smul.u32 $0x28000, s2;
	s2 =	ssub.s32 $0x2, s2;
	s4 =	sor.u32 s19, s3  }
0x9: {  	s3 =	rddreg [dreg:$0x2];
	s20 =	sadd.s32 s24, s5;
	s21 =	sshrl.u32 s2, $0x1  }
0xa: {  	s22 =	sshrl.u32 s8, $0x2;
	s19 =	simm.s32 $0x400;
	s6 =	smul.u32 $0x500, s4  }
0xb: {  	s4 =	simm.s32 $0x0;
	s10 =	sadd.s32 s7, s5;
	s2 =	ssub.s32 s2, s21  }
0xc: {  	s11 =	sadd.s32 s22, s3;
	s25 =	sadd.s32 $0x16800, s20;
	s20 =	simm.s32 $0x4400  }
0xd: {  	s21 =	simm.s32 $0x3;
	s22 =	simm.s32 $0x4;
	[smem:$0x7FF] =	sst s4  }
0xe: {  	s26 =	smax.u32 s2, $0x1;
	_ =	strace $0x8000004A;
	s9 =	sadd.s32 s6, s5  }
.Ltmp0:
0xf: {  	[dreg:$0x4] =	wrdreg s25;
	s6 =	sor.u32 $0x1C07, s23;
	(pc) =	sbr.rel .LBB2_1-.Ltmp0, $4  }
0x10: {  	s25 =	sadd.s32 $0x3E800, s10;
	[dreg:$0x5] =	wrdreg s26;
	s10 =	sshrl.u32 s11, $0x3  }
0x11: {  	s11 =	simm.s32 $0x7;
	s23 =	simm.s32 $0x280;
	s26 =	simm.s32 $0x5  }
0x12: {  	s7 =	sadd.s32 $0xC800, s9;
	s8 =	sadd.s32 $0x2800, s9;
	s24 =	sadd.s32 s24, s25  }
0x13: {  	s25 =	simm.s32 $0x2;
	s13 =	sadd.s32 $0x20, s7;
	s15 =	sadd.s32 $0x20, s8  }
.LBB2_4:
0x14: {  	_ =	swait.ge [sflag:s21], $0x4000  }
0x15: {  	[sflag:s21] =	ssyncset.done $0x0  }
0x16: {  	[sflag:s21] =	ssyncadd.s32 $0xFFFFC000  }
0x17: {  	[spmem:s3] =	stream.indirect.scatter.add.f32 [tilespmem:s19], [sflag:$0x5], $0x80, s16, s18, $0xb8;
	[tilespmem:$0x1C400] =	vst v63  }
0x18: {  	_ =	swait.ge [sflag:s22], $0x4000  }
0x19: {  	[sflag:s22] =	ssyncset.done $0x0  }
0x1a: {  	[sflag:s22] =	ssyncadd.s32 $0xFFFFC000  }
0x1b: {  	[spmem:s3] =	stream.indirect.scatter.add.f32 [tilespmem:s20], [sflag:$0x6], $0x80, s30, s18, $0xb8;
	[tilespmem:$0x1C400] =	vst v63  }
0x1c: {  	_ =	swait.ge [sflag:s26], $0x4000  }
0x1d: {  	[sflag:s26] =	ssyncset.done $0x0  }
0x1e: {  	[sflag:s26] =	ssyncadd.s32 $0xFFFFC000  }
0x1f: {  	_ =	swait.ge [sflag:s28], $0x4000  }
0x20: {  	[sflag:s28] =	ssyncset.done $0x0  }
0x21: {  	[sflag:s28] =	ssyncadd.s32 $0xFFFFC000  }
0x22: {  	[bflag:$0x0] =	sbarrier.arrive $0xFFFF  }
0x23: {  	[hbm:s24], [sflag:s6] =	dma.local [spmem:s10], $0x2800  }
0x24: {  	_ =	swait.ge [sflag:s11], $0x2800  }
0x25: {  	s31 =	sadd.s32 $0x1, s31;
	s0 =	rddreg [dreg:$0x5]  }
0x26: {  	p0 =	sne.s32 s31, s0  }
.Ltmp1:
0x27: {  	_ = 	snop;
	(pc) =	sbr.rel @!p0 .LBB2_5-.Ltmp1, $3  }
0x28: {  	_ =	sdelay $0x1  }
0x29: {  	[sflag:s11] =	ssyncset.done $0x0  }
0x2a: {  	[sflag:s11] =	ssyncadd.s32 $0xFFFFD800  }
.LBB2_1:
0x2b: {  	s0 =	rddreg [dreg:$0x4]  }
0x2c: {  	[spmem:s10], [sflag:s6] =	dma.local [hbm:s0], $0x2800  }
0x2d: {  	_ =	swait.ge [sflag:s11], $0x2800  }
0x2e: {  	[sflag:s11] =	ssyncset.done $0x0  }
0x2f: {  	[sflag:s11] =	ssyncadd.s32 $0xFFFFD800  }
0x30: {  	[bflag:$0x0] =	sbarrier.arrive $0xFFFF  }
0x31: {  	[tilespmem:s4], [sflag:$0x1] =	stream.linear.gather [hbm4b:s7+s4], $0x100, $0x38;
	[tilespmem:$0x1C400] =	vst v63  }
0x32: {  	_ = 	snop  }
0x33: {  	[tilespmem:s12], [sflag:$0x1] =	stream.linear.gather [hbm4b:s8+s4], $0x100, $0x38;
	[tilespmem:$0x1C400] =	vst v63  }
0x34: {  	_ = 	snop  }
0x35: {  	[tilespmem:s14], [sflag:$0x2] =	stream.linear.gather [hbm4b:s13+s4], $0x100, $0x38;
	[tilespmem:$0x1C400] =	vst v63  }
0x36: {  	_ = 	snop  }
0x37: {  	[tilespmem:s16], [sflag:$0x2] =	stream.linear.gather [hbm4b:s15+s4], $0x100, $0x38;
	[tilespmem:$0x1C400] =	vst v63  }
0x38: {  	_ =	swait.ge [sflag:s17], $0x100  }
0x39: {  	[sflag:s17] =	ssyncset.done $0x0  }
0x3a: {  	[sflag:s17] =	ssyncadd.s32 $0xFFFFFF00  }
0x3b: {  	_ =	swait.ge [sflag:s17], $0x100  }
0x3c: {  	[sflag:s17] =	ssyncset.done $0x0  }
0x3d: {  	[sflag:s17] =	ssyncadd.s32 $0xFFFFFF00  }
0x3e: {  	[tilespmem:s19], [sflag:$0x3] =	stream.indirect.gather [hbm4b:s1+s18], $0x80, s4, s18, $0xb8;
	[tilespmem:$0x1C400] =	vst v63  }
0x3f: {  	s2 =	simm.s32 $0xFFFFFB40  }
0x40: {  	[tilespmem:s20], [sflag:$0x4] =	stream.indirect.gather [hbm4b:s1+s18], $0x80, s18, s18, $0xb8;
	[tilespmem:$0x1C400] =	vst v63  }
.LBB2_2:
0x41: {  	_ =	swait.ge [sflag:s21], $0x4000  }
0x42: {  	[sflag:s21] =	ssyncset.done $0x0  }
0x43: {  	[sflag:s21] =	ssyncadd.s32 $0xFFFFC000  }
0x44: {  	[spmem:s3] =	stream.indirect.scatter.add.f32 [tilespmem:s19], [sflag:$0x5], $0x80, s12, s18, $0xb8;
	[tilespmem:$0x1C400] =	vst v63  }
0x45: {  	_ =	swait.ge [sflag:s22], $0x4000  }
0x46: {  	[sflag:s22] =	ssyncset.done $0x0  }
0x47: {  	[sflag:s22] =	ssyncadd.s32 $0xFFFFC000  }
0x48: {  	[spmem:s3] =	stream.indirect.scatter.add.f32 [tilespmem:s20], [sflag:$0x6], $0x80, s23, s18, $0xb8;
	[tilespmem:$0x1C400] =	vst v63  }
0x49: {  	_ =	swait.ge [sflag:s25], $0x100  }
0x4a: {  	[sflag:s25] =	ssyncset.done $0x0  }
0x4b: {  	[sflag:s25] =	ssyncadd.s32 $0xFFFFFF00  }
0x4c: {  	_ =	swait.ge [sflag:s25], $0x100  }
0x4d: {  	[sflag:s25] =	ssyncset.done $0x0  }
0x4e: {  	[sflag:s25] =	ssyncadd.s32 $0xFFFFFF00  }
0x4f: {  	_ =	swait.ge [sflag:s26], $0x4000  }
0x50: {  	[sflag:s26] =	ssyncset.done $0x0  }
0x51: {  	p0 =	seq.s32 s2, $0x0;
	[sflag:s26] =	ssyncadd.s32 $0xFFFFC000  }
0x52: {  	[tilespmem:s19], [sflag:$0x3] =	stream.indirect.gather [hbm4b:s1+s18], $0x80, s14, s18, $0xb8;
	[tilespmem:$0x1C400] =	vst v63  }
.Ltmp2:
0x53: {  	_ = 	snop;
	(pc) =	sbr.rel @p0 .LBB2_4-.Ltmp2, $4  }
0x54: {  	_ =	swait.ge [sflag:s28], $0x4000  }
0x55: {  	[sflag:s28] =	ssyncset.done $0x0  }
0x56: {  	[sflag:s28] =	ssyncadd.s32 $0xFFFFC000  }
0x57: {  	[tilespmem:s20], [sflag:$0x4] =	stream.indirect.gather [hbm4b:s1+s18], $0x80, s29, s18, $0xb8;
	[tilespmem:$0x1C400] =	vst v63  }
0x58: {  	s0 =	sadd.s32 s2, s7  }
0x59: {  	s5 =	sadd.s32 $0x500, s0  }
0x5a: {  	[tilespmem:s4], [sflag:$0x1] =	stream.linear.gather [hbm4b:s5+s4], $0x100, $0x38;
	[tilespmem:$0x1C400] =	vst v63  }
0x5b: {  	s5 =	sadd.s32 s2, s8  }
0x5c: {  	s9 =	sadd.s32 $0x500, s5  }
0x5d: {  	[tilespmem:s12], [sflag:$0x1] =	stream.linear.gather [hbm4b:s9+s4], $0x100, $0x38;
	[tilespmem:$0x1C400] =	vst v63  }
0x5e: {  	_ =	swait.ge [sflag:s21], $0x4000  }
0x5f: {  	[sflag:s21] =	ssyncset.done $0x0  }
0x60: {  	[sflag:s21] =	ssyncadd.s32 $0xFFFFC000  }
0x61: {  	[spmem:s3] =	stream.indirect.scatter.add.f32 [tilespmem:s19], [sflag:$0x5], $0x80, s16, s18, $0xb8;
	[tilespmem:$0x1C400] =	vst v63  }
0x62: {  	_ =	swait.ge [sflag:s22], $0x4000  }
0x63: {  	[sflag:s22] =	ssyncset.done $0x0  }
0x64: {  	[sflag:s22] =	ssyncadd.s32 $0xFFFFC000  }
0x65: {  	[spmem:s3] =	stream.indirect.scatter.add.f32 [tilespmem:s20], [sflag:$0x6], $0x80, s30, s18, $0xb8;
	[tilespmem:$0x1C400] =	vst v63  }
0x66: {  	_ =	swait.ge [sflag:s17], $0x100  }
0x67: {  	[sflag:s17] =	ssyncset.done $0x0  }
0x68: {  	[sflag:s17] =	ssyncadd.s32 $0xFFFFFF00  }
0x69: {  	_ =	swait.ge [sflag:s17], $0x100  }
0x6a: {  	[sflag:s17] =	ssyncset.done $0x0  }
0x6b: {  	[sflag:s17] =	ssyncadd.s32 $0xFFFFFF00  }
0x6c: {  	_ =	swait.ge [sflag:s26], $0x4000  }
0x6d: {  	[sflag:s26] =	ssyncset.done $0x0  }
0x6e: {  	[sflag:s26] =	ssyncadd.s32 $0xFFFFC000  }
0x6f: {  	[tilespmem:s19], [sflag:$0x3] =	stream.indirect.gather [hbm4b:s1+s18], $0x80, s4, s18, $0xb8;
	[tilespmem:$0x1C400] =	vst v63  }
0x70: {  	_ =	swait.ge [sflag:s28], $0x4000  }
0x71: {  	[sflag:s28] =	ssyncset.done $0x0  }
0x72: {  	[sflag:s28] =	ssyncadd.s32 $0xFFFFC000  }
0x73: {  	[tilespmem:s20], [sflag:$0x4] =	stream.indirect.gather [hbm4b:s1+s18], $0x80, s18, s18, $0xb8;
	[tilespmem:$0x1C400] =	vst v63  }
.Ltmp3:
0x74: {  	_ = 	snop;
	(pc) =	sbr.rel .LBB2_2-.Ltmp3, $4  }
0x75: {  	s0 =	sadd.s32 $0x520, s0  }
0x76: {  	[tilespmem:s14], [sflag:$0x2] =	stream.linear.gather [hbm4b:s0+s4], $0x100, $0x38;
	[tilespmem:$0x1C400] =	vst v63  }
0x77: {  	s2 =	sadd.s32 $0x40, s2;
	s9 =	sadd.s32 $0x520, s5  }
0x78: {  	[tilespmem:s16], [sflag:$0x2] =	stream.linear.gather [hbm4b:s9+s4], $0x100, $0x38;
	[tilespmem:$0x1C400] =	vst v63  }
.LBB2_5:
0x79: {  	_ =	sfence.sel $0x180000  }
0x7a: {  	[bflag:$0x0] =	sbarrier.arrive $0xFFFF  }
0x7b: {  	_ =	strace $0x9000004A  }
0x7c: {  	s0 =	stileid.u32;
	[bflag:$0x2] =	sbarrier.arrive $0xFFFF  }
0x7d: {  	p0 =	sne.s32 s0, $0x0;
	s0 =	rddreg [dreg:$0x3]  }
0x7e: {  	s0 =	sadd.s32 @!p0 $0x100000, s0  }
0x7f: {  	[sflag:s0] =	ssyncadd.tile.s32 @!p0 $0x1;
	_ =	shalt  }
.Lfunc_end2:
_tile_overlayer_lowered:
.L_overlay_start_2:
0x80: {  	(tag) =	ssettag $0x2  }
0x81: {  	s0 =	rddreg [dreg:$0x0];
	s2 =	stileid.u32  }
0x82: {  	s1 =	rddreg [dreg:$0x1];
	p0 =	sne.s32 s2, $0x0  }
0x83: {  	s3 =	rddreg [dreg:$0x2];
	[bflag:$0x3] =	sbarrier.arrive $0xFFFF;
	s2 =	simm.s32 @!p0 $0x1C07  }
0x84: {  	[timem:s3], [sflag:s2] =	dma.local @!p0 [hbm:s0], s1  }
0x85: {  	s0 =	simm.s32 @!p0 $0x7  }
0x86: {  	_ =	swait.ge @!p0 [sflag:s0], s1  }
0x87: {  	s1 =	ssub.s32 @!p0 $0x0, s1;
	[sflag:s0] =	ssyncset.done @!p0 $0x0  }
0x88: {  	[sflag:s0] =	ssyncadd.s32 @!p0 s1  }
0x89: {  	[bflag:$0x3] =	sbarrier.arrive $0xFFFF  }
0x8a: {  	_ =	shalt  }

// kernel: kernel.15.cloned.1.call-start
scs
__scs_entry_jumppad:
0x0: {  	(pc) =	sbr.rel $0x88, $3  }
0x1: {  	(tag) =	ssettag $0x0;
	lr =	simm.s32 $0x1  }
0x2: {  	[smem:$0x3F9B] =	sst lr;
	_ =	strace $0xD0000000  }
0x3: {  	_ = 	snop  }
0x4: {  	_ = 	snop  }
0x5: {  	_ = 	snop  }
0x6: {  	_ = 	snop  }
0x7: {  	_ = 	snop  }
__scs_overlays_trampoline_lowered:
0x8: {  	[smem:$0x3FAA] =	sst s0  }
0x9: {  	[smem:$0x3FAB] =	sst s1  }
0xa: {  	[smem:$0x3FAC] =	sst s2  }
0xb: {  	[smem:$0x3FAD] =	sst s3  }
0xc: {  	[smem:$0x3FAE] =	sst s4  }
0xd: {  	[smem:$0x3FAF] =	sst s5  }
0xe: {  	[smem:$0x3FB0] =	sst s6  }
0xf: {  	[smem:$0x3FB1] =	sst s7  }
0x10: {  	[smem:$0x3FB2] =	sst s8  }
0x11: {  	[smem:$0x3FB3] =	sst s9;
	s0 =	simm.s32 @!p0 $0x0  }
0x12: {  	s1 =	sld [smem:$0x3F99];
	s0 =	simm.s32 @p0 $0x1  }
0x13: {  	[smem:$0x3FB4] =	sst s0;
	s0 =	simm.s32 @!p1 $0x0  }
0x14: {  	s2 =	sld [smem:$0x3F98];
	s0 =	simm.s32 @p1 $0x1  }
0x15: {  	[smem:$0x3FB5] =	sst s0;
	s0 =	simm.s32 @!p2 $0x0  }
0x16: {  	s3 =	sld [smem:$0x3FDB];
	s0 =	simm.s32 @p2 $0x1  }
0x17: {  	s4 =	simm.s32 $0x1BF5;
	[smem:$0x3FB7] =	sst s0  }
0x18: {  	s0 =	sld [smem:$0x3F9A];
	_ =	swait.ge [sflag:s4], $0x0  }
0x19: {  	s7 =	sld [smem:$0x3F9B]  }
0x1a: {  	s8 =	sadd.s32 $0xFFFFE003, lr  }
0x1b: {  	s9 =	sadd.s32 $0xFFFFFEF7, lr;
	s5 =	simm.s32 $0xFFFFFFFF;
	p2 =	slt.u32 s8, $0xFFFFF086  }
0x1c: {  	p1 =	slt.u32 s9, $0xF7A;
	s5 =	simm.s32 @!p2 $0x0  }
0x1d: {  	s5 =	simm.s32 @p1 $0x1;
	p0 =	seq.s32 s7, s2  }
0x1e: {  	s7 =	smul.u32 @!p0 $0xF7A, s2;
	p2 =	seq.s32 @!p0 s5, $0x0  }
0x1f: {  	s9 =	smul.u32 $0xF7A, s1;
	s8 =	simm.s32 @!p0 $0x1BF5;
	p2 =	por !p2, p0  }
0x20: {  	[sflag:s8] =	ssyncset.s32 @!p0 $0xFFFFF086;
	s6 =	sadd.s32 @!p0 s3, s7;
	s7 =	simm.s32 @!p0 $0x108  }
0x21: {  	s3 =	sadd.s32 s3, s9;
	s6 =	sadd.s32 @!p0 $0x88, s6;
	s7 =	simm.s32 @p2 $0x1082  }
0x22: {  	[simem:s7], [sflag:s8] =	dma.local @!p0 [hbm:s6], $0xF7A  }
0x23: {  	s9 =	sor.u32 $0xD0000000, s2;
	s6 =	simm.s32 $0x108;
	_ =	swait.ge @!p0 [sflag:s8], $0x0  }
0x24: {  	s3 =	sadd.s32 $0x88, s3;
	s6 =	simm.s32 @!p1 $0x1082;
	[sflag:s4] =	ssyncset.s32 $0xFFFFF086  }
0x25: {  	[simem:s6], [sflag:s4] =	dma.local [hbm:s3], $0xF7A  }
0x26: {  	[smem:$0x3F9B] =	sst s1;
	(tag) =	ssettag s2;
	_ =	strace s9  }
0x27: {  	s1 =	sld [smem:$0x3FAB]  }
0x28: {  	s2 =	sld [smem:$0x3FAC]  }
0x29: {  	s4 =	sld [smem:$0x3FAE]  }
0x2a: {  	p0 =	seq.s32 s5, $0x0;
	s5 =	sld [smem:$0x3FAF]  }
0x2b: {  	s6 =	sld [smem:$0x3FB0]  }
0x2c: {  	s7 =	sld [smem:$0x3FB1]  }
0x2d: {  	s3 =	simm.s32 $0x108;
	s8 =	sld [smem:$0x3FB2]  }
0x2e: {  	s3 =	simm.s32 @!p0 $0x1082;
	s9 =	sld [smem:$0x3FB3]  }
0x2f: {  	lr =	sadd.s32 s0, s3;
	s0 =	sld [smem:$0x3FAA]  }
0x30: {  	s3 =	sld [smem:$0x3FAD]  }
0x31: {  	[smem:$0x3FB6] =	sst s10  }
0x32: {  	s10 =	sld [smem:$0x3FB4];
	_ =	sdelay $0x3  }
0x33: {  	p0 =	seq.s32 s10, $0x1;
	s10 =	sld [smem:$0x3FB6];
	_ =	sdelay $0x3  }
0x34: {  	[smem:$0x3FB6] =	sst s10  }
0x35: {  	s10 =	sld [smem:$0x3FB5];
	_ =	sdelay $0x3  }
0x36: {  	p1 =	seq.s32 s10, $0x1;
	s10 =	sld [smem:$0x3FB6];
	_ =	sdelay $0x3  }
0x37: {  	[smem:$0x3FB6] =	sst s10  }
0x38: {  	s10 =	sld [smem:$0x3FB7]  }
0x39: {  	_ = 	snop;
	(pc) =	sbr.ind lr, $3  }
0x3a: {  	_ = 	snop  }
0x3b: {  	_ = 	snop  }
0x3c: {  	p2 =	seq.s32 s10, $0x1;
	s10 =	sld [smem:$0x3FB6]  }
0x3d: {  	_ =	shalt  }
0x3e: {  	_ =	shalt  }
0x3f: {  	_ =	shalt  }
0x40: {  	_ =	shalt  }
0x41: {  	_ =	shalt  }
0x42: {  	_ =	shalt  }
0x43: {  	_ =	shalt  }
0x44: {  	_ =	shalt  }
0x45: {  	_ =	shalt  }
0x46: {  	_ =	shalt  }
0x47: {  	_ =	shalt  }
0x48: {  	_ =	shalt  }
0x49: {  	_ =	shalt  }
0x4a: {  	_ =	shalt  }
0x4b: {  	_ =	shalt  }
0x4c: {  	_ =	shalt  }
0x4d: {  	_ =	shalt  }
0x4e: {  	_ =	shalt  }
0x4f: {  	_ =	shalt  }
0x50: {  	_ =	shalt  }
0x51: {  	_ =	shalt  }
0x52: {  	_ =	shalt  }
0x53: {  	_ =	shalt  }
0x54: {  	_ =	shalt  }
0x55: {  	_ =	shalt  }
0x56: {  	_ =	shalt  }
0x57: {  	_ =	shalt  }
0x58: {  	_ =	shalt  }
0x59: {  	_ =	shalt  }
0x5a: {  	_ =	shalt  }
0x5b: {  	_ =	shalt  }
0x5c: {  	_ =	shalt  }
0x5d: {  	_ =	shalt  }
0x5e: {  	_ =	shalt  }
0x5f: {  	_ =	shalt  }
0x60: {  	_ =	shalt  }
0x61: {  	_ =	shalt  }
0x62: {  	_ =	shalt  }
0x63: {  	_ =	shalt  }
0x64: {  	_ =	shalt  }
0x65: {  	_ =	shalt  }
0x66: {  	_ =	shalt  }
0x67: {  	_ =	shalt  }
0x68: {  	_ =	shalt  }
0x69: {  	_ =	shalt  }
0x6a: {  	_ =	shalt  }
0x6b: {  	_ =	shalt  }
0x6c: {  	_ =	shalt  }
0x6d: {  	_ =	shalt  }
0x6e: {  	_ =	shalt  }
0x6f: {  	_ =	shalt  }
0x70: {  	_ =	shalt  }
0x71: {  	_ =	shalt  }
0x72: {  	_ =	shalt  }
0x73: {  	_ =	shalt  }
0x74: {  	_ =	shalt  }
0x75: {  	_ =	shalt  }
0x76: {  	_ =	shalt  }
0x77: {  	_ =	shalt  }
0x78: {  	_ =	shalt  }
0x79: {  	_ =	shalt  }
0x7a: {  	_ =	shalt  }
0x7b: {  	_ =	shalt  }
0x7c: {  	_ =	shalt  }
0x7d: {  	_ =	shalt  }
0x7e: {  	_ =	shalt  }
0x7f: {  	_ =	shalt  }
0x80: {  	_ =	shalt  }
0x81: {  	_ =	shalt  }
0x82: {  	_ =	shalt  }
0x83: {  	_ =	shalt  }
0x84: {  	_ =	shalt  }
0x85: {  	_ =	shalt  }
0x86: {  	_ =	shalt  }
0x87: {  	_ =	shalt  }
.Lfunc_end0:
.L_simem_size_0:
called_computation.2_lowered:
.L_overlay_start_0:
0x88: {  	s2 =	sld [smem:$0x3FD9]  }
0x89: {  	s3 =	sld [smem:$0x3FFE];
	_ =	sdelay $0x1  }
0x8a: {  	s1 =	srdreg.scid  }
0x8b: {  	s0 =	sand.u32 $0x1, s1  }
0x8c: {  	s17 =	sshll.u32 s0, $0xA;
	s2 =	sadd.s32 s3, s2  }
0x8d: {  	s2 =	sadd.s32 s2, s17  }
0x8e: {  	[smem:$0x3FC2] =	sst s2  }
0x8f: {  	_ = 	snop  }
0x90: {  	s2 =	sld [smem:$0x3FD0];
	(tm) =	ssettm $0x1  }
0x91: {  	s18 =	sld [smem:$0x3FFB];
	_ =	sdelay $0x3  }
0x92: {  	_ =	strace s18  }
0x93: {  	s3 =	sld [smem:$0x3FFC];
	_ =	sdelay $0x3  }
0x94: {  	_ =	strace s3  }
0x95: {  	s3 =	sld [smem:$0x3FFD];
	_ =	sdelay $0x3  }
0x96: {  	_ =	strace s3  }
0x97: {  	_ =	strace $0x8FFFFFFF  }
0x98: {  	s19 =	sld [smem:$0x3FDB];
	_ =	sdelay $0x1  }
0x99: {  	s4 =	simm.s32 $_scs_section_size  }
0x9a: {  	s5 =	simm.s32 $_size__tile_overlayer_lowered;
	s6 =	simm.s32 $_tile_overlayer_lowered  }
0x9b: {  	s22 =	simm.s32 $0x1BFF;
	s21 =	sshll.u32 s6, $0x1;
	s3 =	sadd.s32 s4, s19  }
0x9c: {  	s7 =	simm.s32 $0x0;
	s20 =	sshll.u32 s5, $0x1;
	s5 =	sadd.s32 s21, s3  }
0x9d: {  	[timem:s7], [sflag:s22] =	dma.local [hbm:s5], s20  }
0x9e: {  	_ =	swait.ge [sflag:s22], s20  }
0x9f: {  	s4 =	ssub.s32 $0x0, s20;
	[sflag:s22] =	ssyncset.done $0x0  }
0xa0: {  	[sflag:s22] =	ssyncadd.s32 s4;
	_ =	sdelay $0x1  }
0xa1: {  	s23 =	simm.s32 $0x1B8B  }
0xa2: {  	_ =	swait.ge [sflag:s23], $0x1  }
0xa3: {  	[sflag:s23] =	ssyncset.done $0x0  }
0xa4: {  	s25 =	simm.s32 $0x1B8E;
	s24 =	sld [smem:$0x3FFE];
	[sflag:s23] =	ssyncadd.s32 $0xFFFFFFFF  }
0xa5: {  	s26 =	simm.s32 $execute0_lowered;
	[smem:$0x3FD2] =	sst s25  }
0xa6: {  	s5 =	sshll.u32 s26, $0x1;
	_ =	strace $0x8000004C;
	[dreg:$0x1] =	wrdreg $0xFFFFFFFF  }
0xa7: {  	s28 =	simm.s32 $_size_execute0_lowered;
	s3 =	sadd.s32 s3, s5;
	[dreg:$0x0] =	wrdreg $0x0  }
0xa8: {  	s5 =	sshll.u32 s28, $0x1;
	[dreg:$0x2] =	wrdreg s3  }
0xa9: {  	[dreg:$0x3] =	wrdreg s5  }
0xaa: {  	[dreg:$0x4] =	wrdreg $0xC0  }
0xab: {  	_ =	task [dreg:s7], $0x5FFFF  }
0xac: {  	[dreg:$0x1] =	wrdreg $0xFFFFFFFF  }
0xad: {  	[dreg:$0x0] =	wrdreg $0x60  }
0xae: {  	[dreg:$0x2] =	wrdreg s2  }
0xaf: {  	[dreg:$0x3] =	wrdreg s24  }
0xb0: {  	[dreg:$0x4] =	wrdreg $0x84000  }
0xb1: {  	[dreg:$0x5] =	wrdreg $0x9  }
0xb2: {  	_ =	task.clear_ibuf [dreg:s7], $0x6FFFF;
	_ =	strace $0x9000004C  }
0xb3: {  	s29 =	simm.s32 $0x9;
	_ =	strace $0x8000004E  }
0xb4: {  	_ =	swait.ge [sflag:s29], $0x1  }
0xb5: {  	[sflag:s29] =	ssyncadd.s32 $0xFFFFFFFF  }
0xb6: {  	_ =	strace $0x9000004E  }
0xb7: {  	_ =	sfence  }
0xb8: {  	s30 =	sld [smem:$0x0];
	_ =	sdelay $0x2  }
0xb9: {  	s31 =	sshll.u32 s1, $0xD;
	s1 =	sshrl.u32 s1, $0x2  }
0xba: {  	s3 =	sand.u32 $0x4000, s31;
	s1 =	sadd.s32 s1, s30  }
0xbb: {  	s0 =	sor.u32 s3, s0;
	s1 =	sshll.u32 s1, $0x11  }
0xbc: {  	s0 =	sor.u32 s1, s0  }
0xbd: {  	s0 =	sadd.s32 $0x8F2B, s0  }
0xbe: {  	[sflag:s0] =	ssyncadd.remote.s32 $0x1  }
0xbf: {  	_ =	sfence.sel $0xFFFF  }
0xc0: {  	[dreg:$0x0] =	wrdreg $0xFFFFFFFF;
	(pc) =	sbr.abs _section_cstart, $3  }
0xc1: {  	[dreg:$0x1] =	wrdreg $0xFFFFFFFF  }
0xc2: {  	_ =	task.clear_ibuf [dreg:s7], $0x2FFFF;
	_ =	strace $0x9FFFFFFF  }
0xc3: {  	(tm) =	ssettm $0x7FFFFFFF  }
tec
execute0_lowered:
.L_overlay_start_1:
0x0: {  	(tag) =	ssettag $0x1  }
0x1: {  	s0 =	srdreg.scid  }
0x2: {  	s1 =	rddreg [dreg:$0x0];
	s19 =	stileid.u32  }
0x3: {  	s5 =	rddreg [dreg:$0x1];
	s12 =	simm.s32 $0x200;
	s14 =	simm.s32 $0x100  }
0x4: {  	s16 =	simm.s32 $0x300;
	s17 =	simm.s32 $0x1;
	s18 =	simm.s32 $0x80  }
0x5: {  	s28 =	simm.s32 $0x6;
	s29 =	simm.s32 $0x180;
	s30 =	simm.s32 $0x380  }
0x6: {  	s31 =	simm.s32 $0x0;
	s2 =	sand.u32 $0x1, s0;
	s24 =	smul.u32 $0x2800, s19  }
0x7: {  	s8 =	smul.u32 $0x50000, s19;
	s23 =	sshll.u32 s19, $0x6;
	s3 =	sshll.u32 s2, $0x4  }
0x8: {  	s7 =	smul.u32 $0x28000, s2;
	s2 =	ssub.s32 $0x2, s2;
	s4 =	sor.u32 s19, s3  }
0x9: {  	s3 =	rddreg [dreg:$0x2];
	s20 =	sadd.s32 s24, s5;
	s21 =	sshrl.u32 s2, $0x1  }
0xa: {  	s22 =	sshrl.u32 s8, $0x2;
	s19 =	simm.s32 $0x400;
	s6 =	smul.u32 $0x500, s4  }
0xb: {  	s4 =	simm.s32 $0x0;
	s10 =	sadd.s32 s7, s5;
	s2 =	ssub.s32 s2, s21  }
0xc: {  	s11 =	sadd.s32 s22, s3;
	s25 =	sadd.s32 $0x16800, s20;
	s20 =	simm.s32 $0x4400  }
0xd: {  	s21 =	simm.s32 $0x3;
	s22 =	simm.s32 $0x4;
	[smem:$0x7FF] =	sst s4  }
0xe: {  	s26 =	smax.u32 s2, $0x1;
	_ =	strace $0x8000004D;
	s9 =	sadd.s32 s6, s5  }
.Ltmp0:
0xf: {  	[dreg:$0x4] =	wrdreg s25;
	s6 =	sor.u32 $0x1C07, s23;
	(pc) =	sbr.rel .LBB2_1-.Ltmp0, $4  }
0x10: {  	s25 =	sadd.s32 $0x3E800, s10;
	[dreg:$0x5] =	wrdreg s26;
	s10 =	sshrl.u32 s11, $0x3  }
0x11: {  	s11 =	simm.s32 $0x7;
	s23 =	simm.s32 $0x280;
	s26 =	simm.s32 $0x5  }
0x12: {  	s7 =	sadd.s32 $0xC800, s9;
	s8 =	sadd.s32 $0x2800, s9;
	s24 =	sadd.s32 s24, s25  }
0x13: {  	s25 =	simm.s32 $0x2;
	s13 =	sadd.s32 $0x20, s7;
	s15 =	sadd.s32 $0x20, s8  }
.LBB2_4:
0x14: {  	_ =	swait.ge [sflag:s21], $0x4000  }
0x15: {  	[sflag:s21] =	ssyncset.done $0x0  }
0x16: {  	[sflag:s21] =	ssyncadd.s32 $0xFFFFC000  }
0x17: {  	[spmem:s3] =	stream.indirect.scatter.add.f32 [tilespmem:s19], [sflag:$0x5], $0x80, s16, s18, $0xb8;
	[tilespmem:$0x1C400] =	vst v63  }
0x18: {  	_ =	swait.ge [sflag:s22], $0x4000  }
0x19: {  	[sflag:s22] =	ssyncset.done $0x0  }
0x1a: {  	[sflag:s22] =	ssyncadd.s32 $0xFFFFC000  }
0x1b: {  	[spmem:s3] =	stream.indirect.scatter.add.f32 [tilespmem:s20], [sflag:$0x6], $0x80, s30, s18, $0xb8;
	[tilespmem:$0x1C400] =	vst v63  }
0x1c: {  	_ =	swait.ge [sflag:s26], $0x4000  }
0x1d: {  	[sflag:s26] =	ssyncset.done $0x0  }
0x1e: {  	[sflag:s26] =	ssyncadd.s32 $0xFFFFC000  }
0x1f: {  	_ =	swait.ge [sflag:s28], $0x4000  }
0x20: {  	[sflag:s28] =	ssyncset.done $0x0  }
0x21: {  	[sflag:s28] =	ssyncadd.s32 $0xFFFFC000  }
0x22: {  	[bflag:$0x0] =	sbarrier.arrive $0xFFFF  }
0x23: {  	[hbm:s24], [sflag:s6] =	dma.local [spmem:s10], $0x2800  }
0x24: {  	_ =	swait.ge [sflag:s11], $0x2800  }
0x25: {  	s31 =	sadd.s32 $0x1, s31;
	s0 =	rddreg [dreg:$0x5]  }
0x26: {  	p0 =	sne.s32 s31, s0  }
.Ltmp1:
0x27: {  	_ = 	snop;
	(pc) =	sbr.rel @!p0 .LBB2_5-.Ltmp1, $3  }
0x28: {  	_ =	sdelay $0x1  }
0x29: {  	[sflag:s11] =	ssyncset.done $0x0  }
0x2a: {  	[sflag:s11] =	ssyncadd.s32 $0xFFFFD800  }
.LBB2_1:
0x2b: {  	s0 =	rddreg [dreg:$0x4]  }
0x2c: {  	[spmem:s10], [sflag:s6] =	dma.local [hbm:s0], $0x2800  }
0x2d: {  	_ =	swait.ge [sflag:s11], $0x2800  }
0x2e: {  	[sflag:s11] =	ssyncset.done $0x0  }
0x2f: {  	[sflag:s11] =	ssyncadd.s32 $0xFFFFD800  }
0x30: {  	[bflag:$0x0] =	sbarrier.arrive $0xFFFF  }
0x31: {  	[tilespmem:s4], [sflag:$0x1] =	stream.linear.gather [hbm4b:s7+s4], $0x100, $0x38;
	[tilespmem:$0x1C400] =	vst v63  }
0x32: {  	_ = 	snop  }
0x33: {  	[tilespmem:s12], [sflag:$0x1] =	stream.linear.gather [hbm4b:s8+s4], $0x100, $0x38;
	[tilespmem:$0x1C400] =	vst v63  }
0x34: {  	_ = 	snop  }
0x35: {  	[tilespmem:s14], [sflag:$0x2] =	stream.linear.gather [hbm4b:s13+s4], $0x100, $0x38;
	[tilespmem:$0x1C400] =	vst v63  }
0x36: {  	_ = 	snop  }
0x37: {  	[tilespmem:s16], [sflag:$0x2] =	stream.linear.gather [hbm4b:s15+s4], $0x100, $0x38;
	[tilespmem:$0x1C400] =	vst v63  }
0x38: {  	_ =	swait.ge [sflag:s17], $0x100  }
0x39: {  	[sflag:s17] =	ssyncset.done $0x0  }
0x3a: {  	[sflag:s17] =	ssyncadd.s32 $0xFFFFFF00  }
0x3b: {  	_ =	swait.ge [sflag:s17], $0x100  }
0x3c: {  	[sflag:s17] =	ssyncset.done $0x0  }
0x3d: {  	[sflag:s17] =	ssyncadd.s32 $0xFFFFFF00  }
0x3e: {  	[tilespmem:s19], [sflag:$0x3] =	stream.indirect.gather [hbm4b:s1+s18], $0x80, s4, s18, $0xb8;
	[tilespmem:$0x1C400] =	vst v63  }
0x3f: {  	s2 =	simm.s32 $0xFFFFFB40  }
0x40: {  	[tilespmem:s20], [sflag:$0x4] =	stream.indirect.gather [hbm4b:s1+s18], $0x80, s18, s18, $0xb8;
	[tilespmem:$0x1C400] =	vst v63  }
.LBB2_2:
0x41: {  	_ =	swait.ge [sflag:s21], $0x4000  }
0x42: {  	[sflag:s21] =	ssyncset.done $0x0  }
0x43: {  	[sflag:s21] =	ssyncadd.s32 $0xFFFFC000  }
0x44: {  	[spmem:s3] =	stream.indirect.scatter.add.f32 [tilespmem:s19], [sflag:$0x5], $0x80, s12, s18, $0xb8;
	[tilespmem:$0x1C400] =	vst v63  }
0x45: {  	_ =	swait.ge [sflag:s22], $0x4000  }
0x46: {  	[sflag:s22] =	ssyncset.done $0x0  }
0x47: {  	[sflag:s22] =	ssyncadd.s32 $0xFFFFC000  }
0x48: {  	[spmem:s3] =	stream.indirect.scatter.add.f32 [tilespmem:s20], [sflag:$0x6], $0x80, s23, s18, $0xb8;
	[tilespmem:$0x1C400] =	vst v63  }
0x49: {  	_ =	swait.ge [sflag:s25], $0x100  }
0x4a: {  	[sflag:s25] =	ssyncset.done $0x0  }
0x4b: {  	[sflag:s25] =	ssyncadd.s32 $0xFFFFFF00  }
0x4c: {  	_ =	swait.ge [sflag:s25], $0x100  }
0x4d: {  	[sflag:s25] =	ssyncset.done $0x0  }
0x4e: {  	[sflag:s25] =	ssyncadd.s32 $0xFFFFFF00  }
0x4f: {  	_ =	swait.ge [sflag:s26], $0x4000  }
0x50: {  	[sflag:s26] =	ssyncset.done $0x0  }
0x51: {  	p0 =	seq.s32 s2, $0x0;
	[sflag:s26] =	ssyncadd.s32 $0xFFFFC000  }
0x52: {  	[tilespmem:s19], [sflag:$0x3] =	stream.indirect.gather [hbm4b:s1+s18], $0x80, s14, s18, $0xb8;
	[tilespmem:$0x1C400] =	vst v63  }
.Ltmp2:
0x53: {  	_ = 	snop;
	(pc) =	sbr.rel @p0 .LBB2_4-.Ltmp2, $4  }
0x54: {  	_ =	swait.ge [sflag:s28], $0x4000  }
0x55: {  	[sflag:s28] =	ssyncset.done $0x0  }
0x56: {  	[sflag:s28] =	ssyncadd.s32 $0xFFFFC000  }
0x57: {  	[tilespmem:s20], [sflag:$0x4] =	stream.indirect.gather [hbm4b:s1+s18], $0x80, s29, s18, $0xb8;
	[tilespmem:$0x1C400] =	vst v63  }
0x58: {  	s0 =	sadd.s32 s2, s7  }
0x59: {  	s5 =	sadd.s32 $0x500, s0  }
0x5a: {  	[tilespmem:s4], [sflag:$0x1] =	stream.linear.gather [hbm4b:s5+s4], $0x100, $0x38;
	[tilespmem:$0x1C400] =	vst v63  }
0x5b: {  	s5 =	sadd.s32 s2, s8  }
0x5c: {  	s9 =	sadd.s32 $0x500, s5  }
0x5d: {  	[tilespmem:s12], [sflag:$0x1] =	stream.linear.gather [hbm4b:s9+s4], $0x100, $0x38;
	[tilespmem:$0x1C400] =	vst v63  }
0x5e: {  	_ =	swait.ge [sflag:s21], $0x4000  }
0x5f: {  	[sflag:s21] =	ssyncset.done $0x0  }
0x60: {  	[sflag:s21] =	ssyncadd.s32 $0xFFFFC000  }
0x61: {  	[spmem:s3] =	stream.indirect.scatter.add.f32 [tilespmem:s19], [sflag:$0x5], $0x80, s16, s18, $0xb8;
	[tilespmem:$0x1C400] =	vst v63  }
0x62: {  	_ =	swait.ge [sflag:s22], $0x4000  }
0x63: {  	[sflag:s22] =	ssyncset.done $0x0  }
0x64: {  	[sflag:s22] =	ssyncadd.s32 $0xFFFFC000  }
0x65: {  	[spmem:s3] =	stream.indirect.scatter.add.f32 [tilespmem:s20], [sflag:$0x6], $0x80, s30, s18, $0xb8;
	[tilespmem:$0x1C400] =	vst v63  }
0x66: {  	_ =	swait.ge [sflag:s17], $0x100  }
0x67: {  	[sflag:s17] =	ssyncset.done $0x0  }
0x68: {  	[sflag:s17] =	ssyncadd.s32 $0xFFFFFF00  }
0x69: {  	_ =	swait.ge [sflag:s17], $0x100  }
0x6a: {  	[sflag:s17] =	ssyncset.done $0x0  }
0x6b: {  	[sflag:s17] =	ssyncadd.s32 $0xFFFFFF00  }
0x6c: {  	_ =	swait.ge [sflag:s26], $0x4000  }
0x6d: {  	[sflag:s26] =	ssyncset.done $0x0  }
0x6e: {  	[sflag:s26] =	ssyncadd.s32 $0xFFFFC000  }
0x6f: {  	[tilespmem:s19], [sflag:$0x3] =	stream.indirect.gather [hbm4b:s1+s18], $0x80, s4, s18, $0xb8;
	[tilespmem:$0x1C400] =	vst v63  }
0x70: {  	_ =	swait.ge [sflag:s28], $0x4000  }
0x71: {  	[sflag:s28] =	ssyncset.done $0x0  }
0x72: {  	[sflag:s28] =	ssyncadd.s32 $0xFFFFC000  }
0x73: {  	[tilespmem:s20], [sflag:$0x4] =	stream.indirect.gather [hbm4b:s1+s18], $0x80, s18, s18, $0xb8;
	[tilespmem:$0x1C400] =	vst v63  }
.Ltmp3:
0x74: {  	_ = 	snop;
	(pc) =	sbr.rel .LBB2_2-.Ltmp3, $4  }
0x75: {  	s0 =	sadd.s32 $0x520, s0  }
0x76: {  	[tilespmem:s14], [sflag:$0x2] =	stream.linear.gather [hbm4b:s0+s4], $0x100, $0x38;
	[tilespmem:$0x1C400] =	vst v63  }
0x77: {  	s2 =	sadd.s32 $0x40, s2;
	s9 =	sadd.s32 $0x520, s5  }
0x78: {  	[tilespmem:s16], [sflag:$0x2] =	stream.linear.gather [hbm4b:s9+s4], $0x100, $0x38;
	[tilespmem:$0x1C400] =	vst v63  }
.LBB2_5:
0x79: {  	_ =	sfence.sel $0x180000  }
0x7a: {  	[bflag:$0x0] =	sbarrier.arrive $0xFFFF  }
0x7b: {  	_ =	strace $0x9000004D  }
0x7c: {  	s0 =	stileid.u32;
	[bflag:$0x2] =	sbarrier.arrive $0xFFFF  }
0x7d: {  	p0 =	sne.s32 s0, $0x0;
	s0 =	rddreg [dreg:$0x3]  }
0x7e: {  	s0 =	sadd.s32 @!p0 $0x100000, s0  }
0x7f: {  	[sflag:s0] =	ssyncadd.tile.s32 @!p0 $0x1;
	_ =	shalt  }
.Lfunc_end2:
_tile_overlayer_lowered:
.L_overlay_start_2:
0x80: {  	(tag) =	ssettag $0x2  }
0x81: {  	s0 =	rddreg [dreg:$0x0];
	s2 =	stileid.u32  }
0x82: {  	s1 =	rddreg [dreg:$0x1];
	p0 =	sne.s32 s2, $0x0  }
0x83: {  	s3 =	rddreg [dreg:$0x2];
	[bflag:$0x3] =	sbarrier.arrive $0xFFFF;
	s2 =	simm.s32 @!p0 $0x1C07  }
0x84: {  	[timem:s3], [sflag:s2] =	dma.local @!p0 [hbm:s0], s1  }
0x85: {  	s0 =	simm.s32 @!p0 $0x7  }
0x86: {  	_ =	swait.ge @!p0 [sflag:s0], s1  }
0x87: {  	s1 =	ssub.s32 @!p0 $0x0, s1;
	[sflag:s0] =	ssyncset.done @!p0 $0x0  }
0x88: {  	[sflag:s0] =	ssyncadd.s32 @!p0 s1  }
0x89: {  	[bflag:$0x3] =	sbarrier.arrive $0xFFFF  }
0x8a: {  	_ =	shalt  }

// kernel: kernel.9.cloned.1.call-start
scs
__scs_entry_jumppad:
0x0: {  	(pc) =	sbr.rel $0x88, $3  }
0x1: {  	(tag) =	ssettag $0x0;
	lr =	simm.s32 $0x1  }
0x2: {  	[smem:$0x3F9B] =	sst lr;
	_ =	strace $0xD0000000  }
0x3: {  	_ = 	snop  }
0x4: {  	_ = 	snop  }
0x5: {  	_ = 	snop  }
0x6: {  	_ = 	snop  }
0x7: {  	_ = 	snop  }
__scs_overlays_trampoline_lowered:
0x8: {  	[smem:$0x3FAA] =	sst s0  }
0x9: {  	[smem:$0x3FAB] =	sst s1  }
0xa: {  	[smem:$0x3FAC] =	sst s2  }
0xb: {  	[smem:$0x3FAD] =	sst s3  }
0xc: {  	[smem:$0x3FAE] =	sst s4  }
0xd: {  	[smem:$0x3FAF] =	sst s5  }
0xe: {  	[smem:$0x3FB0] =	sst s6  }
0xf: {  	[smem:$0x3FB1] =	sst s7  }
0x10: {  	[smem:$0x3FB2] =	sst s8  }
0x11: {  	[smem:$0x3FB3] =	sst s9;
	s0 =	simm.s32 @!p0 $0x0  }
0x12: {  	s1 =	sld [smem:$0x3F99];
	s0 =	simm.s32 @p0 $0x1  }
0x13: {  	[smem:$0x3FB4] =	sst s0;
	s0 =	simm.s32 @!p1 $0x0  }
0x14: {  	s2 =	sld [smem:$0x3F98];
	s0 =	simm.s32 @p1 $0x1  }
0x15: {  	[smem:$0x3FB5] =	sst s0;
	s0 =	simm.s32 @!p2 $0x0  }
0x16: {  	s3 =	sld [smem:$0x3FDB];
	s0 =	simm.s32 @p2 $0x1  }
0x17: {  	s4 =	simm.s32 $0x1BF5;
	[smem:$0x3FB7] =	sst s0  }
0x18: {  	s0 =	sld [smem:$0x3F9A];
	_ =	swait.ge [sflag:s4], $0x0  }
0x19: {  	s7 =	sld [smem:$0x3F9B]  }
0x1a: {  	s8 =	sadd.s32 $0xFFFFE003, lr  }
0x1b: {  	s9 =	sadd.s32 $0xFFFFFEF7, lr;
	s5 =	simm.s32 $0xFFFFFFFF;
	p2 =	slt.u32 s8, $0xFFFFF086  }
0x1c: {  	p1 =	slt.u32 s9, $0xF7A;
	s5 =	simm.s32 @!p2 $0x0  }
0x1d: {  	s5 =	simm.s32 @p1 $0x1;
	p0 =	seq.s32 s7, s2  }
0x1e: {  	s7 =	smul.u32 @!p0 $0xF7A, s2;
	p2 =	seq.s32 @!p0 s5, $0x0  }
0x1f: {  	s9 =	smul.u32 $0xF7A, s1;
	s8 =	simm.s32 @!p0 $0x1BF5;
	p2 =	por !p2, p0  }
0x20: {  	[sflag:s8] =	ssyncset.s32 @!p0 $0xFFFFF086;
	s6 =	sadd.s32 @!p0 s3, s7;
	s7 =	simm.s32 @!p0 $0x108  }
0x21: {  	s3 =	sadd.s32 s3, s9;
	s6 =	sadd.s32 @!p0 $0x88, s6;
	s7 =	simm.s32 @p2 $0x1082  }
0x22: {  	[simem:s7], [sflag:s8] =	dma.local @!p0 [hbm:s6], $0xF7A  }
0x23: {  	s9 =	sor.u32 $0xD0000000, s2;
	s6 =	simm.s32 $0x108;
	_ =	swait.ge @!p0 [sflag:s8], $0x0  }
0x24: {  	s3 =	sadd.s32 $0x88, s3;
	s6 =	simm.s32 @!p1 $0x1082;
	[sflag:s4] =	ssyncset.s32 $0xFFFFF086  }
0x25: {  	[simem:s6], [sflag:s4] =	dma.local [hbm:s3], $0xF7A  }
0x26: {  	[smem:$0x3F9B] =	sst s1;
	(tag) =	ssettag s2;
	_ =	strace s9  }
0x27: {  	s1 =	sld [smem:$0x3FAB]  }
0x28: {  	s2 =	sld [smem:$0x3FAC]  }
0x29: {  	s4 =	sld [smem:$0x3FAE]  }
0x2a: {  	p0 =	seq.s32 s5, $0x0;
	s5 =	sld [smem:$0x3FAF]  }
0x2b: {  	s6 =	sld [smem:$0x3FB0]  }
0x2c: {  	s7 =	sld [smem:$0x3FB1]  }
0x2d: {  	s3 =	simm.s32 $0x108;
	s8 =	sld [smem:$0x3FB2]  }
0x2e: {  	s3 =	simm.s32 @!p0 $0x1082;
	s9 =	sld [smem:$0x3FB3]  }
0x2f: {  	lr =	sadd.s32 s0, s3;
	s0 =	sld [smem:$0x3FAA]  }
0x30: {  	s3 =	sld [smem:$0x3FAD]  }
0x31: {  	[smem:$0x3FB6] =	sst s10  }
0x32: {  	s10 =	sld [smem:$0x3FB4];
	_ =	sdelay $0x3  }
0x33: {  	p0 =	seq.s32 s10, $0x1;
	s10 =	sld [smem:$0x3FB6];
	_ =	sdelay $0x3  }
0x34: {  	[smem:$0x3FB6] =	sst s10  }
0x35: {  	s10 =	sld [smem:$0x3FB5];
	_ =	sdelay $0x3  }
0x36: {  	p1 =	seq.s32 s10, $0x1;
	s10 =	sld [smem:$0x3FB6];
	_ =	sdelay $0x3  }
0x37: {  	[smem:$0x3FB6] =	sst s10  }
0x38: {  	s10 =	sld [smem:$0x3FB7]  }
0x39: {  	_ = 	snop;
	(pc) =	sbr.ind lr, $3  }
0x3a: {  	_ = 	snop  }
0x3b: {  	_ = 	snop  }
0x3c: {  	p2 =	seq.s32 s10, $0x1;
	s10 =	sld [smem:$0x3FB6]  }
0x3d: {  	_ =	shalt  }
0x3e: {  	_ =	shalt  }
0x3f: {  	_ =	shalt  }
0x40: {  	_ =	shalt  }
0x41: {  	_ =	shalt  }
0x42: {  	_ =	shalt  }
0x43: {  	_ =	shalt  }
0x44: {  	_ =	shalt  }
0x45: {  	_ =	shalt  }
0x46: {  	_ =	shalt  }
0x47: {  	_ =	shalt  }
0x48: {  	_ =	shalt  }
0x49: {  	_ =	shalt  }
0x4a: {  	_ =	shalt  }
0x4b: {  	_ =	shalt  }
0x4c: {  	_ =	shalt  }
0x4d: {  	_ =	shalt  }
0x4e: {  	_ =	shalt  }
0x4f: {  	_ =	shalt  }
0x50: {  	_ =	shalt  }
0x51: {  	_ =	shalt  }
0x52: {  	_ =	shalt  }
0x53: {  	_ =	shalt  }
0x54: {  	_ =	shalt  }
0x55: {  	_ =	shalt  }
0x56: {  	_ =	shalt  }
0x57: {  	_ =	shalt  }
0x58: {  	_ =	shalt  }
0x59: {  	_ =	shalt  }
0x5a: {  	_ =	shalt  }
0x5b: {  	_ =	shalt  }
0x5c: {  	_ =	shalt  }
0x5d: {  	_ =	shalt  }
0x5e: {  	_ =	shalt  }
0x5f: {  	_ =	shalt  }
0x60: {  	_ =	shalt  }
0x61: {  	_ =	shalt  }
0x62: {  	_ =	shalt  }
0x63: {  	_ =	shalt  }
0x64: {  	_ =	shalt  }
0x65: {  	_ =	shalt  }
0x66: {  	_ =	shalt  }
0x67: {  	_ =	shalt  }
0x68: {  	_ =	shalt  }
0x69: {  	_ =	shalt  }
0x6a: {  	_ =	shalt  }
0x6b: {  	_ =	shalt  }
0x6c: {  	_ =	shalt  }
0x6d: {  	_ =	shalt  }
0x6e: {  	_ =	shalt  }
0x6f: {  	_ =	shalt  }
0x70: {  	_ =	shalt  }
0x71: {  	_ =	shalt  }
0x72: {  	_ =	shalt  }
0x73: {  	_ =	shalt  }
0x74: {  	_ =	shalt  }
0x75: {  	_ =	shalt  }
0x76: {  	_ =	shalt  }
0x77: {  	_ =	shalt  }
0x78: {  	_ =	shalt  }
0x79: {  	_ =	shalt  }
0x7a: {  	_ =	shalt  }
0x7b: {  	_ =	shalt  }
0x7c: {  	_ =	shalt  }
0x7d: {  	_ =	shalt  }
0x7e: {  	_ =	shalt  }
0x7f: {  	_ =	shalt  }
0x80: {  	_ =	shalt  }
0x81: {  	_ =	shalt  }
0x82: {  	_ =	shalt  }
0x83: {  	_ =	shalt  }
0x84: {  	_ =	shalt  }
0x85: {  	_ =	shalt  }
0x86: {  	_ =	shalt  }
0x87: {  	_ =	shalt  }
.Lfunc_end0:
.L_simem_size_0:
called_computation_lowered:
.L_overlay_start_0:
0x88: {  	s2 =	sld [smem:$0x3FD9]  }
0x89: {  	s3 =	sld [smem:$0x3FFE];
	_ =	sdelay $0x1  }
0x8a: {  	s1 =	srdreg.scid  }
0x8b: {  	s0 =	sand.u32 $0x1, s1  }
0x8c: {  	s17 =	sshll.u32 s0, $0xA;
	s2 =	sadd.s32 s3, s2  }
0x8d: {  	s2 =	sadd.s32 s2, s17  }
0x8e: {  	[smem:$0x3FC2] =	sst s2  }
0x8f: {  	_ = 	snop  }
0x90: {  	s2 =	sld [smem:$0x3FD0];
	(tm) =	ssettm $0x1  }
0x91: {  	s18 =	sld [smem:$0x3FFB];
	_ =	sdelay $0x3  }
0x92: {  	_ =	strace s18  }
0x93: {  	s3 =	sld [smem:$0x3FFC];
	_ =	sdelay $0x3  }
0x94: {  	_ =	strace s3  }
0x95: {  	s3 =	sld [smem:$0x3FFD];
	_ =	sdelay $0x3  }
0x96: {  	_ =	strace s3  }
0x97: {  	_ =	strace $0x8FFFFFFF  }
0x98: {  	s19 =	sld [smem:$0x3FDB];
	_ =	sdelay $0x1  }
0x99: {  	s4 =	simm.s32 $_scs_section_size  }
0x9a: {  	s5 =	simm.s32 $_size__tile_overlayer_lowered;
	s6 =	simm.s32 $_tile_overlayer_lowered  }
0x9b: {  	s22 =	simm.s32 $0x1BFF;
	s21 =	sshll.u32 s6, $0x1;
	s3 =	sadd.s32 s4, s19  }
0x9c: {  	s7 =	simm.s32 $0x0;
	s20 =	sshll.u32 s5, $0x1;
	s5 =	sadd.s32 s21, s3  }
0x9d: {  	[timem:s7], [sflag:s22] =	dma.local [hbm:s5], s20  }
0x9e: {  	_ =	swait.ge [sflag:s22], s20  }
0x9f: {  	s4 =	ssub.s32 $0x0, s20;
	[sflag:s22] =	ssyncset.done $0x0  }
0xa0: {  	[sflag:s22] =	ssyncadd.s32 s4;
	_ =	sdelay $0x1  }
0xa1: {  	s23 =	simm.s32 $0x1B8B  }
0xa2: {  	_ =	swait.ge [sflag:s23], $0x1  }
0xa3: {  	[sflag:s23] =	ssyncset.done $0x0  }
0xa4: {  	s25 =	simm.s32 $0x1B8E;
	s24 =	sld [smem:$0x3FFE];
	[sflag:s23] =	ssyncadd.s32 $0xFFFFFFFF  }
0xa5: {  	s26 =	simm.s32 $execute0_lowered;
	[smem:$0x3FD2] =	sst s25  }
0xa6: {  	s5 =	sshll.u32 s26, $0x1;
	_ =	strace $0x80000046;
	[dreg:$0x1] =	wrdreg $0xFFFFFFFF  }
0xa7: {  	s28 =	simm.s32 $_size_execute0_lowered;
	s3 =	sadd.s32 s3, s5;
	[dreg:$0x0] =	wrdreg $0x0  }
0xa8: {  	s5 =	sshll.u32 s28, $0x1;
	[dreg:$0x2] =	wrdreg s3  }
0xa9: {  	[dreg:$0x3] =	wrdreg s5  }
0xaa: {  	[dreg:$0x4] =	wrdreg $0xC0  }
0xab: {  	_ =	task [dreg:s7], $0x5FFFF  }
0xac: {  	[dreg:$0x1] =	wrdreg $0xFFFFFFFF  }
0xad: {  	[dreg:$0x0] =	wrdreg $0x60  }
0xae: {  	[dreg:$0x2] =	wrdreg s24  }
0xaf: {  	[dreg:$0x3] =	wrdreg s2  }
0xb0: {  	[dreg:$0x4] =	wrdreg $0x28800  }
0xb1: {  	[dreg:$0x5] =	wrdreg $0x9  }
0xb2: {  	_ =	task.clear_ibuf [dreg:s7], $0x6FFFF;
	_ =	strace $0x90000046  }
0xb3: {  	s29 =	simm.s32 $0x9;
	_ =	strace $0x80000048  }
0xb4: {  	_ =	swait.ge [sflag:s29], $0x1  }
0xb5: {  	[sflag:s29] =	ssyncadd.s32 $0xFFFFFFFF  }
0xb6: {  	_ =	strace $0x90000048  }
0xb7: {  	_ =	sfence  }
0xb8: {  	s30 =	sld [smem:$0x0];
	_ =	sdelay $0x2  }
0xb9: {  	s31 =	sshll.u32 s1, $0xD;
	s1 =	sshrl.u32 s1, $0x2  }
0xba: {  	s3 =	sand.u32 $0x4000, s31;
	s1 =	sadd.s32 s1, s30  }
0xbb: {  	s0 =	sor.u32 s3, s0;
	s1 =	sshll.u32 s1, $0x11  }
0xbc: {  	s0 =	sor.u32 s1, s0  }
0xbd: {  	s0 =	sadd.s32 $0x8F2B, s0  }
0xbe: {  	[sflag:s0] =	ssyncadd.remote.s32 $0x1  }
0xbf: {  	_ =	sfence.sel $0xFFFF  }
0xc0: {  	[dreg:$0x0] =	wrdreg $0xFFFFFFFF;
	(pc) =	sbr.abs _section_cstart, $3  }
0xc1: {  	[dreg:$0x1] =	wrdreg $0xFFFFFFFF  }
0xc2: {  	_ =	task.clear_ibuf [dreg:s7], $0x2FFFF;
	_ =	strace $0x9FFFFFFF  }
0xc3: {  	(tm) =	ssettm $0x7FFFFFFF  }
tec
execute0_lowered:
.L_overlay_start_1:
0x0: {  	(tag) =	ssettag $0x1  }
0x1: {  	s4 =	rddreg [dreg:$0x0]  }
0x2: {  	s7 =	rddreg [dreg:$0x1]  }
0x3: {  	s2 =	rddreg [dreg:$0x2]  }
0x4: {  	s0 =	srdreg.scid;
	s1 =	rddreg [dreg:$0x3];
	s3 =	simm.s32 $0x0  }
0x5: {  	s14 =	simm.s32 $0x10;
	s15 =	simm.s32 $0x0;
	s5 =	sand.u32 $0x1, s0  }
0x6: {  	s0 =	stileid.u32;
	[smem:$0x7FF] =	sst s3;
	s8 =	sshll.u32 s5, $0x4  }
0x7: {  	s9 =	smul.u32 $0x280, s0;
	_ =	strace $0x80000047;
	s5 =	ssub.s32 $0x2, s5  }
0x8: {  	s31 =	sshll.u32 s0, $0x6;
	s13 =	smul.u32 $0xA0, s0;
	s6 =	sor.u32 s0, s8  }
0x9: {  	s11 =	sshrl.u32 s5, $0x1;
	s12 =	sadd.s32 s7, s8;
	s6 =	smul.u32 $0x500, s6  }
0xa: {  	s10 =	sshrl.u32 s9, $0x3;
	s30 =	ssub.s32 s5, s11;
	s9 =	sadd.s32 s9, s2  }
0xb: {  	s5 =	sor.u32 $0x1C01, s31;
	s11 =	simm.s32 $0x2800;
	s12 =	sadd.s32 s13, s12  }
0xc: {  	s13 =	simm.s32 $0x20;
	s7 =	smax.u32 s30, $0x1;
	s8 =	sshrl.u32 s9, $0x3  }
0xd: {  	s9 =	simm.s32 $0x1;
	s6 =	sadd.s32 s6, s4;
	s4 =	sadd.s32 s10, s4  }
0xe: {  	v0 =	vimm.f32 $1.000000000e+00;
	s10 =	simm.s32 $0x80;
	s4 =	sadd.s32 $0x16800, s4;
	s6 =	sadd.s32 $0x2800, s6  }
.LBB2_1:
0xf: {  	[spmem:s8], [sflag:s5] =	dma.local [hbm:s4], $0x50  }
0x10: {  	_ =	swait.ge [sflag:s9], $0x50  }
0x11: {  	[sflag:s9] =	ssyncset.done $0x0  }
0x12: {  	[sflag:s9] =	ssyncadd.s32 $0xFFFFFFB0  }
0x13: {  	[tilespmem:s3], [sflag:$0x1] =	stream.linear.gather [hbm4b:s6+s3], $0x2800, $0x38;
	[tilespmem:$0x2B00] =	vst v63  }
0x14: {  	_ =	swait.ge [sflag:s9], $0x2800  }
0x15: {  	[sflag:s9] =	ssyncset.done $0x0  }
0x16: {  	[sflag:s9] =	ssyncadd.s32 $0xFFFFD800  }
0x17: {  	[tilespmem:$0x2800] =	vst v0  }
0x18: {  	[tilespmem:$0x2810] =	vst v0  }
0x19: {  	[tilespmem:$0x2820] =	vst v0  }
0x1a: {  	[tilespmem:$0x2830] =	vst v0  }
0x1b: {  	[tilespmem:$0x2840] =	vst v0  }
0x1c: {  	[tilespmem:$0x2850] =	vst v0  }
0x1d: {  	[tilespmem:$0x2860] =	vst v0  }
0x1e: {  	[tilespmem:$0x2870] =	vst v0  }
0x1f: {  	s16 =	simm.s32 $0x0;
	[bflag:$0x0] =	sbarrier.arrive $0xFFFF  }
0x20: {  	[spmem:s2] =	stream.indirect.scatter.add.f32 [tilespmem:s11], [sflag:$0x1], $0x1, s16, s10, $0xb8;
	[tilespmem:$0x2B00] =	vst v63  }
0x21: {  	_ =	swait.ge [sflag:s9], $0x80  }
0x22: {  	s16 =	simm.s32 $0x200;
	[sflag:s9] =	ssyncset.done $0x0  }
.LBB2_2:
0x23: {  	s17 =	sshra.s32 s16, $0x2;
	[sflag:s9] =	ssyncadd.s32 $0xFFFFFF80;
	p0 =	sne.s32 s16, $0x9E00  }
0x24: {  	[spmem:s2] =	stream.indirect.scatter.add.f32 [tilespmem:s11], [sflag:$0x1], $0x1, s17, s10, $0xb8;
	[tilespmem:$0x2B00] =	vst v63  }
.Ltmp0:
0x25: {  	_ = 	snop;
	(pc) =	sbr.rel @p0 .LBB2_2-.Ltmp0, $4  }
0x26: {  	_ = 	snop  }
0x27: {  	s16 =	sadd.s32 $0x200, s16  }
0x28: {  	_ =	swait.ge [sflag:s9], $0x80  }
0x29: {  	[sflag:s9] =	ssyncset.done $0x0  }
0x2a: {  	s15 =	sadd.s32 $0x1, s15  }
0x2b: {  	[sflag:s9] =	ssyncadd.s32 $0xFFFFFF80;
	p0 =	sne.s32 s15, s7  }
.Ltmp1:
0x2c: {  	[bflag:$0x0] =	sbarrier.arrive $0xFFFF;
	(pc) =	sbr.rel @p0 .LBB2_1-.Ltmp1, $4  }
0x2d: {  	[hbm:s12@s13], [sflag:s5] =	dma.strided [spmem:s8@s14], $0x50, s9, $0x10   }
0x2e: {  	_ =	swait.ge [sflag:s9], $0x50  }
0x2f: {  	[sflag:s9] =	ssyncset.done $0x0  }
0x30: {  	[sflag:s9] =	ssyncadd.s32 $0xFFFFFFB0  }
0x31: {  	_ =	sfence.sel $0x180000  }
0x32: {  	[bflag:$0x0] =	sbarrier.arrive $0xFFFF  }
0x33: {  	p0 =	sne.s32 s0, $0x0;
	_ =	strace $0x90000047  }
0x34: {  	s0 =	sadd.s32 @!p0 $0x100000, s1;
	[bflag:$0x2] =	sbarrier.arrive $0xFFFF  }
0x35: {  	[sflag:s0] =	ssyncadd.tile.s32 @!p0 $0x1;
	_ =	shalt  }
.Lfunc_end2:
_tile_overlayer_lowered:
.L_overlay_start_2:
0x36: {  	(tag) =	ssettag $0x2  }
0x37: {  	s0 =	rddreg [dreg:$0x0];
	s2 =	stileid.u32  }
0x38: {  	s1 =	rddreg [dreg:$0x1];
	p0 =	sne.s32 s2, $0x0  }
0x39: {  	s3 =	rddreg [dreg:$0x2];
	[bflag:$0x3] =	sbarrier.arrive $0xFFFF;
	s2 =	simm.s32 @!p0 $0x1C01  }
0x3a: {  	[timem:s3], [sflag:s2] =	dma.local @!p0 [hbm:s0], s1  }
0x3b: {  	s0 =	simm.s32 @!p0 $0x1  }
0x3c: {  	_ =	swait.ge @!p0 [sflag:s0], s1  }
0x3d: {  	s1 =	ssub.s32 @!p0 $0x0, s1;
	[sflag:s0] =	ssyncset.done @!p0 $0x0  }
0x3e: {  	[sflag:s0] =	ssyncadd.s32 @!p0 s1  }
0x3f: {  	[bflag:$0x3] =	sbarrier.arrive $0xFFFF  }
0x40: {  	_ =	shalt  }

</sc_bundles>
